<compile_context>
chip_gen: v7x
topology: tpu7x:2x2x1
jax: 0.10.2.dev20260603
libtpu: 0.0.44.dev20260713+nightly
codegen_flags: <defaults>
</compile_context>

<pallas_src>
import jax
import jax.numpy as jnp
from jax import lax
from jax.experimental import pallas as pl
from jax.experimental.pallas import tpu as pltpu
from jax.experimental.pallas import tpu_sc as plsc

N_USERS = 25000
N_PRODUCTS = 25000
N_NODES = 50000
N_EDGES = 800000
D_NODE = 128
D_EDGE = 16
OUT_NODE = 64
HEADS = 4
HEAD_DIM = OUT_NODE // HEADS

NODE_BLK = 1000
EDGE_BLK = 8000

SC_CORES = 2
SC_TILES = 16
EB = 128
NBLK = N_EDGES // EB
ACC_ROWS = 25088
ACC_BLKS = ACC_ROWS // EB
ROW_W = 48
TBL_W = 32


def _dot_t(x, w):
    return jax.lax.dot_general(x, w, (((1,), (1,)), ((), ())),
                               preferred_element_type=jnp.float32)


def _ln_relu(h, g, beta):
    m = jnp.mean(h, axis=-1, keepdims=True)
    v = jnp.mean((h - m) ** 2, axis=-1, keepdims=True)
    h = (h - m) * jax.lax.rsqrt(v + 1e-5) * g + beta
    return jnp.maximum(h, 0.0)


def _split_heads(x_ref, x):
    x_ref[0] = x[:, :TBL_W]
    x_ref[1] = x[:, TBL_W:]


def _user_body(x_ref, w1, b1, g, beta, w2, b2, wq, bq, wk, bk, wv, bv, ws, bs,
               q_ref, k_ref, v_ref, skip_ref):
    x = x_ref[...]
    h = _ln_relu(_dot_t(x, w1[...]) + b1[...], g[...], beta[...])
    emb = _dot_t(h, w2[...]) + b2[...]
    _split_heads(q_ref, (_dot_t(emb, wq[...]) + bq[...]) * 0.25)
    _split_heads(k_ref, _dot_t(emb, wk[...]) + bk[...])
    _split_heads(v_ref, _dot_t(emb, wv[...]) + bv[...])
    skip_ref[...] = _dot_t(emb, ws[...]) + bs[...]


def _product_body(xi_ref, xn_ref,
                  iw1, ib1, ig, ibeta, iw2, ib2,
                  nw1, nb1, ng, nbeta, nw2, nb2,
                  pw, pb, wk, bk, wv, bv,
                  pemb_ref, k_ref, v_ref):
    hi = _ln_relu(_dot_t(xi_ref[...], iw1[...]) + ib1[...], ig[...], ibeta[...])
    info = _dot_t(hi, iw2[...]) + ib2[...]
    hn = _ln_relu(_dot_t(xn_ref[...], nw1[...]) + nb1[...], ng[...], nbeta[...])
    name = _dot_t(hn, nw2[...]) + nb2[...]
    cat = jnp.concatenate([name, info], axis=-1)
    pemb = _dot_t(cat, pw[...]) + pb[...]
    pemb_ref[...] = pemb
    _split_heads(k_ref, _dot_t(pemb, wk[...]) + bk[...])
    _split_heads(v_ref, _dot_t(pemb, wv[...]) + bv[...])


def _edge_body(x_ref, src_ref, off_ref, w1, b1, g, beta, w2, b2, we,
               e_ref, srcs_ref):
    h = _ln_relu(_dot_t(x_ref[...], w1[...]) + b1[...], g[...], beta[...])
    w2e = jax.lax.dot_general(we[...], w2[...], (((1,), (0,)), ((), ())),
                              preferred_element_type=jnp.float32)
    b2e = jax.lax.dot_general(we[...], b2[...], (((1,), (0,)), ((), ())),
                              preferred_element_type=jnp.float32)
    ew = _dot_t(h, w2e) + b2e
    for ci in range(2):
        x4 = ew[:, ci * TBL_W:(ci + 1) * TBL_W].reshape(EDGE_BLK // 4, 4, TBL_W)
        e_ref[ci] = jnp.concatenate([x4[:, 0], x4[:, 1], x4[:, 2], x4[:, 3]],
                                    axis=-1)
    srcs_ref[...] = src_ref[...] + off_ref[0, 0]


def _max_body(dst_ref, out_ref):
    out_ref[...] = jnp.full((8, 128), jnp.max(dst_ref[...]), jnp.int32)


def _combine_body(t0_ref, t1_ref, skip_ref, out_ref):
    pieces = []
    for t_ref in (t0_ref, t1_ref):
        t = t_ref[...]
        for j in range(2):
            d = t[:, 2 * HEAD_DIM + j:2 * HEAD_DIM + j + 1]
            pieces.append(t[:, j * HEAD_DIM:(j + 1) * HEAD_DIM] / (d + 1e-16))
    out_ref[...] = jnp.concatenate(pieces, axis=-1) + skip_ref[...]


def _rep(shape):
    return pl.BlockSpec(shape, lambda i: (0,) * len(shape))


NT = (NBLK + SC_TILES - 1) // SC_TILES
NU = (NT + 1) // 2
EB4 = EB // 4


def _sc_body(q_hbm, k_hbm, v_hbm, e_hbm, src_hbm, dst_hbm, out_hbm,
             didx0, didx20, sidx0, q0, k0, v0, e0,
             didx1, didx21, sidx1, q1, k1, v1, e1,
             cbuf, zbuf, acc,
             sq0, sk0, sv0, se0, sq1, sk1, sv1, se1):
    c = lax.axis_index("c")
    s = lax.axis_index("s")

    def _zero_row(i, _):
        for j in range(ROW_W // 16):
            zbuf[i, pl.ds(j * 16, 16)] = jnp.zeros((16,), jnp.float32)
        return 0
    lax.fori_loop(0, EB, _zero_row, 0)

    def _zero_blk(t, _):
        blk = s + SC_TILES * t
        @pl.when(blk < ACC_BLKS)
        def _():
            pltpu.sync_copy(zbuf, acc.at[pl.ds(blk * EB, EB)])
        return 0
    lax.fori_loop(0, (ACC_BLKS + SC_TILES - 1) // SC_TILES, _zero_blk, 0)
    plsc.subcore_barrier()

    qoff = c * N_USERS
    soff = c * N_NODES
    eoff4 = c * (N_EDGES // 4)

    bufs = ((didx0, didx20, sidx0, q0, k0, v0, e0, sq0, sk0, sv0, se0),
            (didx1, didx21, sidx1, q1, k1, v1, e1, sq1, sk1, sv1, se1))

    def _fire(p, t):
        di, di2, si, qr, kr, vr, er, q_s, k_s, v_s, e_s = bufs[p]
        b = s + SC_TILES * t
        @pl.when(b < NBLK)
        def _():
            base = b * EB
            pltpu.sync_copy(dst_hbm.at[pl.ds(base, EB)], di)
            pltpu.sync_copy(src_hbm.at[pl.ds(base, EB)], si)
            for j in range(EB // 16):
                sl = pl.ds(j * 16, 16)
                di2[sl] = di[sl] + qoff
                si[sl] = si[sl] + soff
            pltpu.async_copy(q_hbm.at[di2], qr, q_s)
            pltpu.async_copy(k_hbm.at[si], kr, k_s)
            pltpu.async_copy(v_hbm.at[si], vr, v_s)
            pltpu.async_copy(e_hbm.at[pl.ds(eoff4 + b * EB4, EB4)], er, e_s)

    dnums = lax.GatherDimensionNumbers(
        offset_dims=(), collapsed_slice_dims=(0,), start_index_map=(0,))

    def _bcast_last(x):
        c15 = jnp.full((16, 1), 15, jnp.int32)
        return lax.gather(x, c15, dnums, (1,),
                          mode=lax.GatherScatterMode.PROMISE_IN_BOUNDS)

    def _consume(p, t):
        di, di2, si, qr, kr, vr, er, q_s, k_s, v_s, e_s = bufs[p]
        b = s + SC_TILES * t
        @pl.when(b < NBLK)
        def _():
            pltpu.make_async_copy(q_hbm.at[di2], qr, q_s).wait()
            pltpu.make_async_copy(k_hbm.at[si], kr, k_s).wait()
            pltpu.make_async_copy(v_hbm.at[si], vr, v_s).wait()
            pltpu.make_async_copy(e_hbm.at[pl.ds(0, EB4)], er, e_s).wait()

            @plsc.parallel_loop(0, EB, unroll=4)
            def _edge(i):
                iotl = lax.iota(jnp.int32, 16)
                r = i // 4
                sub = (i - 4 * r) * TBL_W
                avec = jnp.zeros((16,), jnp.float32)
                for h in range(2):
                    sl = pl.ds(h * HEAD_DIM, HEAD_DIM)
                    ev = er[r, pl.ds(sub + h * HEAD_DIM, HEAD_DIM)]
                    prod = qr[i, sl] * (kr[i, sl] + ev)
                    af = _bcast_last(jnp.cumsum(prod))
                    avec = jnp.where(iotl == h, af, avec)
                    wsp = jnp.exp(af)
                    cbuf[i, sl] = (vr[i, sl] + ev) * wsp
                cbuf[i, pl.ds(2 * HEAD_DIM, 16)] = jnp.exp(avec)
            pltpu.sync_copy(cbuf, acc.at[di], add=True)

    _fire(0, 0)

    def _step(u, _):
        _fire(1, 2 * u + 1)
        _consume(0, 2 * u)
        _fire(0, 2 * u + 2)
        _consume(1, 2 * u + 1)
        return 0
    lax.fori_loop(0, NU, _step, 0)

    plsc.subcore_barrier()

    def _drain_blk(t, _):
        blk = s + SC_TILES * t
        @pl.when(blk < ACC_BLKS)
        def _():
            pltpu.sync_copy(acc.at[pl.ds(blk * EB, EB)],
                            out_hbm.at[c, pl.ds(blk * EB, EB)])
        return 0
    lax.fori_loop(0, (ACC_BLKS + SC_TILES - 1) // SC_TILES, _drain_blk, 0)


def _sc_message_passing(q2, k2, v2, e2, src_shift, dst):
    f32 = jnp.float32
    i32 = jnp.int32
    mesh = plsc.VectorSubcoreMesh(core_axis_name="c", subcore_axis_name="s",
                                  num_cores=SC_CORES, num_subcores=SC_TILES)
    bufset = [pltpu.VMEM((EB,), i32), pltpu.VMEM((EB,), i32),
              pltpu.VMEM((EB,), i32),
              pltpu.VMEM((EB, TBL_W), f32), pltpu.VMEM((EB, TBL_W), f32),
              pltpu.VMEM((EB, TBL_W), f32), pltpu.VMEM((EB4, 128), f32)]
    run = pl.kernel(
        _sc_body,
        out_type=jax.ShapeDtypeStruct((SC_CORES, ACC_ROWS, ROW_W), f32),
        mesh=mesh,
        scratch_types=bufset + bufset + [
            pltpu.VMEM((EB, ROW_W), f32),
            pltpu.VMEM((EB, ROW_W), f32),
            pltpu.VMEM_SHARED((ACC_ROWS, ROW_W), f32),
        ] + [pltpu.SemaphoreType.DMA] * 8,
        compiler_params=pltpu.CompilerParams(use_tc_tiling_on_sc=False,
                                             needs_layout_passes=False),
    )
    return run(q2, k2, v2, e2, src_shift, dst)


def kernel(prods_only, user_features, product_info_features, product_name_features,
           edge_index, edge_attr,
           uW1, ub1, ug, ubeta, uW2, ub2,
           nW1, nb1, ng, nbeta, nW2, nb2,
           iW1, ib1, ig, ibeta, iW2, ib2,
           eW1, eb1, eg, ebeta, eW2, eb2,
           pW, pb, Wq, bq, Wk, bk, Wv, bv, We, Wskip, bskip):
    f32 = jnp.float32
    nb = N_USERS // NODE_BLK

    def _heads_out():
        return pl.BlockSpec((SC_CORES, NODE_BLK, TBL_W), lambda i: (0, i, 0))

    q2u, k2u, v2u, skip_u = pl.pallas_call(
        _user_body,
        grid=(nb,),
        in_specs=[pl.BlockSpec((NODE_BLK, D_NODE), lambda i: (i, 0)),
                  _rep(uW1.shape), _rep(ub1.shape), _rep(ug.shape), _rep(ubeta.shape),
                  _rep(uW2.shape), _rep(ub2.shape),
                  _rep(Wq.shape), _rep(bq.shape), _rep(Wk.shape), _rep(bk.shape),
                  _rep(Wv.shape), _rep(bv.shape), _rep(Wskip.shape), _rep(bskip.shape)],
        out_specs=[_heads_out(), _heads_out(), _heads_out(),
                   pl.BlockSpec((NODE_BLK, OUT_NODE), lambda i: (i, 0))],
        out_shape=[jax.ShapeDtypeStruct((SC_CORES, N_USERS, TBL_W), f32)] * 3
                  + [jax.ShapeDtypeStruct((N_USERS, OUT_NODE), f32)],
    )(user_features, uW1, ub1, ug, ubeta, uW2, ub2,
      Wq, bq, Wk, bk, Wv, bv, Wskip, bskip)

    product_emb, k2p, v2p = pl.pallas_call(
        _product_body,
        grid=(nb,),
        in_specs=[pl.BlockSpec((NODE_BLK, D_NODE), lambda i: (i, 0)),
                  pl.BlockSpec((NODE_BLK, D_NODE), lambda i: (i, 0)),
                  _rep(iW1.shape), _rep(ib1.shape), _rep(ig.shape), _rep(ibeta.shape),
                  _rep(iW2.shape), _rep(ib2.shape),
                  _rep(nW1.shape), _rep(nb1.shape), _rep(ng.shape), _rep(nbeta.shape),
                  _rep(nW2.shape), _rep(nb2.shape),
                  _rep(pW.shape), _rep(pb.shape),
                  _rep(Wk.shape), _rep(bk.shape), _rep(Wv.shape), _rep(bv.shape)],
        out_specs=[pl.BlockSpec((NODE_BLK, OUT_NODE), lambda i: (i, 0)),
                   _heads_out(), _heads_out()],
        out_shape=[jax.ShapeDtypeStruct((N_PRODUCTS, OUT_NODE), f32)]
                  + [jax.ShapeDtypeStruct((SC_CORES, N_PRODUCTS, TBL_W), f32)] * 2,
    )(product_info_features, product_name_features,
      iW1, ib1, ig, ibeta, iW2, ib2,
      nW1, nb1, ng, nbeta, nW2, nb2,
      pW, pb, Wk, bk, Wv, bv)

    dst = edge_index[1]
    maxdst = pl.pallas_call(
        _max_body,
        in_specs=[pl.BlockSpec((800, 1000), lambda: (0, 0))],
        out_specs=pl.BlockSpec((8, 128), lambda: (0, 0)),
        out_shape=jax.ShapeDtypeStruct((8, 128), jnp.int32),
    )(dst.reshape(800, 1000))
    off_blk = maxdst + 1 + jnp.asarray(prods_only, jnp.int32)

    neb = N_EDGES // EDGE_BLK
    e2, src_shift3 = pl.pallas_call(
        _edge_body,
        grid=(neb,),
        in_specs=[pl.BlockSpec((EDGE_BLK, D_EDGE), lambda i: (i, 0)),
                  pl.BlockSpec((1, 1, EDGE_BLK), lambda i: (i, 0, 0)),
                  pl.BlockSpec((8, 128), lambda i: (0, 0)),
                  _rep(eW1.shape), _rep(eb1.shape), _rep(eg.shape), _rep(ebeta.shape),
                  _rep(eW2.shape), _rep(eb2.shape), _rep(We.shape)],
        out_specs=[pl.BlockSpec((SC_CORES, EDGE_BLK // 4, 128), lambda i: (0, i, 0)),
                   pl.BlockSpec((1, 1, EDGE_BLK), lambda i: (i, 0, 0))],
        out_shape=[jax.ShapeDtypeStruct((SC_CORES, N_EDGES // 4, 128), f32),
                   jax.ShapeDtypeStruct((neb, 1, EDGE_BLK), jnp.int32)],
    )(edge_attr, edge_index[0].reshape(neb, 1, EDGE_BLK), off_blk,
      eW1, eb1, eg, ebeta, eW2, eb2, We)

    k_flat = jnp.concatenate([k2u, k2p], axis=1).reshape(SC_CORES * N_NODES, TBL_W)
    v_flat = jnp.concatenate([v2u, v2p], axis=1).reshape(SC_CORES * N_NODES, TBL_W)
    q_flat = q2u.reshape(SC_CORES * N_USERS, TBL_W)
    e_flat = e2.reshape(SC_CORES * N_EDGES // 4, 128)

    out_sc = _sc_message_passing(q_flat, k_flat, v_flat, e_flat,
                                 src_shift3.reshape(N_EDGES), dst)

    out_u = pl.pallas_call(
        _combine_body,
        grid=(nb,),
        in_specs=[pl.BlockSpec((NODE_BLK, ROW_W), lambda i: (i, 0)),
                  pl.BlockSpec((NODE_BLK, ROW_W), lambda i: (i, 0)),
                  pl.BlockSpec((NODE_BLK, OUT_NODE), lambda i: (i, 0))],
        out_specs=pl.BlockSpec((NODE_BLK, OUT_NODE), lambda i: (i, 0)),
        out_shape=jax.ShapeDtypeStruct((N_USERS, OUT_NODE), f32),
    )(out_sc[0, :N_USERS], out_sc[1, :N_USERS], skip_u)

    return (out_u, product_emb)

# --- scband reference (transcript-rebuilt; emitter-appended) ---
"""Pipeline reference for scband-graph-model-41094247088474 (READ-ONLY COPY).

The authoritative reference and input builder live on the scoring server;
editing this copy changes nothing except your own understanding.
"""

import jax, jax.numpy as jnp
import numpy as np

N_USERS = 25000
N_PRODUCTS = 25000
N_EDGES = 800000
D_NODE = 128
D_EDGE = 16
OUT_NODE = 64
OUT_EDGE = 64
HEADS = 4
HEAD_DIM = OUT_NODE // HEADS


def _ln(x, g, b):
    m = jnp.mean(x, axis=-1, keepdims=True)
    v = jnp.mean((x - m) ** 2, axis=-1, keepdims=True)
    return (x - m) / jnp.sqrt(v + 1e-5) * g + b


def _mlp(x, W1, b1, g, beta, W2, b2):
    h = x @ W1.T + b1
    h = _ln(h, g, beta)
    h = jax.nn.relu(h)
    return h @ W2.T + b2


def setup_inputs(seed: int = 0):
    key = jax.random.key(seed)
    ks = jax.random.split(key, 32)

    def rn(i, shape):
        return jax.random.normal(ks[i], shape, dtype=jnp.float32) * 0.05

    inp = {}
    inp['prods_only'] = 0
    inp['user_features'] = jax.random.normal(ks[0], (N_USERS, D_NODE), dtype=jnp.float32)
    inp['product_info_features'] = jax.random.normal(ks[1], (N_PRODUCTS, D_NODE), dtype=jnp.float32)
    inp['product_name_features'] = jax.random.normal(ks[2], (N_PRODUCTS, D_NODE), dtype=jnp.float32)
    inp['edge_index'] = jax.random.randint(ks[3], (2, N_EDGES), 0, N_USERS, dtype=jnp.int32)
    inp['edge_attr'] = jax.random.normal(ks[4], (N_EDGES, D_EDGE), dtype=jnp.float32)
    hn = 2 * D_NODE
    for pref, i0 in (('u', 5), ('n', 7), ('i', 9)):
        inp[pref + 'W1'] = rn(i0, (hn, D_NODE))
        inp[pref + 'b1'] = jnp.zeros((hn,), jnp.float32)
        inp[pref + 'g'] = jnp.ones((hn,), jnp.float32)
        inp[pref + 'beta'] = jnp.zeros((hn,), jnp.float32)
        inp[pref + 'W2'] = rn(i0 + 1, (OUT_NODE, hn))
        inp[pref + 'b2'] = jnp.zeros((OUT_NODE,), jnp.float32)
    he = 2 * D_EDGE
    inp['eW1'] = rn(11, (he, D_EDGE))
    inp['eb1'] = jnp.zeros((he,), jnp.float32)
    inp['eg'] = jnp.ones((he,), jnp.float32)
    inp['ebeta'] = jnp.zeros((he,), jnp.float32)
    inp['eW2'] = rn(12, (OUT_EDGE, he))
    inp['eb2'] = jnp.zeros((OUT_EDGE,), jnp.float32)
    inp['pW'] = rn(13, (OUT_NODE, 2 * OUT_NODE))
    inp['pb'] = jnp.zeros((OUT_NODE,), jnp.float32)
    inp['Wq'] = rn(14, (OUT_NODE, OUT_NODE))
    inp['bq'] = jnp.zeros((OUT_NODE,), jnp.float32)
    inp['Wk'] = rn(15, (OUT_NODE, OUT_NODE))
    inp['bk'] = jnp.zeros((OUT_NODE,), jnp.float32)
    inp['Wv'] = rn(16, (OUT_NODE, OUT_NODE))
    inp['bv'] = jnp.zeros((OUT_NODE,), jnp.float32)
    inp['We'] = rn(17, (OUT_NODE, OUT_EDGE))
    inp['Wskip'] = rn(18, (OUT_NODE, OUT_NODE))
    inp['bskip'] = jnp.zeros((OUT_NODE,), jnp.float32)
    return inp


def reference(prods_only, user_features, product_info_features, product_name_features,
              edge_index, edge_attr,
              uW1, ub1, ug, ubeta, uW2, ub2,
              nW1, nb1, ng, nbeta, nW2, nb2,
              iW1, ib1, ig, ibeta, iW2, ib2,
              eW1, eb1, eg, ebeta, eW2, eb2,
              pW, pb, Wq, bq, Wk, bk, Wv, bv, We, Wskip, bskip):
    offset = jnp.max(edge_index[1]) + 1 + jnp.asarray(prods_only, dtype=jnp.int32)
    src = edge_index[0] + offset
    dst = edge_index[1]
    user_emb = _mlp(user_features, uW1, ub1, ug, ubeta, uW2, ub2)
    user_size = user_emb.shape[0]
    info_emb = _mlp(product_info_features, iW1, ib1, ig, ibeta, iW2, ib2)
    name_emb = _mlp(product_name_features, nW1, nb1, ng, nbeta, nW2, nb2)
    product_cat = jnp.concatenate([name_emb, info_emb], axis=-1)
    product_emb = product_cat @ pW.T + pb
    full = jnp.concatenate([user_emb, product_emb], axis=0)
    edge_embs = _mlp(edge_attr, eW1, eb1, eg, ebeta, eW2, eb2)
    N = full.shape[0]
    E = src.shape[0]
    q = (full @ Wq.T + bq).reshape(N, HEADS, HEAD_DIM)
    k = (full @ Wk.T + bk).reshape(N, HEADS, HEAD_DIM)
    v = (full @ Wv.T + bv).reshape(N, HEADS, HEAD_DIM)
    e = (edge_embs @ We.T).reshape(E, HEADS, HEAD_DIM)
    q_i = q[dst]
    k_j = k[src] + e
    alpha = jnp.sum(q_i * k_j, axis=-1) / jnp.sqrt(float(HEAD_DIM))
    amax = jax.ops.segment_max(alpha, dst, num_segments=N)
    amax = jnp.where(jnp.isfinite(amax), amax, 0.0)
    ex = jnp.exp(alpha - amax[dst])
    denom = jax.ops.segment_sum(ex, dst, num_segments=N)
    alpha = ex / (denom[dst] + 1e-16)
    msg = (v[src] + e) * alpha[:, :, None]
    out = jax.ops.segment_sum(msg.reshape(E, HEADS * HEAD_DIM), dst, num_segments=N)
    out = out + full @ Wskip.T + bskip
    return (out[:user_size], product_emb)

if __name__ == "__main__":
    import jax
    _d = setup_inputs()
    print(jax.jit(kernel)(*tuple(_d.values())))

</pallas_src>

<mosaic_0001>
#map = affine_map<(d0, d1) -> (0, 0)>
#map1 = affine_map<(d0, d1) -> (0)>
#map2 = affine_map<(d0, d1) -> (0, 0, 0)>
module attributes {stable_mosaic.version = 14 : i64} {
  func.func @_sc_body(%arg0: i32, %arg1: i32, %arg2: memref<50000x32xf32, #tpu.memory_space<hbm>>, %arg3: memref<100000x32xf32, #tpu.memory_space<hbm>>, %arg4: memref<100000x32xf32, #tpu.memory_space<hbm>>, %arg5: memref<400000x128xf32, #tpu.memory_space<hbm>>, %arg6: memref<800000xi32, #tpu.memory_space<hbm>>, %arg7: memref<800000xi32, #tpu.memory_space<hbm>>, %arg8: memref<2x25088x48xf32, #tpu.memory_space<hbm>>, %arg9: memref<128xi32, #tpu.memory_space<vmem>>, %arg10: memref<128xi32, #tpu.memory_space<vmem>>, %arg11: memref<128xi32, #tpu.memory_space<vmem>>, %arg12: memref<128x32xf32, #tpu.memory_space<vmem>>, %arg13: memref<128x32xf32, #tpu.memory_space<vmem>>, %arg14: memref<128x32xf32, #tpu.memory_space<vmem>>, %arg15: memref<32x128xf32, #tpu.memory_space<vmem>>, %arg16: memref<128xi32, #tpu.memory_space<vmem>>, %arg17: memref<128xi32, #tpu.memory_space<vmem>>, %arg18: memref<128xi32, #tpu.memory_space<vmem>>, %arg19: memref<128x32xf32, #tpu.memory_space<vmem>>, %arg20: memref<128x32xf32, #tpu.memory_space<vmem>>, %arg21: memref<128x32xf32, #tpu.memory_space<vmem>>, %arg22: memref<32x128xf32, #tpu.memory_space<vmem>>, %arg23: memref<128x48xf32, #tpu.memory_space<vmem>>, %arg24: memref<128x48xf32, #tpu.memory_space<vmem>>, %arg25: memref<25088x48xf32, #tpu.memory_space<vmem_shared>>, %arg26: memref<!tpu.dma_semaphore, #tpu.memory_space<semaphore_mem>>, %arg27: memref<!tpu.dma_semaphore, #tpu.memory_space<semaphore_mem>>, %arg28: memref<!tpu.dma_semaphore, #tpu.memory_space<semaphore_mem>>, %arg29: memref<!tpu.dma_semaphore, #tpu.memory_space<semaphore_mem>>, %arg30: memref<!tpu.dma_semaphore, #tpu.memory_space<semaphore_mem>>, %arg31: memref<!tpu.dma_semaphore, #tpu.memory_space<semaphore_mem>>, %arg32: memref<!tpu.dma_semaphore, #tpu.memory_space<semaphore_mem>>, %arg33: memref<!tpu.dma_semaphore, #tpu.memory_space<semaphore_mem>>) attributes {dimension_semantics = [#tpu.dimension_semantics<core_parallel>, #tpu.dimension_semantics<subcore_parallel>], iteration_bounds = array<i64: 2, 16>, scalar_prefetch = 0 : i64, scratch_operands = 25 : i64, tpu.core_type = #tpu.core_type<sc_vector_subcore>, window_params = [{transform_indices = #map}, {transform_indices = #map}, {transform_indices = #map}, {transform_indices = #map}, {transform_indices = #map1}, {transform_indices = #map1}, {transform_indices = #map2}]} {
    %scan3A = arith.constant 0 : i32
    %scan3A_0 = arith.constant 0 : i32
    %scan3A_1 = arith.constant 128 : i32
    %scan3A_2 = arith.addi %scan3A_0, %scan3A_1 : i32
    %scan3A_3 = arith.constant 1 : i32
    %scan3A_4 = scf.for %scan3A_36 = %scan3A_0 to %scan3A_2 step %scan3A_3 iter_args(%scan3A_37 = %scan3A) -> (i32)  : i32 {
      %broadcast_in_dim3A = arith.constant 0.000000e+00 : f32
      %broadcast_in_dim3A_38 = vector.broadcast %broadcast_in_dim3A : f32 to vector<16xf32>
      %swap3A = arith.index_cast %scan3A_36 : i32 to index
      %swap3A_39 = arith.constant 0 : index
      %swap3A_40 = tpu.vector_load %arg24[%swap3A, %swap3A_39] {strides = array<i32>} : memref<128x48xf32, #tpu.memory_space<vmem>>, vector<16xf32>,
      tpu.vector_store %arg24[%swap3A, %swap3A_39], %broadcast_in_dim3A_38 {strides = array<i32>} : memref<128x48xf32, #tpu.memory_space<vmem>>, vector<16xf32>,
      %broadcast_in_dim3A_41 = arith.constant 0.000000e+00 : f32
      %broadcast_in_dim3A_42 = vector.broadcast %broadcast_in_dim3A_41 : f32 to vector<16xf32>
      %swap3A_43 = arith.index_cast %scan3A_36 : i32 to index
      %swap3A_44 = arith.constant 16 : index
      %swap3A_45 = tpu.vector_load %arg24[%swap3A_43, %swap3A_44] {strides = array<i32>} : memref<128x48xf32, #tpu.memory_space<vmem>>, vector<16xf32>,
      tpu.vector_store %arg24[%swap3A_43, %swap3A_44], %broadcast_in_dim3A_42 {strides = array<i32>} : memref<128x48xf32, #tpu.memory_space<vmem>>, vector<16xf32>,
      %broadcast_in_dim3A_46 = arith.constant 0.000000e+00 : f32
      %broadcast_in_dim3A_47 = vector.broadcast %broadcast_in_dim3A_46 : f32 to vector<16xf32>
      %swap3A_48 = arith.index_cast %scan3A_36 : i32 to index
      %swap3A_49 = arith.constant 32 : index
      %swap3A_50 = tpu.vector_load %arg24[%swap3A_48, %swap3A_49] {strides = array<i32>} : memref<128x48xf32, #tpu.memory_space<vmem>>, vector<16xf32>,
      tpu.vector_store %arg24[%swap3A_48, %swap3A_49], %broadcast_in_dim3A_47 {strides = array<i32>} : memref<128x48xf32, #tpu.memory_space<vmem>>, vector<16xf32>,
      %scan3A_51 = arith.constant 0 : i32
      scf.yield %scan3A_51 : i32
    }
    %scan3A_5 = arith.constant 128 : i32
    %scan3A_6 = arith.constant 0 : i32
    %scan3A_7 = arith.constant 0 : i32
    %scan3A_8 = arith.constant 13 : i32
    %scan3A_9 = arith.addi %scan3A_7, %scan3A_8 : i32
    %scan3A_10 = arith.constant 1 : i32
    %scan3A_11 = scf.for %scan3A_36 = %scan3A_7 to %scan3A_9 step %scan3A_10 iter_args(%scan3A_37 = %scan3A_6) -> (i32)  : i32 {
      %mul3A_38 = arith.constant 16 : i32
      %mul3A_39 = arith.muli %mul3A_38, %scan3A_36 : i32
      %add3A_40 = arith.addi %arg1, %mul3A_39 : i32
      %lt3A_41 = arith.constant 196 : i32
      %lt3A_42 = arith.cmpi slt, %add3A_40, %lt3A_41 : i32
      %convert_element_type3A_43 = arith.extui %lt3A_42 : i1 to i32
      %cond3A_44 = arith.constant 0 : i32
      %cond3A_45 = arith.cmpi ne, %convert_element_type3A_43, %cond3A_44 : i32
      scf.if %cond3A_45 {
        %mul3A_47 = arith.constant 128 : i32
        %mul3A_48 = arith.muli %add3A_40, %mul3A_47 : i32
        "tpu.region"() ({
          %run_scoped3A = tpu.sem_alloc : memref<!tpu.dma_semaphore, #tpu.memory_space<semaphore_mem>>
          %dma_start3A = arith.constant 0 : i32
          %dma_start3A_49 = tpu.memref_slice %arg25[%mul3A_48, %dma_start3A] : memref<25088x48xf32, #tpu.memory_space<vmem_shared>> -> memref<128x48xf32, #tpu.memory_space<vmem_shared>>
          %dma_start3A_50 = arith.constant 0 : i32
          %dma_start3A_51 = tpu.memref_slice %arg25[%mul3A_48, %dma_start3A_50] : memref<25088x48xf32, #tpu.memory_space<vmem_shared>> -> memref<128x48xf32, #tpu.memory_space<vmem_shared>>
          tpu.enqueue_dma source(%arg24 : memref<128x48xf32, #tpu.memory_space<vmem>>) target(%dma_start3A_51 : memref<128x48xf32, #tpu.memory_space<vmem_shared>>) target_semaphore(%run_scoped3A : memref<!tpu.dma_semaphore, #tpu.memory_space<semaphore_mem>>)
          %dma_wait3A = arith.constant 0 : i32
          %dma_wait3A_52 = tpu.memref_slice %arg25[%mul3A_48, %dma_wait3A] : memref<25088x48xf32, #tpu.memory_space<vmem_shared>> -> memref<128x48xf32, #tpu.memory_space<vmem_shared>>
          %dma_wait3A_53 = arith.constant 0 : i32
          %dma_wait3A_54 = tpu.memref_slice %arg25[%mul3A_48, %dma_wait3A_53] : memref<25088x48xf32, #tpu.memory_space<vmem_shared>> -> memref<128x48xf32, #tpu.memory_space<vmem_shared>>
          tpu.wait_dma2 semaphore(%run_scoped3A : memref<!tpu.dma_semaphore, #tpu.memory_space<semaphore_mem>>) src(%arg24 : memref<128x48xf32, #tpu.memory_space<vmem>>) dst(%dma_wait3A_54 : memref<128x48xf32, #tpu.memory_space<vmem_shared>>)
          tpu.yield
        }) : () -> ()
      } else {
      }
      %scan3A_46 = arith.constant 0 : i32
      scf.yield %scan3A_46 : i32
    }
    %scan3A_12 = arith.constant 13 : i32
    %barrier3A = arith.constant 0 : index
    tpu.barrier barrier_id(%barrier3A)
    %mul3A = arith.constant 25000 : i32
    %mul3A_13 = arith.muli %arg0, %mul3A : i32
    %mul3A_14 = arith.constant 50000 : i32
    %mul3A_15 = arith.muli %arg0, %mul3A_14 : i32
    %mul3A_16 = arith.constant 200000 : i32
    %mul3A_17 = arith.muli %arg0, %mul3A_16 : i32
    %add3A = arith.constant 0 : i32
    %add3A_18 = arith.addi %arg1, %add3A : i32
    %lt3A = arith.constant 6250 : i32
    %lt3A_19 = arith.cmpi slt, %add3A_18, %lt3A : i32
    %convert_element_type3A = arith.extui %lt3A_19 : i1 to i32
    %cond3A = arith.constant 0 : i32
    %cond3A_20 = arith.cmpi ne, %convert_element_type3A, %cond3A : i32
    scf.if %cond3A_20 {
      %mul3A_36 = arith.constant 128 : i32
      %mul3A_37 = arith.muli %add3A_18, %mul3A_36 : i32
      "tpu.region"() ({
        %run_scoped3A = tpu.sem_alloc : memref<!tpu.dma_semaphore, #tpu.memory_space<semaphore_mem>>
        %dma_start3A_147 = tpu.memref_slice %arg7[%mul3A_37] : memref<800000xi32, #tpu.memory_space<hbm>> -> memref<128xi32, #tpu.memory_space<hbm>>
        %dma_start3A_148 = tpu.memref_slice %arg7[%mul3A_37] : memref<800000xi32, #tpu.memory_space<hbm>> -> memref<128xi32, #tpu.memory_space<hbm>>
        tpu.enqueue_dma source(%dma_start3A_148 : memref<128xi32, #tpu.memory_space<hbm>>) target(%arg9 : memref<128xi32, #tpu.memory_space<vmem>>) target_semaphore(%run_scoped3A : memref<!tpu.dma_semaphore, #tpu.memory_space<semaphore_mem>>)
        %dma_wait3A = tpu.memref_slice %arg7[%mul3A_37] : memref<800000xi32, #tpu.memory_space<hbm>> -> memref<128xi32, #tpu.memory_space<hbm>>
        %dma_wait3A_149 = tpu.memref_slice %arg7[%mul3A_37] : memref<800000xi32, #tpu.memory_space<hbm>> -> memref<128xi32, #tpu.memory_space<hbm>>
        tpu.wait_dma2 semaphore(%run_scoped3A : memref<!tpu.dma_semaphore, #tpu.memory_space<semaphore_mem>>) src(%dma_wait3A_149 : memref<128xi32, #tpu.memory_space<hbm>>) dst(%arg9 : memref<128xi32, #tpu.memory_space<vmem>>)
        tpu.yield
      }) : () -> ()
      "tpu.region"() ({
        %run_scoped3A = tpu.sem_alloc : memref<!tpu.dma_semaphore, #tpu.memory_space<semaphore_mem>>
        %dma_start3A_147 = tpu.memref_slice %arg6[%mul3A_37] : memref<800000xi32, #tpu.memory_space<hbm>> -> memref<128xi32, #tpu.memory_space<hbm>>
        %dma_start3A_148 = tpu.memref_slice %arg6[%mul3A_37] : memref<800000xi32, #tpu.memory_space<hbm>> -> memref<128xi32, #tpu.memory_space<hbm>>
        tpu.enqueue_dma source(%dma_start3A_148 : memref<128xi32, #tpu.memory_space<hbm>>) target(%arg11 : memref<128xi32, #tpu.memory_space<vmem>>) target_semaphore(%run_scoped3A : memref<!tpu.dma_semaphore, #tpu.memory_space<semaphore_mem>>)
        %dma_wait3A = tpu.memref_slice %arg6[%mul3A_37] : memref<800000xi32, #tpu.memory_space<hbm>> -> memref<128xi32, #tpu.memory_space<hbm>>
        %dma_wait3A_149 = tpu.memref_slice %arg6[%mul3A_37] : memref<800000xi32, #tpu.memory_space<hbm>> -> memref<128xi32, #tpu.memory_space<hbm>>
        tpu.wait_dma2 semaphore(%run_scoped3A : memref<!tpu.dma_semaphore, #tpu.memory_space<semaphore_mem>>) src(%dma_wait3A_149 : memref<128xi32, #tpu.memory_space<hbm>>) dst(%arg11 : memref<128xi32, #tpu.memory_space<vmem>>)
        tpu.yield
      }) : () -> ()
      %get3A = arith.constant 0 : index
      %get3A_38 = tpu.vector_load %arg9[%get3A] {strides = array<i32>} : memref<128xi32, #tpu.memory_space<vmem>>, vector<16xi32>,
      %add3A_39 = vector.broadcast %mul3A_13 : i32 to vector<16xi32>
      %add3A_40 = arith.addi %get3A_38, %add3A_39 : vector<16xi32>
      %swap3A = arith.constant 0 : index
      %swap3A_41 = tpu.vector_load %arg10[%swap3A] {strides = array<i32>} : memref<128xi32, #tpu.memory_space<vmem>>, vector<16xi32>,
      tpu.vector_store %arg10[%swap3A], %add3A_40 {strides = array<i32>} : memref<128xi32, #tpu.memory_space<vmem>>, vector<16xi32>,
      %get3A_42 = arith.constant 0 : index
      %get3A_43 = tpu.vector_load %arg11[%get3A_42] {strides = array<i32>} : memref<128xi32, #tpu.memory_space<vmem>>, vector<16xi32>,
      %add3A_44 = vector.broadcast %mul3A_15 : i32 to vector<16xi32>
      %add3A_45 = arith.addi %get3A_43, %add3A_44 : vector<16xi32>
      %swap3A_46 = arith.constant 0 : index
      %swap3A_47 = tpu.vector_load %arg11[%swap3A_46] {strides = array<i32>} : memref<128xi32, #tpu.memory_space<vmem>>, vector<16xi32>,
      tpu.vector_store %arg11[%swap3A_46], %add3A_45 {strides = array<i32>} : memref<128xi32, #tpu.memory_space<vmem>>, vector<16xi32>,
      %get3A_48 = arith.constant 16 : index
      %get3A_49 = tpu.vector_load %arg9[%get3A_48] {strides = array<i32>} : memref<128xi32, #tpu.memory_space<vmem>>, vector<16xi32>,
      %add3A_50 = vector.broadcast %mul3A_13 : i32 to vector<16xi32>
      %add3A_51 = arith.addi %get3A_49, %add3A_50 : vector<16xi32>
      %swap3A_52 = arith.constant 16 : index
      %swap3A_53 = tpu.vector_load %arg10[%swap3A_52] {strides = array<i32>} : memref<128xi32, #tpu.memory_space<vmem>>, vector<16xi32>,
      tpu.vector_store %arg10[%swap3A_52], %add3A_51 {strides = array<i32>} : memref<128xi32, #tpu.memory_space<vmem>>, vector<16xi32>,
      %get3A_54 = arith.constant 16 : index
      %get3A_55 = tpu.vector_load %arg11[%get3A_54] {strides = array<i32>} : memref<128xi32, #tpu.memory_space<vmem>>, vector<16xi32>,
      %add3A_56 = vector.broadcast %mul3A_15 : i32 to vector<16xi32>
      %add3A_57 = arith.addi %get3A_55, %add3A_56 : vector<16xi32>
      %swap3A_58 = arith.constant 16 : index
      %swap3A_59 = tpu.vector_load %arg11[%swap3A_58] {strides = array<i32>} : memref<128xi32, #tpu.memory_space<vmem>>, vector<16xi32>,
      tpu.vector_store %arg11[%swap3A_58], %add3A_57 {strides = array<i32>} : memref<128xi32, #tpu.memory_space<vmem>>, vector<16xi32>,
      %get3A_60 = arith.constant 32 : index
      %get3A_61 = tpu.vector_load %arg9[%get3A_60] {strides = array<i32>} : memref<128xi32, #tpu.memory_space<vmem>>, vector<16xi32>,
      %add3A_62 = vector.broadcast %mul3A_13 : i32 to vector<16xi32>
      %add3A_63 = arith.addi %get3A_61, %add3A_62 : vector<16xi32>
      %swap3A_64 = arith.constant 32 : index
      %swap3A_65 = tpu.vector_load %arg10[%swap3A_64] {strides = array<i32>} : memref<128xi32, #tpu.memory_space<vmem>>, vector<16xi32>,
      tpu.vector_store %arg10[%swap3A_64], %add3A_63 {strides = array<i32>} : memref<128xi32, #tpu.memory_space<vmem>>, vector<16xi32>,
      %get3A_66 = arith.constant 32 : index
      %get3A_67 = tpu.vector_load %arg11[%get3A_66] {strides = array<i32>} : memref<128xi32, #tpu.memory_space<vmem>>, vector<16xi32>,
      %add3A_68 = vector.broadcast %mul3A_15 : i32 to vector<16xi32>
      %add3A_69 = arith.addi %get3A_67, %add3A_68 : vector<16xi32>
      %swap3A_70 = arith.constant 32 : index
      %swap3A_71 = tpu.vector_load %arg11[%swap3A_70] {strides = array<i32>} : memref<128xi32, #tpu.memory_space<vmem>>, vector<16xi32>,
      tpu.vector_store %arg11[%swap3A_70], %add3A_69 {strides = array<i32>} : memref<128xi32, #tpu.memory_space<vmem>>, vector<16xi32>,
      %get3A_72 = arith.constant 48 : index
      %get3A_73 = tpu.vector_load %arg9[%get3A_72] {strides = array<i32>} : memref<128xi32, #tpu.memory_space<vmem>>, vector<16xi32>,
      %add3A_74 = vector.broadcast %mul3A_13 : i32 to vector<16xi32>
      %add3A_75 = arith.addi %get3A_73, %add3A_74 : vector<16xi32>
      %swap3A_76 = arith.constant 48 : index
      %swap3A_77 = tpu.vector_load %arg10[%swap3A_76] {strides = array<i32>} : memref<128xi32, #tpu.memory_space<vmem>>, vector<16xi32>,
      tpu.vector_store %arg10[%swap3A_76], %add3A_75 {strides = array<i32>} : memref<128xi32, #tpu.memory_space<vmem>>, vector<16xi32>,
      %get3A_78 = arith.constant 48 : index
      %get3A_79 = tpu.vector_load %arg11[%get3A_78] {strides = array<i32>} : memref<128xi32, #tpu.memory_space<vmem>>, vector<16xi32>,
      %add3A_80 = vector.broadcast %mul3A_15 : i32 to vector<16xi32>
      %add3A_81 = arith.addi %get3A_79, %add3A_80 : vector<16xi32>
      %swap3A_82 = arith.constant 48 : index
      %swap3A_83 = tpu.vector_load %arg11[%swap3A_82] {strides = array<i32>} : memref<128xi32, #tpu.memory_space<vmem>>, vector<16xi32>,
      tpu.vector_store %arg11[%swap3A_82], %add3A_81 {strides = array<i32>} : memref<128xi32, #tpu.memory_space<vmem>>, vector<16xi32>,
      %get3A_84 = arith.constant 64 : index
      %get3A_85 = tpu.vector_load %arg9[%get3A_84] {strides = array<i32>} : memref<128xi32, #tpu.memory_space<vmem>>, vector<16xi32>,
      %add3A_86 = vector.broadcast %mul3A_13 : i32 to vector<16xi32>
      %add3A_87 = arith.addi %get3A_85, %add3A_86 : vector<16xi32>
      %swap3A_88 = arith.constant 64 : index
      %swap3A_89 = tpu.vector_load %arg10[%swap3A_88] {strides = array<i32>} : memref<128xi32, #tpu.memory_space<vmem>>, vector<16xi32>,
      tpu.vector_store %arg10[%swap3A_88], %add3A_87 {strides = array<i32>} : memref<128xi32, #tpu.memory_space<vmem>>, vector<16xi32>,
      %get3A_90 = arith.constant 64 : index
      %get3A_91 = tpu.vector_load %arg11[%get3A_90] {strides = array<i32>} : memref<128xi32, #tpu.memory_space<vmem>>, vector<16xi32>,
      %add3A_92 = vector.broadcast %mul3A_15 : i32 to vector<16xi32>
      %add3A_93 = arith.addi %get3A_91, %add3A_92 : vector<16xi32>
      %swap3A_94 = arith.constant 64 : index
      %swap3A_95 = tpu.vector_load %arg11[%swap3A_94] {strides = array<i32>} : memref<128xi32, #tpu.memory_space<vmem>>, vector<16xi32>,
      tpu.vector_store %arg11[%swap3A_94], %add3A_93 {strides = array<i32>} : memref<128xi32, #tpu.memory_space<vmem>>, vector<16xi32>,
      %get3A_96 = arith.constant 80 : index
      %get3A_97 = tpu.vector_load %arg9[%get3A_96] {strides = array<i32>} : memref<128xi32, #tpu.memory_space<vmem>>, vector<16xi32>,
      %add3A_98 = vector.broadcast %mul3A_13 : i32 to vector<16xi32>
      %add3A_99 = arith.addi %get3A_97, %add3A_98 : vector<16xi32>
      %swap3A_100 = arith.constant 80 : index
      %swap3A_101 = tpu.vector_load %arg10[%swap3A_100] {strides = array<i32>} : memref<128xi32, #tpu.memory_space<vmem>>, vector<16xi32>,
      tpu.vector_store %arg10[%swap3A_100], %add3A_99 {strides = array<i32>} : memref<128xi32, #tpu.memory_space<vmem>>, vector<16xi32>,
      %get3A_102 = arith.constant 80 : index
      %get3A_103 = tpu.vector_load %arg11[%get3A_102] {strides = array<i32>} : memref<128xi32, #tpu.memory_space<vmem>>, vector<16xi32>,
      %add3A_104 = vector.broadcast %mul3A_15 : i32 to vector<16xi32>
      %add3A_105 = arith.addi %get3A_103, %add3A_104 : vector<16xi32>
      %swap3A_106 = arith.constant 80 : index
      %swap3A_107 = tpu.vector_load %arg11[%swap3A_106] {strides = array<i32>} : memref<128xi32, #tpu.memory_space<vmem>>, vector<16xi32>,
      tpu.vector_store %arg11[%swap3A_106], %add3A_105 {strides = array<i32>} : memref<128xi32, #tpu.memory_space<vmem>>, vector<16xi32>,
      %get3A_108 = arith.constant 96 : index
      %get3A_109 = tpu.vector_load %arg9[%get3A_108] {strides = array<i32>} : memref<128xi32, #tpu.memory_space<vmem>>, vector<16xi32>,
      %add3A_110 = vector.broadcast %mul3A_13 : i32 to vector<16xi32>
      %add3A_111 = arith.addi %get3A_109, %add3A_110 : vector<16xi32>
      %swap3A_112 = arith.constant 96 : index
      %swap3A_113 = tpu.vector_load %arg10[%swap3A_112] {strides = array<i32>} : memref<128xi32, #tpu.memory_space<vmem>>, vector<16xi32>,
      tpu.vector_store %arg10[%swap3A_112], %add3A_111 {strides = array<i32>} : memref<128xi32, #tpu.memory_space<vmem>>, vector<16xi32>,
      %get3A_114 = arith.constant 96 : index
      %get3A_115 = tpu.vector_load %arg11[%get3A_114] {strides = array<i32>} : memref<128xi32, #tpu.memory_space<vmem>>, vector<16xi32>,
      %add3A_116 = vector.broadcast %mul3A_15 : i32 to vector<16xi32>
      %add3A_117 = arith.addi %get3A_115, %add3A_116 : vector<16xi32>
      %swap3A_118 = arith.constant 96 : index
      %swap3A_119 = tpu.vector_load %arg11[%swap3A_118] {strides = array<i32>} : memref<128xi32, #tpu.memory_space<vmem>>, vector<16xi32>,
      tpu.vector_store %arg11[%swap3A_118], %add3A_117 {strides = array<i32>} : memref<128xi32, #tpu.memory_space<vmem>>, vector<16xi32>,
      %get3A_120 = arith.constant 112 : index
      %get3A_121 = tpu.vector_load %arg9[%get3A_120] {strides = array<i32>} : memref<128xi32, #tpu.memory_space<vmem>>, vector<16xi32>,
      %add3A_122 = vector.broadcast %mul3A_13 : i32 to vector<16xi32>
      %add3A_123 = arith.addi %get3A_121, %add3A_122 : vector<16xi32>
      %swap3A_124 = arith.constant 112 : index
      %swap3A_125 = tpu.vector_load %arg10[%swap3A_124] {strides = array<i32>} : memref<128xi32, #tpu.memory_space<vmem>>, vector<16xi32>,
      tpu.vector_store %arg10[%swap3A_124], %add3A_123 {strides = array<i32>} : memref<128xi32, #tpu.memory_space<vmem>>, vector<16xi32>,
      %get3A_126 = arith.constant 112 : index
      %get3A_127 = tpu.vector_load %arg11[%get3A_126] {strides = array<i32>} : memref<128xi32, #tpu.memory_space<vmem>>, vector<16xi32>,
      %add3A_128 = vector.broadcast %mul3A_15 : i32 to vector<16xi32>
      %add3A_129 = arith.addi %get3A_127, %add3A_128 : vector<16xi32>
      %swap3A_130 = arith.constant 112 : index
      %swap3A_131 = tpu.vector_load %arg11[%swap3A_130] {strides = array<i32>} : memref<128xi32, #tpu.memory_space<vmem>>, vector<16xi32>,
      tpu.vector_store %arg11[%swap3A_130], %add3A_129 {strides = array<i32>} : memref<128xi32, #tpu.memory_space<vmem>>, vector<16xi32>,
      %dma_start3A = arith.constant 0 : i32
      %dma_start3A_132 = arith.constant 0 : i32
      %dma_start3A_133 = tpu.memref_slice %arg2[%dma_start3A, %dma_start3A_132] : memref<50000x32xf32, #tpu.memory_space<hbm>> -> memref<50000x32xf32, #tpu.memory_space<hbm>>
      tpu.enqueue_indirect_dma source(%dma_start3A_133 : memref<50000x32xf32, #tpu.memory_space<hbm>>) target(%arg12 : memref<128x32xf32, #tpu.memory_space<vmem>>) offsets(%arg10 : memref<128xi32, #tpu.memory_space<vmem>>) semaphore(%arg26 : memref<!tpu.dma_semaphore, #tpu.memory_space<semaphore_mem>>)
      %dma_start3A_134 = arith.constant 0 : i32
      %dma_start3A_135 = arith.constant 0 : i32
      %dma_start3A_136 = tpu.memref_slice %arg3[%dma_start3A_134, %dma_start3A_135] : memref<100000x32xf32, #tpu.memory_space<hbm>> -> memref<100000x32xf32, #tpu.memory_space<hbm>>
      tpu.enqueue_indirect_dma source(%dma_start3A_136 : memref<100000x32xf32, #tpu.memory_space<hbm>>) target(%arg13 : memref<128x32xf32, #tpu.memory_space<vmem>>) offsets(%arg11 : memref<128xi32, #tpu.memory_space<vmem>>) semaphore(%arg27 : memref<!tpu.dma_semaphore, #tpu.memory_space<semaphore_mem>>)
      %dma_start3A_137 = arith.constant 0 : i32
      %dma_start3A_138 = arith.constant 0 : i32
      %dma_start3A_139 = tpu.memref_slice %arg4[%dma_start3A_137, %dma_start3A_138] : memref<100000x32xf32, #tpu.memory_space<hbm>> -> memref<100000x32xf32, #tpu.memory_space<hbm>>
      tpu.enqueue_indirect_dma source(%dma_start3A_139 : memref<100000x32xf32, #tpu.memory_space<hbm>>) target(%arg14 : memref<128x32xf32, #tpu.memory_space<vmem>>) offsets(%arg11 : memref<128xi32, #tpu.memory_space<vmem>>) semaphore(%arg28 : memref<!tpu.dma_semaphore, #tpu.memory_space<semaphore_mem>>)
      %mul3A_140 = arith.constant 32 : i32
      %mul3A_141 = arith.muli %add3A_18, %mul3A_140 : i32
      %add3A_142 = arith.addi %mul3A_17, %mul3A_141 : i32
      %dma_start3A_143 = arith.constant 0 : i32
      %dma_start3A_144 = tpu.memref_slice %arg5[%add3A_142, %dma_start3A_143] : memref<400000x128xf32, #tpu.memory_space<hbm>> -> memref<32x128xf32, #tpu.memory_space<hbm>>
      %dma_start3A_145 = arith.constant 0 : i32
      %dma_start3A_146 = tpu.memref_slice %arg5[%add3A_142, %dma_start3A_145] : memref<400000x128xf32, #tpu.memory_space<hbm>> -> memref<32x128xf32, #tpu.memory_space<hbm>>
      tpu.enqueue_dma source(%dma_start3A_146 : memref<32x128xf32, #tpu.memory_space<hbm>>) target(%arg15 : memref<32x128xf32, #tpu.memory_space<vmem>>) target_semaphore(%arg29 : memref<!tpu.dma_semaphore, #tpu.memory_space<semaphore_mem>>)
    } else {
    }
    %scan3A_21 = arith.constant 0 : i32
    %scan3A_22 = arith.constant 0 : i32
    %scan3A_23 = arith.constant 196 : i32
    %scan3A_24 = arith.addi %scan3A_22, %scan3A_23 : i32
    %scan3A_25 = arith.constant 1 : i32
    %scan3A_26 = scf.for %scan3A_36 = %scan3A_22 to %scan3A_24 step %scan3A_25 iter_args(%scan3A_37 = %scan3A_21) -> (i32)  : i32 {
      %mul3A_38 = arith.constant 2 : i32
      %mul3A_39 = arith.muli %mul3A_38, %scan3A_36 : i32
      %add3A_40 = arith.constant 1 : i32
      %add3A_41 = arith.addi %mul3A_39, %add3A_40 : i32
      %mul3A_42 = arith.constant 16 : i32
      %mul3A_43 = arith.muli %mul3A_42, %add3A_41 : i32
      %add3A_44 = arith.addi %arg1, %mul3A_43 : i32
      %lt3A_45 = arith.constant 6250 : i32
      %lt3A_46 = arith.cmpi slt, %add3A_44, %lt3A_45 : i32
      %convert_element_type3A_47 = arith.extui %lt3A_46 : i1 to i32
      %cond3A_48 = arith.constant 0 : i32
      %cond3A_49 = arith.cmpi ne, %convert_element_type3A_47, %cond3A_48 : i32
      scf.if %cond3A_49 {
        %mul3A_85 = arith.constant 128 : i32
        %mul3A_86 = arith.muli %add3A_44, %mul3A_85 : i32
        "tpu.region"() ({
          %run_scoped3A = tpu.sem_alloc : memref<!tpu.dma_semaphore, #tpu.memory_space<semaphore_mem>>
          %dma_start3A_196 = tpu.memref_slice %arg7[%mul3A_86] : memref<800000xi32, #tpu.memory_space<hbm>> -> memref<128xi32, #tpu.memory_space<hbm>>
          %dma_start3A_197 = tpu.memref_slice %arg7[%mul3A_86] : memref<800000xi32, #tpu.memory_space<hbm>> -> memref<128xi32, #tpu.memory_space<hbm>>
          tpu.enqueue_dma source(%dma_start3A_197 : memref<128xi32, #tpu.memory_space<hbm>>) target(%arg16 : memref<128xi32, #tpu.memory_space<vmem>>) target_semaphore(%run_scoped3A : memref<!tpu.dma_semaphore, #tpu.memory_space<semaphore_mem>>)
          %dma_wait3A = tpu.memref_slice %arg7[%mul3A_86] : memref<800000xi32, #tpu.memory_space<hbm>> -> memref<128xi32, #tpu.memory_space<hbm>>
          %dma_wait3A_198 = tpu.memref_slice %arg7[%mul3A_86] : memref<800000xi32, #tpu.memory_space<hbm>> -> memref<128xi32, #tpu.memory_space<hbm>>
          tpu.wait_dma2 semaphore(%run_scoped3A : memref<!tpu.dma_semaphore, #tpu.memory_space<semaphore_mem>>) src(%dma_wait3A_198 : memref<128xi32, #tpu.memory_space<hbm>>) dst(%arg16 : memref<128xi32, #tpu.memory_space<vmem>>)
          tpu.yield
        }) : () -> ()
        "tpu.region"() ({
          %run_scoped3A = tpu.sem_alloc : memref<!tpu.dma_semaphore, #tpu.memory_space<semaphore_mem>>
          %dma_start3A_196 = tpu.memref_slice %arg6[%mul3A_86] : memref<800000xi32, #tpu.memory_space<hbm>> -> memref<128xi32, #tpu.memory_space<hbm>>
          %dma_start3A_197 = tpu.memref_slice %arg6[%mul3A_86] : memref<800000xi32, #tpu.memory_space<hbm>> -> memref<128xi32, #tpu.memory_space<hbm>>
          tpu.enqueue_dma source(%dma_start3A_197 : memref<128xi32, #tpu.memory_space<hbm>>) target(%arg18 : memref<128xi32, #tpu.memory_space<vmem>>) target_semaphore(%run_scoped3A : memref<!tpu.dma_semaphore, #tpu.memory_space<semaphore_mem>>)
          %dma_wait3A = tpu.memref_slice %arg6[%mul3A_86] : memref<800000xi32, #tpu.memory_space<hbm>> -> memref<128xi32, #tpu.memory_space<hbm>>
          %dma_wait3A_198 = tpu.memref_slice %arg6[%mul3A_86] : memref<800000xi32, #tpu.memory_space<hbm>> -> memref<128xi32, #tpu.memory_space<hbm>>
          tpu.wait_dma2 semaphore(%run_scoped3A : memref<!tpu.dma_semaphore, #tpu.memory_space<semaphore_mem>>) src(%dma_wait3A_198 : memref<128xi32, #tpu.memory_space<hbm>>) dst(%arg18 : memref<128xi32, #tpu.memory_space<vmem>>)
          tpu.yield
        }) : () -> ()
        %get3A = arith.constant 0 : index
        %get3A_87 = tpu.vector_load %arg16[%get3A] {strides = array<i32>} : memref<128xi32, #tpu.memory_space<vmem>>, vector<16xi32>,
        %add3A_88 = vector.broadcast %mul3A_13 : i32 to vector<16xi32>
        %add3A_89 = arith.addi %get3A_87, %add3A_88 : vector<16xi32>
        %swap3A = arith.constant 0 : index
        %swap3A_90 = tpu.vector_load %arg17[%swap3A] {strides = array<i32>} : memref<128xi32, #tpu.memory_space<vmem>>, vector<16xi32>,
        tpu.vector_store %arg17[%swap3A], %add3A_89 {strides = array<i32>} : memref<128xi32, #tpu.memory_space<vmem>>, vector<16xi32>,
        %get3A_91 = arith.constant 0 : index
        %get3A_92 = tpu.vector_load %arg18[%get3A_91] {strides = array<i32>} : memref<128xi32, #tpu.memory_space<vmem>>, vector<16xi32>,
        %add3A_93 = vector.broadcast %mul3A_15 : i32 to vector<16xi32>
        %add3A_94 = arith.addi %get3A_92, %add3A_93 : vector<16xi32>
        %swap3A_95 = arith.constant 0 : index
        %swap3A_96 = tpu.vector_load %arg18[%swap3A_95] {strides = array<i32>} : memref<128xi32, #tpu.memory_space<vmem>>, vector<16xi32>,
        tpu.vector_store %arg18[%swap3A_95], %add3A_94 {strides = array<i32>} : memref<128xi32, #tpu.memory_space<vmem>>, vector<16xi32>,
        %get3A_97 = arith.constant 16 : index
        %get3A_98 = tpu.vector_load %arg16[%get3A_97] {strides = array<i32>} : memref<128xi32, #tpu.memory_space<vmem>>, vector<16xi32>,
        %add3A_99 = vector.broadcast %mul3A_13 : i32 to vector<16xi32>
        %add3A_100 = arith.addi %get3A_98, %add3A_99 : vector<16xi32>
        %swap3A_101 = arith.constant 16 : index
        %swap3A_102 = tpu.vector_load %arg17[%swap3A_101] {strides = array<i32>} : memref<128xi32, #tpu.memory_space<vmem>>, vector<16xi32>,
        tpu.vector_store %arg17[%swap3A_101], %add3A_100 {strides = array<i32>} : memref<128xi32, #tpu.memory_space<vmem>>, vector<16xi32>,
        %get3A_103 = arith.constant 16 : index
        %get3A_104 = tpu.vector_load %arg18[%get3A_103] {strides = array<i32>} : memref<128xi32, #tpu.memory_space<vmem>>, vector<16xi32>,
        %add3A_105 = vector.broadcast %mul3A_15 : i32 to vector<16xi32>
        %add3A_106 = arith.addi %get3A_104, %add3A_105 : vector<16xi32>
        %swap3A_107 = arith.constant 16 : index
        %swap3A_108 = tpu.vector_load %arg18[%swap3A_107] {strides = array<i32>} : memref<128xi32, #tpu.memory_space<vmem>>, vector<16xi32>,
        tpu.vector_store %arg18[%swap3A_107], %add3A_106 {strides = array<i32>} : memref<128xi32, #tpu.memory_space<vmem>>, vector<16xi32>,
        %get3A_109 = arith.constant 32 : index
        %get3A_110 = tpu.vector_load %arg16[%get3A_109] {strides = array<i32>} : memref<128xi32, #tpu.memory_space<vmem>>, vector<16xi32>,
        %add3A_111 = vector.broadcast %mul3A_13 : i32 to vector<16xi32>
        %add3A_112 = arith.addi %get3A_110, %add3A_111 : vector<16xi32>
        %swap3A_113 = arith.constant 32 : index
        %swap3A_114 = tpu.vector_load %arg17[%swap3A_113] {strides = array<i32>} : memref<128xi32, #tpu.memory_space<vmem>>, vector<16xi32>,
        tpu.vector_store %arg17[%swap3A_113], %add3A_112 {strides = array<i32>} : memref<128xi32, #tpu.memory_space<vmem>>, vector<16xi32>,
        %get3A_115 = arith.constant 32 : index
        %get3A_116 = tpu.vector_load %arg18[%get3A_115] {strides = array<i32>} : memref<128xi32, #tpu.memory_space<vmem>>, vector<16xi32>,
        %add3A_117 = vector.broadcast %mul3A_15 : i32 to vector<16xi32>
        %add3A_118 = arith.addi %get3A_116, %add3A_117 : vector<16xi32>
        %swap3A_119 = arith.constant 32 : index
        %swap3A_120 = tpu.vector_load %arg18[%swap3A_119] {strides = array<i32>} : memref<128xi32, #tpu.memory_space<vmem>>, vector<16xi32>,
        tpu.vector_store %arg18[%swap3A_119], %add3A_118 {strides = array<i32>} : memref<128xi32, #tpu.memory_space<vmem>>, vector<16xi32>,
        %get3A_121 = arith.constant 48 : index
        %get3A_122 = tpu.vector_load %arg16[%get3A_121] {strides = array<i32>} : memref<128xi32, #tpu.memory_space<vmem>>, vector<16xi32>,
        %add3A_123 = vector.broadcast %mul3A_13 : i32 to vector<16xi32>
        %add3A_124 = arith.addi %get3A_122, %add3A_123 : vector<16xi32>
        %swap3A_125 = arith.constant 48 : index
        %swap3A_126 = tpu.vector_load %arg17[%swap3A_125] {strides = array<i32>} : memref<128xi32, #tpu.memory_space<vmem>>, vector<16xi32>,
        tpu.vector_store %arg17[%swap3A_125], %add3A_124 {strides = array<i32>} : memref<128xi32, #tpu.memory_space<vmem>>, vector<16xi32>,
        %get3A_127 = arith.constant 48 : index
        %get3A_128 = tpu.vector_load %arg18[%get3A_127] {strides = array<i32>} : memref<128xi32, #tpu.memory_space<vmem>>, vector<16xi32>,
        %add3A_129 = vector.broadcast %mul3A_15 : i32 to vector<16xi32>
        %add3A_130 = arith.addi %get3A_128, %add3A_129 : vector<16xi32>
        %swap3A_131 = arith.constant 48 : index
        %swap3A_132 = tpu.vector_load %arg18[%swap3A_131] {strides = array<i32>} : memref<128xi32, #tpu.memory_space<vmem>>, vector<16xi32>,
        tpu.vector_store %arg18[%swap3A_131], %add3A_130 {strides = array<i32>} : memref<128xi32, #tpu.memory_space<vmem>>, vector<16xi32>,
        %get3A_133 = arith.constant 64 : index
        %get3A_134 = tpu.vector_load %arg16[%get3A_133] {strides = array<i32>} : memref<128xi32, #tpu.memory_space<vmem>>, vector<16xi32>,
        %add3A_135 = vector.broadcast %mul3A_13 : i32 to vector<16xi32>
        %add3A_136 = arith.addi %get3A_134, %add3A_135 : vector<16xi32>
        %swap3A_137 = arith.constant 64 : index
        %swap3A_138 = tpu.vector_load %arg17[%swap3A_137] {strides = array<i32>} : memref<128xi32, #tpu.memory_space<vmem>>, vector<16xi32>,
        tpu.vector_store %arg17[%swap3A_137], %add3A_136 {strides = array<i32>} : memref<128xi32, #tpu.memory_space<vmem>>, vector<16xi32>,
        %get3A_139 = arith.constant 64 : index
        %get3A_140 = tpu.vector_load %arg18[%get3A_139] {strides = array<i32>} : memref<128xi32, #tpu.memory_space<vmem>>, vector<16xi32>,
        %add3A_141 = vector.broadcast %mul3A_15 : i32 to vector<16xi32>
        %add3A_142 = arith.addi %get3A_140, %add3A_141 : vector<16xi32>
        %swap3A_143 = arith.constant 64 : index
        %swap3A_144 = tpu.vector_load %arg18[%swap3A_143] {strides = array<i32>} : memref<128xi32, #tpu.memory_space<vmem>>, vector<16xi32>,
        tpu.vector_store %arg18[%swap3A_143], %add3A_142 {strides = array<i32>} : memref<128xi32, #tpu.memory_space<vmem>>, vector<16xi32>,
        %get3A_145 = arith.constant 80 : index
        %get3A_146 = tpu.vector_load %arg16[%get3A_145] {strides = array<i32>} : memref<128xi32, #tpu.memory_space<vmem>>, vector<16xi32>,
        %add3A_147 = vector.broadcast %mul3A_13 : i32 to vector<16xi32>
        %add3A_148 = arith.addi %get3A_146, %add3A_147 : vector<16xi32>
        %swap3A_149 = arith.constant 80 : index
        %swap3A_150 = tpu.vector_load %arg17[%swap3A_149] {strides = array<i32>} : memref<128xi32, #tpu.memory_space<vmem>>, vector<16xi32>,
        tpu.vector_store %arg17[%swap3A_149], %add3A_148 {strides = array<i32>} : memref<128xi32, #tpu.memory_space<vmem>>, vector<16xi32>,
        %get3A_151 = arith.constant 80 : index
        %get3A_152 = tpu.vector_load %arg18[%get3A_151] {strides = array<i32>} : memref<128xi32, #tpu.memory_space<vmem>>, vector<16xi32>,
        %add3A_153 = vector.broadcast %mul3A_15 : i32 to vector<16xi32>
        %add3A_154 = arith.addi %get3A_152, %add3A_153 : vector<16xi32>
        %swap3A_155 = arith.constant 80 : index
        %swap3A_156 = tpu.vector_load %arg18[%swap3A_155] {strides = array<i32>} : memref<128xi32, #tpu.memory_space<vmem>>, vector<16xi32>,
        tpu.vector_store %arg18[%swap3A_155], %add3A_154 {strides = array<i32>} : memref<128xi32, #tpu.memory_space<vmem>>, vector<16xi32>,
        %get3A_157 = arith.constant 96 : index
        %get3A_158 = tpu.vector_load %arg16[%get3A_157] {strides = array<i32>} : memref<128xi32, #tpu.memory_space<vmem>>, vector<16xi32>,
        %add3A_159 = vector.broadcast %mul3A_13 : i32 to vector<16xi32>
        %add3A_160 = arith.addi %get3A_158, %add3A_159 : vector<16xi32>
        %swap3A_161 = arith.constant 96 : index
        %swap3A_162 = tpu.vector_load %arg17[%swap3A_161] {strides = array<i32>} : memref<128xi32, #tpu.memory_space<vmem>>, vector<16xi32>,
        tpu.vector_store %arg17[%swap3A_161], %add3A_160 {strides = array<i32>} : memref<128xi32, #tpu.memory_space<vmem>>, vector<16xi32>,
        %get3A_163 = arith.constant 96 : index
        %get3A_164 = tpu.vector_load %arg18[%get3A_163] {strides = array<i32>} : memref<128xi32, #tpu.memory_space<vmem>>, vector<16xi32>,
        %add3A_165 = vector.broadcast %mul3A_15 : i32 to vector<16xi32>
        %add3A_166 = arith.addi %get3A_164, %add3A_165 : vector<16xi32>
        %swap3A_167 = arith.constant 96 : index
        %swap3A_168 = tpu.vector_load %arg18[%swap3A_167] {strides = array<i32>} : memref<128xi32, #tpu.memory_space<vmem>>, vector<16xi32>,
        tpu.vector_store %arg18[%swap3A_167], %add3A_166 {strides = array<i32>} : memref<128xi32, #tpu.memory_space<vmem>>, vector<16xi32>,
        %get3A_169 = arith.constant 112 : index
        %get3A_170 = tpu.vector_load %arg16[%get3A_169] {strides = array<i32>} : memref<128xi32, #tpu.memory_space<vmem>>, vector<16xi32>,
        %add3A_171 = vector.broadcast %mul3A_13 : i32 to vector<16xi32>
        %add3A_172 = arith.addi %get3A_170, %add3A_171 : vector<16xi32>
        %swap3A_173 = arith.constant 112 : index
        %swap3A_174 = tpu.vector_load %arg17[%swap3A_173] {strides = array<i32>} : memref<128xi32, #tpu.memory_space<vmem>>, vector<16xi32>,
        tpu.vector_store %arg17[%swap3A_173], %add3A_172 {strides = array<i32>} : memref<128xi32, #tpu.memory_space<vmem>>, vector<16xi32>,
        %get3A_175 = arith.constant 112 : index
        %get3A_176 = tpu.vector_load %arg18[%get3A_175] {strides = array<i32>} : memref<128xi32, #tpu.memory_space<vmem>>, vector<16xi32>,
        %add3A_177 = vector.broadcast %mul3A_15 : i32 to vector<16xi32>
        %add3A_178 = arith.addi %get3A_176, %add3A_177 : vector<16xi32>
        %swap3A_179 = arith.constant 112 : index
        %swap3A_180 = tpu.vector_load %arg18[%swap3A_179] {strides = array<i32>} : memref<128xi32, #tpu.memory_space<vmem>>, vector<16xi32>,
        tpu.vector_store %arg18[%swap3A_179], %add3A_178 {strides = array<i32>} : memref<128xi32, #tpu.memory_space<vmem>>, vector<16xi32>,
        %dma_start3A = arith.constant 0 : i32
        %dma_start3A_181 = arith.constant 0 : i32
        %dma_start3A_182 = tpu.memref_slice %arg2[%dma_start3A, %dma_start3A_181] : memref<50000x32xf32, #tpu.memory_space<hbm>> -> memref<50000x32xf32, #tpu.memory_space<hbm>>
        tpu.enqueue_indirect_dma source(%dma_start3A_182 : memref<50000x32xf32, #tpu.memory_space<hbm>>) target(%arg19 : memref<128x32xf32, #tpu.memory_space<vmem>>) offsets(%arg17 : memref<128xi32, #tpu.memory_space<vmem>>) semaphore(%arg30 : memref<!tpu.dma_semaphore, #tpu.memory_space<semaphore_mem>>)
        %dma_start3A_183 = arith.constant 0 : i32
        %dma_start3A_184 = arith.constant 0 : i32
        %dma_start3A_185 = tpu.memref_slice %arg3[%dma_start3A_183, %dma_start3A_184] : memref<100000x32xf32, #tpu.memory_space<hbm>> -> memref<100000x32xf32, #tpu.memory_space<hbm>>
        tpu.enqueue_indirect_dma source(%dma_start3A_185 : memref<100000x32xf32, #tpu.memory_space<hbm>>) target(%arg20 : memref<128x32xf32, #tpu.memory_space<vmem>>) offsets(%arg18 : memref<128xi32, #tpu.memory_space<vmem>>) semaphore(%arg31 : memref<!tpu.dma_semaphore, #tpu.memory_space<semaphore_mem>>)
        %dma_start3A_186 = arith.constant 0 : i32
        %dma_start3A_187 = arith.constant 0 : i32
        %dma_start3A_188 = tpu.memref_slice %arg4[%dma_start3A_186, %dma_start3A_187] : memref<100000x32xf32, #tpu.memory_space<hbm>> -> memref<100000x32xf32, #tpu.memory_space<hbm>>
        tpu.enqueue_indirect_dma source(%dma_start3A_188 : memref<100000x32xf32, #tpu.memory_space<hbm>>) target(%arg21 : memref<128x32xf32, #tpu.memory_space<vmem>>) offsets(%arg18 : memref<128xi32, #tpu.memory_space<vmem>>) semaphore(%arg32 : memref<!tpu.dma_semaphore, #tpu.memory_space<semaphore_mem>>)
        %mul3A_189 = arith.constant 32 : i32
        %mul3A_190 = arith.muli %add3A_44, %mul3A_189 : i32
        %add3A_191 = arith.addi %mul3A_17, %mul3A_190 : i32
        %dma_start3A_192 = arith.constant 0 : i32
        %dma_start3A_193 = tpu.memref_slice %arg5[%add3A_191, %dma_start3A_192] : memref<400000x128xf32, #tpu.memory_space<hbm>> -> memref<32x128xf32, #tpu.memory_space<hbm>>
        %dma_start3A_194 = arith.constant 0 : i32
        %dma_start3A_195 = tpu.memref_slice %arg5[%add3A_191, %dma_start3A_194] : memref<400000x128xf32, #tpu.memory_space<hbm>> -> memref<32x128xf32, #tpu.memory_space<hbm>>
        tpu.enqueue_dma source(%dma_start3A_195 : memref<32x128xf32, #tpu.memory_space<hbm>>) target(%arg22 : memref<32x128xf32, #tpu.memory_space<vmem>>) target_semaphore(%arg33 : memref<!tpu.dma_semaphore, #tpu.memory_space<semaphore_mem>>)
      } else {
      }
      %mul3A_50 = arith.constant 2 : i32
      %mul3A_51 = arith.muli %mul3A_50, %scan3A_36 : i32
      %mul3A_52 = arith.constant 16 : i32
      %mul3A_53 = arith.muli %mul3A_52, %mul3A_51 : i32
      %add3A_54 = arith.addi %arg1, %mul3A_53 : i32
      %lt3A_55 = arith.constant 6250 : i32
      %lt3A_56 = arith.cmpi slt, %add3A_54, %lt3A_55 : i32
      %convert_element_type3A_57 = arith.extui %lt3A_56 : i1 to i32
      %cond3A_58 = arith.constant 0 : i32
      %cond3A_59 = arith.cmpi ne, %convert_element_type3A_57, %cond3A_58 : i32
      scf.if %cond3A_59 {
        %dma_wait3A = arith.constant 0 : i32
        %dma_wait3A_85 = arith.constant 0 : i32
        %dma_wait3A_86 = tpu.memref_slice %arg2[%dma_wait3A, %dma_wait3A_85] : memref<50000x32xf32, #tpu.memory_space<hbm>> -> memref<50000x32xf32, #tpu.memory_space<hbm>>
        tpu.wait_indirect_dma semaphore(%arg26 : memref<!tpu.dma_semaphore, #tpu.memory_space<semaphore_mem>>) src(%dma_wait3A_86 : memref<50000x32xf32, #tpu.memory_space<hbm>>) dst(%arg12 : memref<128x32xf32, #tpu.memory_space<vmem>>)
        %dma_wait3A_87 = arith.constant 0 : i32
        %dma_wait3A_88 = arith.constant 0 : i32
        %dma_wait3A_89 = tpu.memref_slice %arg3[%dma_wait3A_87, %dma_wait3A_88] : memref<100000x32xf32, #tpu.memory_space<hbm>> -> memref<100000x32xf32, #tpu.memory_space<hbm>>
        tpu.wait_indirect_dma semaphore(%arg27 : memref<!tpu.dma_semaphore, #tpu.memory_space<semaphore_mem>>) src(%dma_wait3A_89 : memref<100000x32xf32, #tpu.memory_space<hbm>>) dst(%arg13 : memref<128x32xf32, #tpu.memory_space<vmem>>)
        %dma_wait3A_90 = arith.constant 0 : i32
        %dma_wait3A_91 = arith.constant 0 : i32
        %dma_wait3A_92 = tpu.memref_slice %arg4[%dma_wait3A_90, %dma_wait3A_91] : memref<100000x32xf32, #tpu.memory_space<hbm>> -> memref<100000x32xf32, #tpu.memory_space<hbm>>
        tpu.wait_indirect_dma semaphore(%arg28 : memref<!tpu.dma_semaphore, #tpu.memory_space<semaphore_mem>>) src(%dma_wait3A_92 : memref<100000x32xf32, #tpu.memory_space<hbm>>) dst(%arg14 : memref<128x32xf32, #tpu.memory_space<vmem>>)
        %dma_wait3A_93 = arith.constant 0 : i32
        %dma_wait3A_94 = arith.constant 0 : i32
        %dma_wait3A_95 = tpu.memref_slice %arg5[%dma_wait3A_93, %dma_wait3A_94] : memref<400000x128xf32, #tpu.memory_space<hbm>> -> memref<32x128xf32, #tpu.memory_space<hbm>>
        %dma_wait3A_96 = arith.constant 0 : i32
        %dma_wait3A_97 = arith.constant 0 : i32
        %dma_wait3A_98 = tpu.memref_slice %arg5[%dma_wait3A_96, %dma_wait3A_97] : memref<400000x128xf32, #tpu.memory_space<hbm>> -> memref<32x128xf32, #tpu.memory_space<hbm>>
        tpu.wait_dma2 semaphore(%arg29 : memref<!tpu.dma_semaphore, #tpu.memory_space<semaphore_mem>>) src(%dma_wait3A_98 : memref<32x128xf32, #tpu.memory_space<hbm>>) dst(%arg15 : memref<32x128xf32, #tpu.memory_space<vmem>>)
        %parallel_loop3A = arith.constant 0 : i32
        %parallel_loop3A_99 = arith.constant 128 : i32
        %parallel_loop3A_100 = arith.constant 1 : i32
        scf.for %parallel_loop3A_101 = %parallel_loop3A to %parallel_loop3A_99 step %parallel_loop3A_100  : i32 {
          %parallel_loop3A_102 = tpu.iota {dimensions = array<i32: 0>} : vector<16xi32>
          %parallel_loop3A_103 = arith.constant 4 : i32
          %parallel_loop3A_104 = arith.divsi %parallel_loop3A_101, %parallel_loop3A_103 : i32
          %parallel_loop3A_105 = arith.constant 0 : i32
          %parallel_loop3A_106 = arith.cmpi sgt, %parallel_loop3A_101, %parallel_loop3A_105 : i32
          %parallel_loop3A_107 = arith.extui %parallel_loop3A_106 : i1 to i32
          %parallel_loop3A_108 = arith.constant 0 : i32
          %parallel_loop3A_109 = arith.cmpi slt, %parallel_loop3A_101, %parallel_loop3A_108 : i32
          %parallel_loop3A_110 = arith.extui %parallel_loop3A_109 : i1 to i32
          %parallel_loop3A_111 = arith.subi %parallel_loop3A_107, %parallel_loop3A_110 : i32
          %parallel_loop3A_112 = arith.constant 0 : i32
          %parallel_loop3A_113 = arith.cmpi sgt, %parallel_loop3A_103, %parallel_loop3A_112 : i32
          %parallel_loop3A_114 = arith.extui %parallel_loop3A_113 : i1 to i32
          %parallel_loop3A_115 = arith.constant 0 : i32
          %parallel_loop3A_116 = arith.cmpi slt, %parallel_loop3A_103, %parallel_loop3A_115 : i32
          %parallel_loop3A_117 = arith.extui %parallel_loop3A_116 : i1 to i32
          %parallel_loop3A_118 = arith.subi %parallel_loop3A_114, %parallel_loop3A_117 : i32
          %parallel_loop3A_119 = arith.cmpi ne, %parallel_loop3A_111, %parallel_loop3A_118 : i32
          %parallel_loop3A_120 = arith.remsi %parallel_loop3A_101, %parallel_loop3A_103 : i32
          %parallel_loop3A_121 = arith.constant 0 : i32
          %parallel_loop3A_122 = arith.cmpi ne, %parallel_loop3A_120, %parallel_loop3A_121 : i32
          %parallel_loop3A_123 = arith.andi %parallel_loop3A_119, %parallel_loop3A_122 : i1
          %parallel_loop3A_124 = arith.constant 1 : i32
          %parallel_loop3A_125 = arith.subi %parallel_loop3A_104, %parallel_loop3A_124 : i32
          %parallel_loop3A_126 = arith.select %parallel_loop3A_123, %parallel_loop3A_125, %parallel_loop3A_104 : i32
          %parallel_loop3A_127 = arith.constant 4 : i32
          %parallel_loop3A_128 = arith.muli %parallel_loop3A_127, %parallel_loop3A_126 : i32
          %parallel_loop3A_129 = arith.subi %parallel_loop3A_101, %parallel_loop3A_128 : i32
          %parallel_loop3A_130 = arith.constant 32 : i32
          %parallel_loop3A_131 = arith.muli %parallel_loop3A_129, %parallel_loop3A_130 : i32
          %parallel_loop3A_132 = arith.constant 0.000000e+00 : f32
          %parallel_loop3A_133 = vector.broadcast %parallel_loop3A_132 : f32 to vector<16xf32>
          %parallel_loop3A_134 = arith.constant 0 : i32
          %parallel_loop3A_135 = arith.addi %parallel_loop3A_131, %parallel_loop3A_134 : i32
          %parallel_loop3A_136 = arith.index_cast %parallel_loop3A_126 : i32 to index
          %parallel_loop3A_137 = arith.index_cast %parallel_loop3A_135 : i32 to index
          %parallel_loop3A_138 = tpu.vector_load %arg15[%parallel_loop3A_136, %parallel_loop3A_137] {strides = array<i32>} : memref<32x128xf32, #tpu.memory_space<vmem>>, vector<16xf32>,
          %parallel_loop3A_139 = arith.index_cast %parallel_loop3A_101 : i32 to index
          %parallel_loop3A_140 = arith.constant 0 : index
          %parallel_loop3A_141 = tpu.vector_load %arg12[%parallel_loop3A_139, %parallel_loop3A_140] {strides = array<i32>} : memref<128x32xf32, #tpu.memory_space<vmem>>, vector<16xf32>,
          %parallel_loop3A_142 = arith.index_cast %parallel_loop3A_101 : i32 to index
          %parallel_loop3A_143 = arith.constant 0 : index
          %parallel_loop3A_144 = tpu.vector_load %arg13[%parallel_loop3A_142, %parallel_loop3A_143] {strides = array<i32>} : memref<128x32xf32, #tpu.memory_space<vmem>>, vector<16xf32>,
          %parallel_loop3A_145 = arith.addf %parallel_loop3A_144, %parallel_loop3A_138 : vector<16xf32>
          %parallel_loop3A_146 = arith.mulf %parallel_loop3A_141, %parallel_loop3A_145 : vector<16xf32>
          %parallel_loop3A_147 = arith.constant true
          %parallel_loop3A_148 = vector.broadcast %parallel_loop3A_147 : i1 to vector<16xi1>
          %parallel_loop3A_149 = tpu.scan <sum>, %parallel_loop3A_146 masked %parallel_loop3A_148 : vector<16xf32>, vector<16xi1> -> vector<16xf32>
          %parallel_loop3A_150 = arith.constant 15 : i32
          %parallel_loop3A_151 = vector.broadcast %parallel_loop3A_150 : i32 to vector<16x1xi32>
          %parallel_loop3A_152 = vector.shape_cast %parallel_loop3A_151 : vector<16x1xi32> to vector<16xi32>
          %parallel_loop3A_153 = tpu.dynamic_gather %parallel_loop3A_149[%parallel_loop3A_152] in [0] : vector<16xf32>, vector<16xi32> -> vector<16xf32>
          %parallel_loop3A_154 = arith.constant 0 : i32
          %parallel_loop3A_155 = vector.broadcast %parallel_loop3A_154 : i32 to vector<16xi32>
          %parallel_loop3A_156 = arith.cmpi eq, %parallel_loop3A_102, %parallel_loop3A_155 : vector<16xi32>
          %parallel_loop3A_157 = arith.select %parallel_loop3A_156, %parallel_loop3A_153, %parallel_loop3A_133 : vector<16xi1>, vector<16xf32>
          %parallel_loop3A_158 = math.exp %parallel_loop3A_153 : vector<16xf32>
          %parallel_loop3A_159 = arith.index_cast %parallel_loop3A_101 : i32 to index
          %parallel_loop3A_160 = arith.constant 0 : index
          %parallel_loop3A_161 = tpu.vector_load %arg14[%parallel_loop3A_159, %parallel_loop3A_160] {strides = array<i32>} : memref<128x32xf32, #tpu.memory_space<vmem>>, vector<16xf32>,
          %parallel_loop3A_162 = arith.addf %parallel_loop3A_161, %parallel_loop3A_138 : vector<16xf32>
          %parallel_loop3A_163 = arith.mulf %parallel_loop3A_162, %parallel_loop3A_158 : vector<16xf32>
          %parallel_loop3A_164 = arith.index_cast %parallel_loop3A_101 : i32 to index
          %parallel_loop3A_165 = arith.constant 0 : index
          %parallel_loop3A_166 = tpu.vector_load %arg23[%parallel_loop3A_164, %parallel_loop3A_165] {strides = array<i32>} : memref<128x48xf32, #tpu.memory_space<vmem>>, vector<16xf32>,
          tpu.vector_store %arg23[%parallel_loop3A_164, %parallel_loop3A_165], %parallel_loop3A_163 {strides = array<i32>} : memref<128x48xf32, #tpu.memory_space<vmem>>, vector<16xf32>,
          %parallel_loop3A_167 = arith.constant 16 : i32
          %parallel_loop3A_168 = arith.addi %parallel_loop3A_131, %parallel_loop3A_167 : i32
          %parallel_loop3A_169 = arith.index_cast %parallel_loop3A_126 : i32 to index
          %parallel_loop3A_170 = arith.index_cast %parallel_loop3A_168 : i32 to index
          %parallel_loop3A_171 = tpu.vector_load %arg15[%parallel_loop3A_169, %parallel_loop3A_170] {strides = array<i32>} : memref<32x128xf32, #tpu.memory_space<vmem>>, vector<16xf32>,
          %parallel_loop3A_172 = arith.index_cast %parallel_loop3A_101 : i32 to index
          %parallel_loop3A_173 = arith.constant 16 : index
          %parallel_loop3A_174 = tpu.vector_load %arg12[%parallel_loop3A_172, %parallel_loop3A_173] {strides = array<i32>} : memref<128x32xf32, #tpu.memory_space<vmem>>, vector<16xf32>,
          %parallel_loop3A_175 = arith.index_cast %parallel_loop3A_101 : i32 to index
          %parallel_loop3A_176 = arith.constant 16 : index
          %parallel_loop3A_177 = tpu.vector_load %arg13[%parallel_loop3A_175, %parallel_loop3A_176] {strides = array<i32>} : memref<128x32xf32, #tpu.memory_space<vmem>>, vector<16xf32>,
          %parallel_loop3A_178 = arith.addf %parallel_loop3A_177, %parallel_loop3A_171 : vector<16xf32>
          %parallel_loop3A_179 = arith.mulf %parallel_loop3A_174, %parallel_loop3A_178 : vector<16xf32>
          %parallel_loop3A_180 = arith.constant true
          %parallel_loop3A_181 = vector.broadcast %parallel_loop3A_180 : i1 to vector<16xi1>
          %parallel_loop3A_182 = tpu.scan <sum>, %parallel_loop3A_179 masked %parallel_loop3A_181 : vector<16xf32>, vector<16xi1> -> vector<16xf32>
          %parallel_loop3A_183 = arith.constant 15 : i32
          %parallel_loop3A_184 = vector.broadcast %parallel_loop3A_183 : i32 to vector<16x1xi32>
          %parallel_loop3A_185 = vector.shape_cast %parallel_loop3A_184 : vector<16x1xi32> to vector<16xi32>
          %parallel_loop3A_186 = tpu.dynamic_gather %parallel_loop3A_182[%parallel_loop3A_185] in [0] : vector<16xf32>, vector<16xi32> -> vector<16xf32>
          %parallel_loop3A_187 = arith.constant 1 : i32
          %parallel_loop3A_188 = vector.broadcast %parallel_loop3A_187 : i32 to vector<16xi32>
          %parallel_loop3A_189 = arith.cmpi eq, %parallel_loop3A_102, %parallel_loop3A_188 : vector<16xi32>
          %parallel_loop3A_190 = arith.select %parallel_loop3A_189, %parallel_loop3A_186, %parallel_loop3A_157 : vector<16xi1>, vector<16xf32>
          %parallel_loop3A_191 = math.exp %parallel_loop3A_186 : vector<16xf32>
          %parallel_loop3A_192 = arith.index_cast %parallel_loop3A_101 : i32 to index
          %parallel_loop3A_193 = arith.constant 16 : index
          %parallel_loop3A_194 = tpu.vector_load %arg14[%parallel_loop3A_192, %parallel_loop3A_193] {strides = array<i32>} : memref<128x32xf32, #tpu.memory_space<vmem>>, vector<16xf32>,
          %parallel_loop3A_195 = arith.addf %parallel_loop3A_194, %parallel_loop3A_171 : vector<16xf32>
          %parallel_loop3A_196 = arith.mulf %parallel_loop3A_195, %parallel_loop3A_191 : vector<16xf32>
          %parallel_loop3A_197 = arith.index_cast %parallel_loop3A_101 : i32 to index
          %parallel_loop3A_198 = arith.constant 16 : index
          %parallel_loop3A_199 = tpu.vector_load %arg23[%parallel_loop3A_197, %parallel_loop3A_198] {strides = array<i32>} : memref<128x48xf32, #tpu.memory_space<vmem>>, vector<16xf32>,
          tpu.vector_store %arg23[%parallel_loop3A_197, %parallel_loop3A_198], %parallel_loop3A_196 {strides = array<i32>} : memref<128x48xf32, #tpu.memory_space<vmem>>, vector<16xf32>,
          %parallel_loop3A_200 = math.exp %parallel_loop3A_190 : vector<16xf32>
          %parallel_loop3A_201 = arith.index_cast %parallel_loop3A_101 : i32 to index
          %parallel_loop3A_202 = arith.constant 32 : index
          %parallel_loop3A_203 = tpu.vector_load %arg23[%parallel_loop3A_201, %parallel_loop3A_202] {strides = array<i32>} : memref<128x48xf32, #tpu.memory_space<vmem>>, vector<16xf32>,
          tpu.vector_store %arg23[%parallel_loop3A_201, %parallel_loop3A_202], %parallel_loop3A_200 {strides = array<i32>} : memref<128x48xf32, #tpu.memory_space<vmem>>, vector<16xf32>,
        } {sc.loop_unroll_factor = 4 : i64, sc.parallel_access}
        "tpu.region"() ({
          %run_scoped3A = tpu.sem_alloc : memref<!tpu.dma_semaphore, #tpu.memory_space<semaphore_mem>>
          %dma_start3A = arith.constant 0 : i32
          %dma_start3A_101 = arith.constant 0 : i32
          %dma_start3A_102 = tpu.memref_slice %arg25[%dma_start3A, %dma_start3A_101] : memref<25088x48xf32, #tpu.memory_space<vmem_shared>> -> memref<25088x48xf32, #tpu.memory_space<vmem_shared>>
          tpu.enqueue_indirect_dma source(%arg23 : memref<128x48xf32, #tpu.memory_space<vmem>>) target(%dma_start3A_102 : memref<25088x48xf32, #tpu.memory_space<vmem_shared>>) offsets(%arg9 : memref<128xi32, #tpu.memory_space<vmem>>) semaphore(%run_scoped3A : memref<!tpu.dma_semaphore, #tpu.memory_space<semaphore_mem>>) {add = true}
          %dma_wait3A_103 = arith.constant 0 : i32
          %dma_wait3A_104 = arith.constant 0 : i32
          %dma_wait3A_105 = tpu.memref_slice %arg25[%dma_wait3A_103, %dma_wait3A_104] : memref<25088x48xf32, #tpu.memory_space<vmem_shared>> -> memref<25088x48xf32, #tpu.memory_space<vmem_shared>>
          tpu.wait_indirect_dma semaphore(%run_scoped3A : memref<!tpu.dma_semaphore, #tpu.memory_space<semaphore_mem>>) src(%arg23 : memref<128x48xf32, #tpu.memory_space<vmem>>) dst(%dma_wait3A_105 : memref<25088x48xf32, #tpu.memory_space<vmem_shared>>)
          tpu.yield
        }) : () -> ()
      } else {
      }
      %mul3A_60 = arith.constant 2 : i32
      %mul3A_61 = arith.muli %mul3A_60, %scan3A_36 : i32
      %add3A_62 = arith.constant 2 : i32
      %add3A_63 = arith.addi %mul3A_61, %add3A_62 : i32
      %mul3A_64 = arith.constant 16 : i32
      %mul3A_65 = arith.muli %mul3A_64, %add3A_63 : i32
      %add3A_66 = arith.addi %arg1, %mul3A_65 : i32
      %lt3A_67 = arith.constant 6250 : i32
      %lt3A_68 = arith.cmpi slt, %add3A_66, %lt3A_67 : i32
      %convert_element_type3A_69 = arith.extui %lt3A_68 : i1 to i32
      %cond3A_70 = arith.constant 0 : i32
      %cond3A_71 = arith.cmpi ne, %convert_element_type3A_69, %cond3A_70 : i32
      scf.if %cond3A_71 {
        %mul3A_85 = arith.constant 128 : i32
        %mul3A_86 = arith.muli %add3A_66, %mul3A_85 : i32
        "tpu.region"() ({
          %run_scoped3A = tpu.sem_alloc : memref<!tpu.dma_semaphore, #tpu.memory_space<semaphore_mem>>
          %dma_start3A_196 = tpu.memref_slice %arg7[%mul3A_86] : memref<800000xi32, #tpu.memory_space<hbm>> -> memref<128xi32, #tpu.memory_space<hbm>>
          %dma_start3A_197 = tpu.memref_slice %arg7[%mul3A_86] : memref<800000xi32, #tpu.memory_space<hbm>> -> memref<128xi32, #tpu.memory_space<hbm>>
          tpu.enqueue_dma source(%dma_start3A_197 : memref<128xi32, #tpu.memory_space<hbm>>) target(%arg9 : memref<128xi32, #tpu.memory_space<vmem>>) target_semaphore(%run_scoped3A : memref<!tpu.dma_semaphore, #tpu.memory_space<semaphore_mem>>)
          %dma_wait3A = tpu.memref_slice %arg7[%mul3A_86] : memref<800000xi32, #tpu.memory_space<hbm>> -> memref<128xi32, #tpu.memory_space<hbm>>
          %dma_wait3A_198 = tpu.memref_slice %arg7[%mul3A_86] : memref<800000xi32, #tpu.memory_space<hbm>> -> memref<128xi32, #tpu.memory_space<hbm>>
          tpu.wait_dma2 semaphore(%run_scoped3A : memref<!tpu.dma_semaphore, #tpu.memory_space<semaphore_mem>>) src(%dma_wait3A_198 : memref<128xi32, #tpu.memory_space<hbm>>) dst(%arg9 : memref<128xi32, #tpu.memory_space<vmem>>)
          tpu.yield
        }) : () -> ()
        "tpu.region"() ({
          %run_scoped3A = tpu.sem_alloc : memref<!tpu.dma_semaphore, #tpu.memory_space<semaphore_mem>>
          %dma_start3A_196 = tpu.memref_slice %arg6[%mul3A_86] : memref<800000xi32, #tpu.memory_space<hbm>> -> memref<128xi32, #tpu.memory_space<hbm>>
          %dma_start3A_197 = tpu.memref_slice %arg6[%mul3A_86] : memref<800000xi32, #tpu.memory_space<hbm>> -> memref<128xi32, #tpu.memory_space<hbm>>
          tpu.enqueue_dma source(%dma_start3A_197 : memref<128xi32, #tpu.memory_space<hbm>>) target(%arg11 : memref<128xi32, #tpu.memory_space<vmem>>) target_semaphore(%run_scoped3A : memref<!tpu.dma_semaphore, #tpu.memory_space<semaphore_mem>>)
          %dma_wait3A = tpu.memref_slice %arg6[%mul3A_86] : memref<800000xi32, #tpu.memory_space<hbm>> -> memref<128xi32, #tpu.memory_space<hbm>>
          %dma_wait3A_198 = tpu.memref_slice %arg6[%mul3A_86] : memref<800000xi32, #tpu.memory_space<hbm>> -> memref<128xi32, #tpu.memory_space<hbm>>
          tpu.wait_dma2 semaphore(%run_scoped3A : memref<!tpu.dma_semaphore, #tpu.memory_space<semaphore_mem>>) src(%dma_wait3A_198 : memref<128xi32, #tpu.memory_space<hbm>>) dst(%arg11 : memref<128xi32, #tpu.memory_space<vmem>>)
          tpu.yield
        }) : () -> ()
        %get3A = arith.constant 0 : index
        %get3A_87 = tpu.vector_load %arg9[%get3A] {strides = array<i32>} : memref<128xi32, #tpu.memory_space<vmem>>, vector<16xi32>,
        %add3A_88 = vector.broadcast %mul3A_13 : i32 to vector<16xi32>
        %add3A_89 = arith.addi %get3A_87, %add3A_88 : vector<16xi32>
        %swap3A = arith.constant 0 : index
        %swap3A_90 = tpu.vector_load %arg10[%swap3A] {strides = array<i32>} : memref<128xi32, #tpu.memory_space<vmem>>, vector<16xi32>,
        tpu.vector_store %arg10[%swap3A], %add3A_89 {strides = array<i32>} : memref<128xi32, #tpu.memory_space<vmem>>, vector<16xi32>,
        %get3A_91 = arith.constant 0 : index
        %get3A_92 = tpu.vector_load %arg11[%get3A_91] {strides = array<i32>} : memref<128xi32, #tpu.memory_space<vmem>>, vector<16xi32>,
        %add3A_93 = vector.broadcast %mul3A_15 : i32 to vector<16xi32>
        %add3A_94 = arith.addi %get3A_92, %add3A_93 : vector<16xi32>
        %swap3A_95 = arith.constant 0 : index
        %swap3A_96 = tpu.vector_load %arg11[%swap3A_95] {strides = array<i32>} : memref<128xi32, #tpu.memory_space<vmem>>, vector<16xi32>,
        tpu.vector_store %arg11[%swap3A_95], %add3A_94 {strides = array<i32>} : memref<128xi32, #tpu.memory_space<vmem>>, vector<16xi32>,
        %get3A_97 = arith.constant 16 : index
        %get3A_98 = tpu.vector_load %arg9[%get3A_97] {strides = array<i32>} : memref<128xi32, #tpu.memory_space<vmem>>, vector<16xi32>,
        %add3A_99 = vector.broadcast %mul3A_13 : i32 to vector<16xi32>
        %add3A_100 = arith.addi %get3A_98, %add3A_99 : vector<16xi32>
        %swap3A_101 = arith.constant 16 : index
        %swap3A_102 = tpu.vector_load %arg10[%swap3A_101] {strides = array<i32>} : memref<128xi32, #tpu.memory_space<vmem>>, vector<16xi32>,
        tpu.vector_store %arg10[%swap3A_101], %add3A_100 {strides = array<i32>} : memref<128xi32, #tpu.memory_space<vmem>>, vector<16xi32>,
        %get3A_103 = arith.constant 16 : index
        %get3A_104 = tpu.vector_load %arg11[%get3A_103] {strides = array<i32>} : memref<128xi32, #tpu.memory_space<vmem>>, vector<16xi32>,
        %add3A_105 = vector.broadcast %mul3A_15 : i32 to vector<16xi32>
        %add3A_106 = arith.addi %get3A_104, %add3A_105 : vector<16xi32>
        %swap3A_107 = arith.constant 16 : index
        %swap3A_108 = tpu.vector_load %arg11[%swap3A_107] {strides = array<i32>} : memref<128xi32, #tpu.memory_space<vmem>>, vector<16xi32>,
        tpu.vector_store %arg11[%swap3A_107], %add3A_106 {strides = array<i32>} : memref<128xi32, #tpu.memory_space<vmem>>, vector<16xi32>,
        %get3A_109 = arith.constant 32 : index
        %get3A_110 = tpu.vector_load %arg9[%get3A_109] {strides = array<i32>} : memref<128xi32, #tpu.memory_space<vmem>>, vector<16xi32>,
        %add3A_111 = vector.broadcast %mul3A_13 : i32 to vector<16xi32>
        %add3A_112 = arith.addi %get3A_110, %add3A_111 : vector<16xi32>
        %swap3A_113 = arith.constant 32 : index
        %swap3A_114 = tpu.vector_load %arg10[%swap3A_113] {strides = array<i32>} : memref<128xi32, #tpu.memory_space<vmem>>, vector<16xi32>,
        tpu.vector_store %arg10[%swap3A_113], %add3A_112 {strides = array<i32>} : memref<128xi32, #tpu.memory_space<vmem>>, vector<16xi32>,
        %get3A_115 = arith.constant 32 : index
        %get3A_116 = tpu.vector_load %arg11[%get3A_115] {strides = array<i32>} : memref<128xi32, #tpu.memory_space<vmem>>, vector<16xi32>,
        %add3A_117 = vector.broadcast %mul3A_15 : i32 to vector<16xi32>
        %add3A_118 = arith.addi %get3A_116, %add3A_117 : vector<16xi32>
        %swap3A_119 = arith.constant 32 : index
        %swap3A_120 = tpu.vector_load %arg11[%swap3A_119] {strides = array<i32>} : memref<128xi32, #tpu.memory_space<vmem>>, vector<16xi32>,
        tpu.vector_store %arg11[%swap3A_119], %add3A_118 {strides = array<i32>} : memref<128xi32, #tpu.memory_space<vmem>>, vector<16xi32>,
        %get3A_121 = arith.constant 48 : index
        %get3A_122 = tpu.vector_load %arg9[%get3A_121] {strides = array<i32>} : memref<128xi32, #tpu.memory_space<vmem>>, vector<16xi32>,
        %add3A_123 = vector.broadcast %mul3A_13 : i32 to vector<16xi32>
        %add3A_124 = arith.addi %get3A_122, %add3A_123 : vector<16xi32>
        %swap3A_125 = arith.constant 48 : index
        %swap3A_126 = tpu.vector_load %arg10[%swap3A_125] {strides = array<i32>} : memref<128xi32, #tpu.memory_space<vmem>>, vector<16xi32>,
        tpu.vector_store %arg10[%swap3A_125], %add3A_124 {strides = array<i32>} : memref<128xi32, #tpu.memory_space<vmem>>, vector<16xi32>,
        %get3A_127 = arith.constant 48 : index
        %get3A_128 = tpu.vector_load %arg11[%get3A_127] {strides = array<i32>} : memref<128xi32, #tpu.memory_space<vmem>>, vector<16xi32>,
        %add3A_129 = vector.broadcast %mul3A_15 : i32 to vector<16xi32>
        %add3A_130 = arith.addi %get3A_128, %add3A_129 : vector<16xi32>
        %swap3A_131 = arith.constant 48 : index
        %swap3A_132 = tpu.vector_load %arg11[%swap3A_131] {strides = array<i32>} : memref<128xi32, #tpu.memory_space<vmem>>, vector<16xi32>,
        tpu.vector_store %arg11[%swap3A_131], %add3A_130 {strides = array<i32>} : memref<128xi32, #tpu.memory_space<vmem>>, vector<16xi32>,
        %get3A_133 = arith.constant 64 : index
        %get3A_134 = tpu.vector_load %arg9[%get3A_133] {strides = array<i32>} : memref<128xi32, #tpu.memory_space<vmem>>, vector<16xi32>,
        %add3A_135 = vector.broadcast %mul3A_13 : i32 to vector<16xi32>
        %add3A_136 = arith.addi %get3A_134, %add3A_135 : vector<16xi32>
        %swap3A_137 = arith.constant 64 : index
        %swap3A_138 = tpu.vector_load %arg10[%swap3A_137] {strides = array<i32>} : memref<128xi32, #tpu.memory_space<vmem>>, vector<16xi32>,
        tpu.vector_store %arg10[%swap3A_137], %add3A_136 {strides = array<i32>} : memref<128xi32, #tpu.memory_space<vmem>>, vector<16xi32>,
        %get3A_139 = arith.constant 64 : index
        %get3A_140 = tpu.vector_load %arg11[%get3A_139] {strides = array<i32>} : memref<128xi32, #tpu.memory_space<vmem>>, vector<16xi32>,
        %add3A_141 = vector.broadcast %mul3A_15 : i32 to vector<16xi32>
        %add3A_142 = arith.addi %get3A_140, %add3A_141 : vector<16xi32>
        %swap3A_143 = arith.constant 64 : index
        %swap3A_144 = tpu.vector_load %arg11[%swap3A_143] {strides = array<i32>} : memref<128xi32, #tpu.memory_space<vmem>>, vector<16xi32>,
        tpu.vector_store %arg11[%swap3A_143], %add3A_142 {strides = array<i32>} : memref<128xi32, #tpu.memory_space<vmem>>, vector<16xi32>,
        %get3A_145 = arith.constant 80 : index
        %get3A_146 = tpu.vector_load %arg9[%get3A_145] {strides = array<i32>} : memref<128xi32, #tpu.memory_space<vmem>>, vector<16xi32>,
        %add3A_147 = vector.broadcast %mul3A_13 : i32 to vector<16xi32>
        %add3A_148 = arith.addi %get3A_146, %add3A_147 : vector<16xi32>
        %swap3A_149 = arith.constant 80 : index
        %swap3A_150 = tpu.vector_load %arg10[%swap3A_149] {strides = array<i32>} : memref<128xi32, #tpu.memory_space<vmem>>, vector<16xi32>,
        tpu.vector_store %arg10[%swap3A_149], %add3A_148 {strides = array<i32>} : memref<128xi32, #tpu.memory_space<vmem>>, vector<16xi32>,
        %get3A_151 = arith.constant 80 : index
        %get3A_152 = tpu.vector_load %arg11[%get3A_151] {strides = array<i32>} : memref<128xi32, #tpu.memory_space<vmem>>, vector<16xi32>,
        %add3A_153 = vector.broadcast %mul3A_15 : i32 to vector<16xi32>
        %add3A_154 = arith.addi %get3A_152, %add3A_153 : vector<16xi32>
        %swap3A_155 = arith.constant 80 : index
        %swap3A_156 = tpu.vector_load %arg11[%swap3A_155] {strides = array<i32>} : memref<128xi32, #tpu.memory_space<vmem>>, vector<16xi32>,
        tpu.vector_store %arg11[%swap3A_155], %add3A_154 {strides = array<i32>} : memref<128xi32, #tpu.memory_space<vmem>>, vector<16xi32>,
        %get3A_157 = arith.constant 96 : index
        %get3A_158 = tpu.vector_load %arg9[%get3A_157] {strides = array<i32>} : memref<128xi32, #tpu.memory_space<vmem>>, vector<16xi32>,
        %add3A_159 = vector.broadcast %mul3A_13 : i32 to vector<16xi32>
        %add3A_160 = arith.addi %get3A_158, %add3A_159 : vector<16xi32>
        %swap3A_161 = arith.constant 96 : index
        %swap3A_162 = tpu.vector_load %arg10[%swap3A_161] {strides = array<i32>} : memref<128xi32, #tpu.memory_space<vmem>>, vector<16xi32>,
        tpu.vector_store %arg10[%swap3A_161], %add3A_160 {strides = array<i32>} : memref<128xi32, #tpu.memory_space<vmem>>, vector<16xi32>,
        %get3A_163 = arith.constant 96 : index
        %get3A_164 = tpu.vector_load %arg11[%get3A_163] {strides = array<i32>} : memref<128xi32, #tpu.memory_space<vmem>>, vector<16xi32>,
        %add3A_165 = vector.broadcast %mul3A_15 : i32 to vector<16xi32>
        %add3A_166 = arith.addi %get3A_164, %add3A_165 : vector<16xi32>
        %swap3A_167 = arith.constant 96 : index
        %swap3A_168 = tpu.vector_load %arg11[%swap3A_167] {strides = array<i32>} : memref<128xi32, #tpu.memory_space<vmem>>, vector<16xi32>,
        tpu.vector_store %arg11[%swap3A_167], %add3A_166 {strides = array<i32>} : memref<128xi32, #tpu.memory_space<vmem>>, vector<16xi32>,
        %get3A_169 = arith.constant 112 : index
        %get3A_170 = tpu.vector_load %arg9[%get3A_169] {strides = array<i32>} : memref<128xi32, #tpu.memory_space<vmem>>, vector<16xi32>,
        %add3A_171 = vector.broadcast %mul3A_13 : i32 to vector<16xi32>
        %add3A_172 = arith.addi %get3A_170, %add3A_171 : vector<16xi32>
        %swap3A_173 = arith.constant 112 : index
        %swap3A_174 = tpu.vector_load %arg10[%swap3A_173] {strides = array<i32>} : memref<128xi32, #tpu.memory_space<vmem>>, vector<16xi32>,
        tpu.vector_store %arg10[%swap3A_173], %add3A_172 {strides = array<i32>} : memref<128xi32, #tpu.memory_space<vmem>>, vector<16xi32>,
        %get3A_175 = arith.constant 112 : index
        %get3A_176 = tpu.vector_load %arg11[%get3A_175] {strides = array<i32>} : memref<128xi32, #tpu.memory_space<vmem>>, vector<16xi32>,
        %add3A_177 = vector.broadcast %mul3A_15 : i32 to vector<16xi32>
        %add3A_178 = arith.addi %get3A_176, %add3A_177 : vector<16xi32>
        %swap3A_179 = arith.constant 112 : index
        %swap3A_180 = tpu.vector_load %arg11[%swap3A_179] {strides = array<i32>} : memref<128xi32, #tpu.memory_space<vmem>>, vector<16xi32>,
        tpu.vector_store %arg11[%swap3A_179], %add3A_178 {strides = array<i32>} : memref<128xi32, #tpu.memory_space<vmem>>, vector<16xi32>,
        %dma_start3A = arith.constant 0 : i32
        %dma_start3A_181 = arith.constant 0 : i32
        %dma_start3A_182 = tpu.memref_slice %arg2[%dma_start3A, %dma_start3A_181] : memref<50000x32xf32, #tpu.memory_space<hbm>> -> memref<50000x32xf32, #tpu.memory_space<hbm>>
        tpu.enqueue_indirect_dma source(%dma_start3A_182 : memref<50000x32xf32, #tpu.memory_space<hbm>>) target(%arg12 : memref<128x32xf32, #tpu.memory_space<vmem>>) offsets(%arg10 : memref<128xi32, #tpu.memory_space<vmem>>) semaphore(%arg26 : memref<!tpu.dma_semaphore, #tpu.memory_space<semaphore_mem>>)
        %dma_start3A_183 = arith.constant 0 : i32
        %dma_start3A_184 = arith.constant 0 : i32
        %dma_start3A_185 = tpu.memref_slice %arg3[%dma_start3A_183, %dma_start3A_184] : memref<100000x32xf32, #tpu.memory_space<hbm>> -> memref<100000x32xf32, #tpu.memory_space<hbm>>
        tpu.enqueue_indirect_dma source(%dma_start3A_185 : memref<100000x32xf32, #tpu.memory_space<hbm>>) target(%arg13 : memref<128x32xf32, #tpu.memory_space<vmem>>) offsets(%arg11 : memref<128xi32, #tpu.memory_space<vmem>>) semaphore(%arg27 : memref<!tpu.dma_semaphore, #tpu.memory_space<semaphore_mem>>)
        %dma_start3A_186 = arith.constant 0 : i32
        %dma_start3A_187 = arith.constant 0 : i32
        %dma_start3A_188 = tpu.memref_slice %arg4[%dma_start3A_186, %dma_start3A_187] : memref<100000x32xf32, #tpu.memory_space<hbm>> -> memref<100000x32xf32, #tpu.memory_space<hbm>>
        tpu.enqueue_indirect_dma source(%dma_start3A_188 : memref<100000x32xf32, #tpu.memory_space<hbm>>) target(%arg14 : memref<128x32xf32, #tpu.memory_space<vmem>>) offsets(%arg11 : memref<128xi32, #tpu.memory_space<vmem>>) semaphore(%arg28 : memref<!tpu.dma_semaphore, #tpu.memory_space<semaphore_mem>>)
        %mul3A_189 = arith.constant 32 : i32
        %mul3A_190 = arith.muli %add3A_66, %mul3A_189 : i32
        %add3A_191 = arith.addi %mul3A_17, %mul3A_190 : i32
        %dma_start3A_192 = arith.constant 0 : i32
        %dma_start3A_193 = tpu.memref_slice %arg5[%add3A_191, %dma_start3A_192] : memref<400000x128xf32, #tpu.memory_space<hbm>> -> memref<32x128xf32, #tpu.memory_space<hbm>>
        %dma_start3A_194 = arith.constant 0 : i32
        %dma_start3A_195 = tpu.memref_slice %arg5[%add3A_191, %dma_start3A_194] : memref<400000x128xf32, #tpu.memory_space<hbm>> -> memref<32x128xf32, #tpu.memory_space<hbm>>
        tpu.enqueue_dma source(%dma_start3A_195 : memref<32x128xf32, #tpu.memory_space<hbm>>) target(%arg15 : memref<32x128xf32, #tpu.memory_space<vmem>>) target_semaphore(%arg29 : memref<!tpu.dma_semaphore, #tpu.memory_space<semaphore_mem>>)
      } else {
      }
      %mul3A_72 = arith.constant 2 : i32
      %mul3A_73 = arith.muli %mul3A_72, %scan3A_36 : i32
      %add3A_74 = arith.constant 1 : i32
      %add3A_75 = arith.addi %mul3A_73, %add3A_74 : i32
      %mul3A_76 = arith.constant 16 : i32
      %mul3A_77 = arith.muli %mul3A_76, %add3A_75 : i32
      %add3A_78 = arith.addi %arg1, %mul3A_77 : i32
      %lt3A_79 = arith.constant 6250 : i32
      %lt3A_80 = arith.cmpi slt, %add3A_78, %lt3A_79 : i32
      %convert_element_type3A_81 = arith.extui %lt3A_80 : i1 to i32
      %cond3A_82 = arith.constant 0 : i32
      %cond3A_83 = arith.cmpi ne, %convert_element_type3A_81, %cond3A_82 : i32
      scf.if %cond3A_83 {
        %dma_wait3A = arith.constant 0 : i32
        %dma_wait3A_85 = arith.constant 0 : i32
        %dma_wait3A_86 = tpu.memref_slice %arg2[%dma_wait3A, %dma_wait3A_85] : memref<50000x32xf32, #tpu.memory_space<hbm>> -> memref<50000x32xf32, #tpu.memory_space<hbm>>
        tpu.wait_indirect_dma semaphore(%arg30 : memref<!tpu.dma_semaphore, #tpu.memory_space<semaphore_mem>>) src(%dma_wait3A_86 : memref<50000x32xf32, #tpu.memory_space<hbm>>) dst(%arg19 : memref<128x32xf32, #tpu.memory_space<vmem>>)
        %dma_wait3A_87 = arith.constant 0 : i32
        %dma_wait3A_88 = arith.constant 0 : i32
        %dma_wait3A_89 = tpu.memref_slice %arg3[%dma_wait3A_87, %dma_wait3A_88] : memref<100000x32xf32, #tpu.memory_space<hbm>> -> memref<100000x32xf32, #tpu.memory_space<hbm>>
        tpu.wait_indirect_dma semaphore(%arg31 : memref<!tpu.dma_semaphore, #tpu.memory_space<semaphore_mem>>) src(%dma_wait3A_89 : memref<100000x32xf32, #tpu.memory_space<hbm>>) dst(%arg20 : memref<128x32xf32, #tpu.memory_space<vmem>>)
        %dma_wait3A_90 = arith.constant 0 : i32
        %dma_wait3A_91 = arith.constant 0 : i32
        %dma_wait3A_92 = tpu.memref_slice %arg4[%dma_wait3A_90, %dma_wait3A_91] : memref<100000x32xf32, #tpu.memory_space<hbm>> -> memref<100000x32xf32, #tpu.memory_space<hbm>>
        tpu.wait_indirect_dma semaphore(%arg32 : memref<!tpu.dma_semaphore, #tpu.memory_space<semaphore_mem>>) src(%dma_wait3A_92 : memref<100000x32xf32, #tpu.memory_space<hbm>>) dst(%arg21 : memref<128x32xf32, #tpu.memory_space<vmem>>)
        %dma_wait3A_93 = arith.constant 0 : i32
        %dma_wait3A_94 = arith.constant 0 : i32
        %dma_wait3A_95 = tpu.memref_slice %arg5[%dma_wait3A_93, %dma_wait3A_94] : memref<400000x128xf32, #tpu.memory_space<hbm>> -> memref<32x128xf32, #tpu.memory_space<hbm>>
        %dma_wait3A_96 = arith.constant 0 : i32
        %dma_wait3A_97 = arith.constant 0 : i32
        %dma_wait3A_98 = tpu.memref_slice %arg5[%dma_wait3A_96, %dma_wait3A_97] : memref<400000x128xf32, #tpu.memory_space<hbm>> -> memref<32x128xf32, #tpu.memory_space<hbm>>
        tpu.wait_dma2 semaphore(%arg33 : memref<!tpu.dma_semaphore, #tpu.memory_space<semaphore_mem>>) src(%dma_wait3A_98 : memref<32x128xf32, #tpu.memory_space<hbm>>) dst(%arg22 : memref<32x128xf32, #tpu.memory_space<vmem>>)
        %parallel_loop3A = arith.constant 0 : i32
        %parallel_loop3A_99 = arith.constant 128 : i32
        %parallel_loop3A_100 = arith.constant 1 : i32
        scf.for %parallel_loop3A_101 = %parallel_loop3A to %parallel_loop3A_99 step %parallel_loop3A_100  : i32 {
          %parallel_loop3A_102 = tpu.iota {dimensions = array<i32: 0>} : vector<16xi32>
          %parallel_loop3A_103 = arith.constant 4 : i32
          %parallel_loop3A_104 = arith.divsi %parallel_loop3A_101, %parallel_loop3A_103 : i32
          %parallel_loop3A_105 = arith.constant 0 : i32
          %parallel_loop3A_106 = arith.cmpi sgt, %parallel_loop3A_101, %parallel_loop3A_105 : i32
          %parallel_loop3A_107 = arith.extui %parallel_loop3A_106 : i1 to i32
          %parallel_loop3A_108 = arith.constant 0 : i32
          %parallel_loop3A_109 = arith.cmpi slt, %parallel_loop3A_101, %parallel_loop3A_108 : i32
          %parallel_loop3A_110 = arith.extui %parallel_loop3A_109 : i1 to i32
          %parallel_loop3A_111 = arith.subi %parallel_loop3A_107, %parallel_loop3A_110 : i32
          %parallel_loop3A_112 = arith.constant 0 : i32
          %parallel_loop3A_113 = arith.cmpi sgt, %parallel_loop3A_103, %parallel_loop3A_112 : i32
          %parallel_loop3A_114 = arith.extui %parallel_loop3A_113 : i1 to i32
          %parallel_loop3A_115 = arith.constant 0 : i32
          %parallel_loop3A_116 = arith.cmpi slt, %parallel_loop3A_103, %parallel_loop3A_115 : i32
          %parallel_loop3A_117 = arith.extui %parallel_loop3A_116 : i1 to i32
          %parallel_loop3A_118 = arith.subi %parallel_loop3A_114, %parallel_loop3A_117 : i32
          %parallel_loop3A_119 = arith.cmpi ne, %parallel_loop3A_111, %parallel_loop3A_118 : i32
          %parallel_loop3A_120 = arith.remsi %parallel_loop3A_101, %parallel_loop3A_103 : i32
          %parallel_loop3A_121 = arith.constant 0 : i32
          %parallel_loop3A_122 = arith.cmpi ne, %parallel_loop3A_120, %parallel_loop3A_121 : i32
          %parallel_loop3A_123 = arith.andi %parallel_loop3A_119, %parallel_loop3A_122 : i1
          %parallel_loop3A_124 = arith.constant 1 : i32
          %parallel_loop3A_125 = arith.subi %parallel_loop3A_104, %parallel_loop3A_124 : i32
          %parallel_loop3A_126 = arith.select %parallel_loop3A_123, %parallel_loop3A_125, %parallel_loop3A_104 : i32
          %parallel_loop3A_127 = arith.constant 4 : i32
          %parallel_loop3A_128 = arith.muli %parallel_loop3A_127, %parallel_loop3A_126 : i32
          %parallel_loop3A_129 = arith.subi %parallel_loop3A_101, %parallel_loop3A_128 : i32
          %parallel_loop3A_130 = arith.constant 32 : i32
          %parallel_loop3A_131 = arith.muli %parallel_loop3A_129, %parallel_loop3A_130 : i32
          %parallel_loop3A_132 = arith.constant 0.000000e+00 : f32
          %parallel_loop3A_133 = vector.broadcast %parallel_loop3A_132 : f32 to vector<16xf32>
          %parallel_loop3A_134 = arith.constant 0 : i32
          %parallel_loop3A_135 = arith.addi %parallel_loop3A_131, %parallel_loop3A_134 : i32
          %parallel_loop3A_136 = arith.index_cast %parallel_loop3A_126 : i32 to index
          %parallel_loop3A_137 = arith.index_cast %parallel_loop3A_135 : i32 to index
          %parallel_loop3A_138 = tpu.vector_load %arg22[%parallel_loop3A_136, %parallel_loop3A_137] {strides = array<i32>} : memref<32x128xf32, #tpu.memory_space<vmem>>, vector<16xf32>,
          %parallel_loop3A_139 = arith.index_cast %parallel_loop3A_101 : i32 to index
          %parallel_loop3A_140 = arith.constant 0 : index
          %parallel_loop3A_141 = tpu.vector_load %arg19[%parallel_loop3A_139, %parallel_loop3A_140] {strides = array<i32>} : memref<128x32xf32, #tpu.memory_space<vmem>>, vector<16xf32>,
          %parallel_loop3A_142 = arith.index_cast %parallel_loop3A_101 : i32 to index
          %parallel_loop3A_143 = arith.constant 0 : index
          %parallel_loop3A_144 = tpu.vector_load %arg20[%parallel_loop3A_142, %parallel_loop3A_143] {strides = array<i32>} : memref<128x32xf32, #tpu.memory_space<vmem>>, vector<16xf32>,
          %parallel_loop3A_145 = arith.addf %parallel_loop3A_144, %parallel_loop3A_138 : vector<16xf32>
          %parallel_loop3A_146 = arith.mulf %parallel_loop3A_141, %parallel_loop3A_145 : vector<16xf32>
          %parallel_loop3A_147 = arith.constant true
          %parallel_loop3A_148 = vector.broadcast %parallel_loop3A_147 : i1 to vector<16xi1>
          %parallel_loop3A_149 = tpu.scan <sum>, %parallel_loop3A_146 masked %parallel_loop3A_148 : vector<16xf32>, vector<16xi1> -> vector<16xf32>
          %parallel_loop3A_150 = arith.constant 15 : i32
          %parallel_loop3A_151 = vector.broadcast %parallel_loop3A_150 : i32 to vector<16x1xi32>
          %parallel_loop3A_152 = vector.shape_cast %parallel_loop3A_151 : vector<16x1xi32> to vector<16xi32>
          %parallel_loop3A_153 = tpu.dynamic_gather %parallel_loop3A_149[%parallel_loop3A_152] in [0] : vector<16xf32>, vector<16xi32> -> vector<16xf32>
          %parallel_loop3A_154 = arith.constant 0 : i32
          %parallel_loop3A_155 = vector.broadcast %parallel_loop3A_154 : i32 to vector<16xi32>
          %parallel_loop3A_156 = arith.cmpi eq, %parallel_loop3A_102, %parallel_loop3A_155 : vector<16xi32>
          %parallel_loop3A_157 = arith.select %parallel_loop3A_156, %parallel_loop3A_153, %parallel_loop3A_133 : vector<16xi1>, vector<16xf32>
          %parallel_loop3A_158 = math.exp %parallel_loop3A_153 : vector<16xf32>
          %parallel_loop3A_159 = arith.index_cast %parallel_loop3A_101 : i32 to index
          %parallel_loop3A_160 = arith.constant 0 : index
          %parallel_loop3A_161 = tpu.vector_load %arg21[%parallel_loop3A_159, %parallel_loop3A_160] {strides = array<i32>} : memref<128x32xf32, #tpu.memory_space<vmem>>, vector<16xf32>,
          %parallel_loop3A_162 = arith.addf %parallel_loop3A_161, %parallel_loop3A_138 : vector<16xf32>
          %parallel_loop3A_163 = arith.mulf %parallel_loop3A_162, %parallel_loop3A_158 : vector<16xf32>
          %parallel_loop3A_164 = arith.index_cast %parallel_loop3A_101 : i32 to index
          %parallel_loop3A_165 = arith.constant 0 : index
          %parallel_loop3A_166 = tpu.vector_load %arg23[%parallel_loop3A_164, %parallel_loop3A_165] {strides = array<i32>} : memref<128x48xf32, #tpu.memory_space<vmem>>, vector<16xf32>,
          tpu.vector_store %arg23[%parallel_loop3A_164, %parallel_loop3A_165], %parallel_loop3A_163 {strides = array<i32>} : memref<128x48xf32, #tpu.memory_space<vmem>>, vector<16xf32>,
          %parallel_loop3A_167 = arith.constant 16 : i32
          %parallel_loop3A_168 = arith.addi %parallel_loop3A_131, %parallel_loop3A_167 : i32
          %parallel_loop3A_169 = arith.index_cast %parallel_loop3A_126 : i32 to index
          %parallel_loop3A_170 = arith.index_cast %parallel_loop3A_168 : i32 to index
          %parallel_loop3A_171 = tpu.vector_load %arg22[%parallel_loop3A_169, %parallel_loop3A_170] {strides = array<i32>} : memref<32x128xf32, #tpu.memory_space<vmem>>, vector<16xf32>,
          %parallel_loop3A_172 = arith.index_cast %parallel_loop3A_101 : i32 to index
          %parallel_loop3A_173 = arith.constant 16 : index
          %parallel_loop3A_174 = tpu.vector_load %arg19[%parallel_loop3A_172, %parallel_loop3A_173] {strides = array<i32>} : memref<128x32xf32, #tpu.memory_space<vmem>>, vector<16xf32>,
          %parallel_loop3A_175 = arith.index_cast %parallel_loop3A_101 : i32 to index
          %parallel_loop3A_176 = arith.constant 16 : index
          %parallel_loop3A_177 = tpu.vector_load %arg20[%parallel_loop3A_175, %parallel_loop3A_176] {strides = array<i32>} : memref<128x32xf32, #tpu.memory_space<vmem>>, vector<16xf32>,
          %parallel_loop3A_178 = arith.addf %parallel_loop3A_177, %parallel_loop3A_171 : vector<16xf32>
          %parallel_loop3A_179 = arith.mulf %parallel_loop3A_174, %parallel_loop3A_178 : vector<16xf32>
          %parallel_loop3A_180 = arith.constant true
          %parallel_loop3A_181 = vector.broadcast %parallel_loop3A_180 : i1 to vector<16xi1>
          %parallel_loop3A_182 = tpu.scan <sum>, %parallel_loop3A_179 masked %parallel_loop3A_181 : vector<16xf32>, vector<16xi1> -> vector<16xf32>
          %parallel_loop3A_183 = arith.constant 15 : i32
          %parallel_loop3A_184 = vector.broadcast %parallel_loop3A_183 : i32 to vector<16x1xi32>
          %parallel_loop3A_185 = vector.shape_cast %parallel_loop3A_184 : vector<16x1xi32> to vector<16xi32>
          %parallel_loop3A_186 = tpu.dynamic_gather %parallel_loop3A_182[%parallel_loop3A_185] in [0] : vector<16xf32>, vector<16xi32> -> vector<16xf32>
          %parallel_loop3A_187 = arith.constant 1 : i32
          %parallel_loop3A_188 = vector.broadcast %parallel_loop3A_187 : i32 to vector<16xi32>
          %parallel_loop3A_189 = arith.cmpi eq, %parallel_loop3A_102, %parallel_loop3A_188 : vector<16xi32>
          %parallel_loop3A_190 = arith.select %parallel_loop3A_189, %parallel_loop3A_186, %parallel_loop3A_157 : vector<16xi1>, vector<16xf32>
          %parallel_loop3A_191 = math.exp %parallel_loop3A_186 : vector<16xf32>
          %parallel_loop3A_192 = arith.index_cast %parallel_loop3A_101 : i32 to index
          %parallel_loop3A_193 = arith.constant 16 : index
          %parallel_loop3A_194 = tpu.vector_load %arg21[%parallel_loop3A_192, %parallel_loop3A_193] {strides = array<i32>} : memref<128x32xf32, #tpu.memory_space<vmem>>, vector<16xf32>,
          %parallel_loop3A_195 = arith.addf %parallel_loop3A_194, %parallel_loop3A_171 : vector<16xf32>
          %parallel_loop3A_196 = arith.mulf %parallel_loop3A_195, %parallel_loop3A_191 : vector<16xf32>
          %parallel_loop3A_197 = arith.index_cast %parallel_loop3A_101 : i32 to index
          %parallel_loop3A_198 = arith.constant 16 : index
          %parallel_loop3A_199 = tpu.vector_load %arg23[%parallel_loop3A_197, %parallel_loop3A_198] {strides = array<i32>} : memref<128x48xf32, #tpu.memory_space<vmem>>, vector<16xf32>,
          tpu.vector_store %arg23[%parallel_loop3A_197, %parallel_loop3A_198], %parallel_loop3A_196 {strides = array<i32>} : memref<128x48xf32, #tpu.memory_space<vmem>>, vector<16xf32>,
          %parallel_loop3A_200 = math.exp %parallel_loop3A_190 : vector<16xf32>
          %parallel_loop3A_201 = arith.index_cast %parallel_loop3A_101 : i32 to index
          %parallel_loop3A_202 = arith.constant 32 : index
          %parallel_loop3A_203 = tpu.vector_load %arg23[%parallel_loop3A_201, %parallel_loop3A_202] {strides = array<i32>} : memref<128x48xf32, #tpu.memory_space<vmem>>, vector<16xf32>,
          tpu.vector_store %arg23[%parallel_loop3A_201, %parallel_loop3A_202], %parallel_loop3A_200 {strides = array<i32>} : memref<128x48xf32, #tpu.memory_space<vmem>>, vector<16xf32>,
        } {sc.loop_unroll_factor = 4 : i64, sc.parallel_access}
        "tpu.region"() ({
          %run_scoped3A = tpu.sem_alloc : memref<!tpu.dma_semaphore, #tpu.memory_space<semaphore_mem>>
          %dma_start3A = arith.constant 0 : i32
          %dma_start3A_101 = arith.constant 0 : i32
          %dma_start3A_102 = tpu.memref_slice %arg25[%dma_start3A, %dma_start3A_101] : memref<25088x48xf32, #tpu.memory_space<vmem_shared>> -> memref<25088x48xf32, #tpu.memory_space<vmem_shared>>
          tpu.enqueue_indirect_dma source(%arg23 : memref<128x48xf32, #tpu.memory_space<vmem>>) target(%dma_start3A_102 : memref<25088x48xf32, #tpu.memory_space<vmem_shared>>) offsets(%arg16 : memref<128xi32, #tpu.memory_space<vmem>>) semaphore(%run_scoped3A : memref<!tpu.dma_semaphore, #tpu.memory_space<semaphore_mem>>) {add = true}
          %dma_wait3A_103 = arith.constant 0 : i32
          %dma_wait3A_104 = arith.constant 0 : i32
          %dma_wait3A_105 = tpu.memref_slice %arg25[%dma_wait3A_103, %dma_wait3A_104] : memref<25088x48xf32, #tpu.memory_space<vmem_shared>> -> memref<25088x48xf32, #tpu.memory_space<vmem_shared>>
          tpu.wait_indirect_dma semaphore(%run_scoped3A : memref<!tpu.dma_semaphore, #tpu.memory_space<semaphore_mem>>) src(%arg23 : memref<128x48xf32, #tpu.memory_space<vmem>>) dst(%dma_wait3A_105 : memref<25088x48xf32, #tpu.memory_space<vmem_shared>>)
          tpu.yield
        }) : () -> ()
      } else {
      }
      %scan3A_84 = arith.constant 0 : i32
      scf.yield %scan3A_84 : i32
    }
    %scan3A_27 = arith.constant 196 : i32
    %barrier3A_28 = arith.constant 0 : index
    tpu.barrier barrier_id(%barrier3A_28)
    %scan3A_29 = arith.constant 0 : i32
    %scan3A_30 = arith.constant 0 : i32
    %scan3A_31 = arith.constant 13 : i32
    %scan3A_32 = arith.addi %scan3A_30, %scan3A_31 : i32
    %scan3A_33 = arith.constant 1 : i32
    %scan3A_34 = scf.for %scan3A_36 = %scan3A_30 to %scan3A_32 step %scan3A_33 iter_args(%scan3A_37 = %scan3A_29) -> (i32)  : i32 {
      %mul3A_38 = arith.constant 16 : i32
      %mul3A_39 = arith.muli %mul3A_38, %scan3A_36 : i32
      %add3A_40 = arith.addi %arg1, %mul3A_39 : i32
      %lt3A_41 = arith.constant 196 : i32
      %lt3A_42 = arith.cmpi slt, %add3A_40, %lt3A_41 : i32
      %convert_element_type3A_43 = arith.extui %lt3A_42 : i1 to i32
      %cond3A_44 = arith.constant 0 : i32
      %cond3A_45 = arith.cmpi ne, %convert_element_type3A_43, %cond3A_44 : i32
      scf.if %cond3A_45 {
        %mul3A_47 = arith.constant 128 : i32
        %mul3A_48 = arith.muli %add3A_40, %mul3A_47 : i32
        %mul3A_49 = arith.constant 128 : i32
        %mul3A_50 = arith.muli %add3A_40, %mul3A_49 : i32
        "tpu.region"() ({
          %run_scoped3A = tpu.sem_alloc : memref<!tpu.dma_semaphore, #tpu.memory_space<semaphore_mem>>
          %dma_start3A = arith.constant 0 : i32
          %dma_start3A_51 = tpu.memref_slice %arg8[%arg0, %mul3A_50, %dma_start3A] : memref<2x25088x48xf32, #tpu.memory_space<hbm>> -> memref<1x128x48xf32, #tpu.memory_space<hbm>>
          %dma_start3A_52 = tpu.memref_squeeze %dma_start3A_51 : memref<1x128x48xf32, #tpu.memory_space<hbm>> -> memref<128x48xf32, #tpu.memory_space<hbm>>
          %dma_start3A_53 = arith.constant 0 : i32
          %dma_start3A_54 = tpu.memref_slice %arg25[%mul3A_48, %dma_start3A_53] : memref<25088x48xf32, #tpu.memory_space<vmem_shared>> -> memref<128x48xf32, #tpu.memory_space<vmem_shared>>
          tpu.enqueue_dma source(%dma_start3A_54 : memref<128x48xf32, #tpu.memory_space<vmem_shared>>) target(%dma_start3A_52 : memref<128x48xf32, #tpu.memory_space<hbm>>) target_semaphore(%run_scoped3A : memref<!tpu.dma_semaphore, #tpu.memory_space<semaphore_mem>>)
          %dma_wait3A = arith.constant 0 : i32
          %dma_wait3A_55 = tpu.memref_slice %arg8[%arg0, %mul3A_50, %dma_wait3A] : memref<2x25088x48xf32, #tpu.memory_space<hbm>> -> memref<1x128x48xf32, #tpu.memory_space<hbm>>
          %dma_wait3A_56 = tpu.memref_squeeze %dma_wait3A_55 : memref<1x128x48xf32, #tpu.memory_space<hbm>> -> memref<128x48xf32, #tpu.memory_space<hbm>>
          %dma_wait3A_57 = arith.constant 0 : i32
          %dma_wait3A_58 = tpu.memref_slice %arg25[%mul3A_48, %dma_wait3A_57] : memref<25088x48xf32, #tpu.memory_space<vmem_shared>> -> memref<128x48xf32, #tpu.memory_space<vmem_shared>>
          tpu.wait_dma2 semaphore(%run_scoped3A : memref<!tpu.dma_semaphore, #tpu.memory_space<semaphore_mem>>) src(%dma_wait3A_58 : memref<128x48xf32, #tpu.memory_space<vmem_shared>>) dst(%dma_wait3A_56 : memref<128x48xf32, #tpu.memory_space<hbm>>)
          tpu.yield
        }) : () -> ()
      } else {
      }
      %scan3A_46 = arith.constant 0 : i32
      scf.yield %scan3A_46 : i32
    }
    %scan3A_35 = arith.constant 13 : i32
    return
  }
}

module attributes {stable_mosaic.version = 14 : i64} {
  func.func @_max_body(%arg0: memref<800x1000xi32, #tpu.memory_space<vmem>>, %arg1: memref<8x128xi32, #tpu.memory_space<vmem>>) attributes {dimension_semantics = [], scalar_prefetch = 0 : i64, scratch_operands = 0 : i64, tpu.core_type = #tpu.core_type<tc>} {
    %get3A = arith.constant 0 : index
    %get3A_0 = arith.constant 0 : index
    %get3A_1 = vector.load %arg0[%get3A, %get3A_0] : memref<800x1000xi32, #tpu.memory_space<vmem>>, vector<800x1000xi32>
    %reduce_max3A = vector.shape_cast %get3A_1 : vector<800x1000xi32> to vector<1x800x1000xi32>
    %reduce_max3A_2 = arith.constant dense<-2147483648> : vector<1xi32>
    %reduce_max3A_3 = vector.multi_reduction <maxsi>, %reduce_max3A, %reduce_max3A_2 [1, 2] : vector<1x800x1000xi32> to vector<1xi32>
    %reduce_max3A_4 = vector.shape_cast %reduce_max3A_3 : vector<1xi32> to vector<1x1x1xi32>
    %reduce_max3A_5 = vector.extract %reduce_max3A_4[0, 0, 0] : i32 from vector<1x1x1xi32>
    %broadcast_in_dim3A = vector.broadcast %reduce_max3A_5 : i32 to vector<8x128xi32>
    %swap3A = arith.constant 0 : index
    %swap3A_6 = arith.constant 0 : index
    %swap3A_7 = vector.load %arg1[%swap3A, %swap3A_6] : memref<8x128xi32, #tpu.memory_space<vmem>>, vector<8x128xi32>
    tpu.vector_store %arg1[%swap3A, %swap3A_6], %broadcast_in_dim3A {strides = array<i32>} : memref<8x128xi32, #tpu.memory_space<vmem>>, vector<8x128xi32>,
    return
  }
}

module attributes {stable_mosaic.version = 14 : i64} {
  func.func @_product_body(%arg0: i32, %arg1: memref<1000x128xf32, #tpu.memory_space<vmem>>, %arg2: memref<1000x128xf32, #tpu.memory_space<vmem>>, %arg3: memref<256x128xf32, #tpu.memory_space<vmem>>, %arg4: memref<256xf32, #tpu.memory_space<vmem>>, %arg5: memref<256xf32, #tpu.memory_space<vmem>>, %arg6: memref<256xf32, #tpu.memory_space<vmem>>, %arg7: memref<64x256xf32, #tpu.memory_space<vmem>>, %arg8: memref<64xf32, #tpu.memory_space<vmem>>, %arg9: memref<256x128xf32, #tpu.memory_space<vmem>>, %arg10: memref<256xf32, #tpu.memory_space<vmem>>, %arg11: memref<256xf32, #tpu.memory_space<vmem>>, %arg12: memref<256xf32, #tpu.memory_space<vmem>>, %arg13: memref<64x256xf32, #tpu.memory_space<vmem>>, %arg14: memref<64xf32, #tpu.memory_space<vmem>>, %arg15: memref<64x128xf32, #tpu.memory_space<vmem>>, %arg16: memref<64xf32, #tpu.memory_space<vmem>>, %arg17: memref<64x64xf32, #tpu.memory_space<vmem>>, %arg18: memref<64xf32, #tpu.memory_space<vmem>>, %arg19: memref<64x64xf32, #tpu.memory_space<vmem>>, %arg20: memref<64xf32, #tpu.memory_space<vmem>>, %arg21: memref<1000x64xf32, #tpu.memory_space<vmem>>, %arg22: memref<2x1000x32xf32, #tpu.memory_space<vmem>>, %arg23: memref<2x1000x32xf32, #tpu.memory_space<vmem>>) attributes {dimension_semantics = [#tpu.dimension_semantics<arbitrary>], iteration_bounds = array<i64: 25>, scalar_prefetch = 0 : i64, scratch_operands = 0 : i64, tpu.core_type = #tpu.core_type<tc>, window_params = [{transform_indices = @transform_0, window_bounds = array<i64: 1000, 128>}, {transform_indices = @transform_1, window_bounds = array<i64: 1000, 128>}, {pipeline_mode = #tpu.pipeline_mode<synchronous>, transform_indices = @transform_2, window_bounds = array<i64: 256, 128>}, {pipeline_mode = #tpu.pipeline_mode<synchronous>, transform_indices = @transform_3, window_bounds = array<i64: 256>}, {pipeline_mode = #tpu.pipeline_mode<synchronous>, transform_indices = @transform_4, window_bounds = array<i64: 256>}, {pipeline_mode = #tpu.pipeline_mode<synchronous>, transform_indices = @transform_5, window_bounds = array<i64: 256>}, {pipeline_mode = #tpu.pipeline_mode<synchronous>, transform_indices = @transform_6, window_bounds = array<i64: 64, 256>}, {pipeline_mode = #tpu.pipeline_mode<synchronous>, transform_indices = @transform_7, window_bounds = array<i64: 64>}, {pipeline_mode = #tpu.pipeline_mode<synchronous>, transform_indices = @transform_8, window_bounds = array<i64: 256, 128>}, {pipeline_mode = #tpu.pipeline_mode<synchronous>, transform_indices = @transform_9, window_bounds = array<i64: 256>}, {pipeline_mode = #tpu.pipeline_mode<synchronous>, transform_indices = @transform_10, window_bounds = array<i64: 256>}, {pipeline_mode = #tpu.pipeline_mode<synchronous>, transform_indices = @transform_11, window_bounds = array<i64: 256>}, {pipeline_mode = #tpu.pipeline_mode<synchronous>, transform_indices = @transform_12, window_bounds = array<i64: 64, 256>}, {pipeline_mode = #tpu.pipeline_mode<synchronous>, transform_indices = @transform_13, window_bounds = array<i64: 64>}, {pipeline_mode = #tpu.pipeline_mode<synchronous>, transform_indices = @transform_14, window_bounds = array<i64: 64, 128>}, {pipeline_mode = #tpu.pipeline_mode<synchronous>, transform_indices = @transform_15, window_bounds = array<i64: 64>}, {pipeline_mode = #tpu.pipeline_mode<synchronous>, transform_indices = @transform_16, window_bounds = array<i64: 64, 64>}, {pipeline_mode = #tpu.pipeline_mode<synchronous>, transform_indices = @transform_17, window_bounds = array<i64: 64>}, {pipeline_mode = #tpu.pipeline_mode<synchronous>, transform_indices = @transform_18, window_bounds = array<i64: 64, 64>}, {pipeline_mode = #tpu.pipeline_mode<synchronous>, transform_indices = @transform_19, window_bounds = array<i64: 64>}, {transform_indices = @transform_20, window_bounds = array<i64: 1000, 64>}, {transform_indices = @transform_21, window_bounds = array<i64: 2, 1000, 32>}, {transform_indices = @transform_22, window_bounds = array<i64: 2, 1000, 32>}]} {
    %get3A = arith.constant 0 : index
    %get3A_0 = arith.constant 0 : index
    %get3A_1 = vector.load %arg1[%get3A, %get3A_0] : memref<1000x128xf32, #tpu.memory_space<vmem>>, vector<1000x128xf32>
    %get3A_2 = arith.constant 0 : index
    %get3A_3 = arith.constant 0 : index
    %get3A_4 = vector.load %arg3[%get3A_2, %get3A_3] : memref<256x128xf32, #tpu.memory_space<vmem>>, vector<256x128xf32>
    %dot_general3A = arith.constant dense<0.000000e+00> : vector<1000x256xf32>
    %dot_general3A_5 = tpu.matmul %get3A_1, %get3A_4, %dot_general3A {dimension_numbers = #tpu.dot_dimension_numbers<[1], [1], [0], [0], [0, 0, 1, 0], [], []>, transpose_lhs_hint = false} : vector<1000x128xf32>, vector<256x128xf32>, vector<1000x256xf32> -> vector<1000x256xf32>
    %get3A_6 = arith.constant 0 : index
    %get3A_7 = vector.load %arg4[%get3A_6] : memref<256xf32, #tpu.memory_space<vmem>>, vector<256xf32>
    %broadcast_in_dim3A = vector.shape_cast %get3A_7 : vector<256xf32> to vector<1x256xf32>
    %add3A = vector.broadcast %broadcast_in_dim3A : vector<1x256xf32> to vector<1000x256xf32>
    %add3A_8 = arith.addf %dot_general3A_5, %add3A : vector<1000x256xf32>
    %get3A_9 = arith.constant 0 : index
    %get3A_10 = vector.load %arg5[%get3A_9] : memref<256xf32, #tpu.memory_space<vmem>>, vector<256xf32>
    %get3A_11 = arith.constant 0 : index
    %get3A_12 = vector.load %arg6[%get3A_11] : memref<256xf32, #tpu.memory_space<vmem>>, vector<256xf32>
    %reduce_sum3A = arith.constant dense<0.000000e+00> : vector<1000xf32>
    %reduce_sum3A_13 = vector.multi_reduction <add>, %add3A_8, %reduce_sum3A [1] : vector<1000x256xf32> to vector<1000xf32>
    %broadcast_in_dim3A_14 = vector.shape_cast %reduce_sum3A_13 : vector<1000xf32> to vector<1000x1xf32>
    %div3A = arith.constant 2.560000e+02 : f32
    %div3A_15 = vector.broadcast %div3A : f32 to vector<1000x1xf32>
    %div3A_16 = arith.divf %broadcast_in_dim3A_14, %div3A_15 : vector<1000x1xf32>
    %sub3A = vector.broadcast %div3A_16 : vector<1000x1xf32> to vector<1000x256xf32>
    %sub3A_17 = arith.subf %add3A_8, %sub3A : vector<1000x256xf32>
    %integer_pow3A = arith.mulf %sub3A_17, %sub3A_17 : vector<1000x256xf32>
    %reduce_sum3A_18 = arith.constant dense<0.000000e+00> : vector<1000xf32>
    %reduce_sum3A_19 = vector.multi_reduction <add>, %integer_pow3A, %reduce_sum3A_18 [1] : vector<1000x256xf32> to vector<1000xf32>
    %broadcast_in_dim3A_20 = vector.shape_cast %reduce_sum3A_19 : vector<1000xf32> to vector<1000x1xf32>
    %div3A_21 = arith.constant 2.560000e+02 : f32
    %div3A_22 = vector.broadcast %div3A_21 : f32 to vector<1000x1xf32>
    %div3A_23 = arith.divf %broadcast_in_dim3A_20, %div3A_22 : vector<1000x1xf32>
    %sub3A_24 = vector.broadcast %div3A_16 : vector<1000x1xf32> to vector<1000x256xf32>
    %sub3A_25 = arith.subf %add3A_8, %sub3A_24 : vector<1000x256xf32>
    %add3A_26 = arith.constant 9.99999974E-6 : f32
    %add3A_27 = vector.broadcast %add3A_26 : f32 to vector<1000x1xf32>
    %add3A_28 = arith.addf %div3A_23, %add3A_27 : vector<1000x1xf32>
    %rsqrt3A = math.rsqrt %add3A_28 : vector<1000x1xf32>
    %mul3A = vector.broadcast %rsqrt3A : vector<1000x1xf32> to vector<1000x256xf32>
    %mul3A_29 = arith.mulf %sub3A_25, %mul3A : vector<1000x256xf32>
    %broadcast_in_dim3A_30 = vector.shape_cast %get3A_10 : vector<256xf32> to vector<1x256xf32>
    %mul3A_31 = vector.broadcast %broadcast_in_dim3A_30 : vector<1x256xf32> to vector<1000x256xf32>
    %mul3A_32 = arith.mulf %mul3A_29, %mul3A_31 : vector<1000x256xf32>
    %broadcast_in_dim3A_33 = vector.shape_cast %get3A_12 : vector<256xf32> to vector<1x256xf32>
    %add3A_34 = vector.broadcast %broadcast_in_dim3A_33 : vector<1x256xf32> to vector<1000x256xf32>
    %add3A_35 = arith.addf %mul3A_32, %add3A_34 : vector<1000x256xf32>
    %max3A = arith.constant 0.000000e+00 : f32
    %max3A_36 = vector.broadcast %max3A : f32 to vector<1000x256xf32>
    %max3A_37 = arith.maximumf %add3A_35, %max3A_36 : vector<1000x256xf32>
    %get3A_38 = arith.constant 0 : index
    %get3A_39 = arith.constant 0 : index
    %get3A_40 = vector.load %arg7[%get3A_38, %get3A_39] : memref<64x256xf32, #tpu.memory_space<vmem>>, vector<64x256xf32>
    %dot_general3A_41 = arith.constant dense<0.000000e+00> : vector<1000x64xf32>
    %dot_general3A_42 = tpu.matmul %max3A_37, %get3A_40, %dot_general3A_41 {dimension_numbers = #tpu.dot_dimension_numbers<[1], [1], [0], [0], [0, 0, 1, 0], [], []>, transpose_lhs_hint = false} : vector<1000x256xf32>, vector<64x256xf32>, vector<1000x64xf32> -> vector<1000x64xf32>
    %get3A_43 = arith.constant 0 : index
    %get3A_44 = vector.load %arg8[%get3A_43] : memref<64xf32, #tpu.memory_space<vmem>>, vector<64xf32>
    %broadcast_in_dim3A_45 = vector.shape_cast %get3A_44 : vector<64xf32> to vector<1x64xf32>
    %add3A_46 = vector.broadcast %broadcast_in_dim3A_45 : vector<1x64xf32> to vector<1000x64xf32>
    %add3A_47 = arith.addf %dot_general3A_42, %add3A_46 : vector<1000x64xf32>
    %get3A_48 = arith.constant 0 : index
    %get3A_49 = arith.constant 0 : index
    %get3A_50 = vector.load %arg2[%get3A_48, %get3A_49] : memref<1000x128xf32, #tpu.memory_space<vmem>>, vector<1000x128xf32>
    %get3A_51 = arith.constant 0 : index
    %get3A_52 = arith.constant 0 : index
    %get3A_53 = vector.load %arg9[%get3A_51, %get3A_52] : memref<256x128xf32, #tpu.memory_space<vmem>>, vector<256x128xf32>
    %dot_general3A_54 = arith.constant dense<0.000000e+00> : vector<1000x256xf32>
    %dot_general3A_55 = tpu.matmul %get3A_50, %get3A_53, %dot_general3A_54 {dimension_numbers = #tpu.dot_dimension_numbers<[1], [1], [0], [0], [0, 0, 1, 0], [], []>, transpose_lhs_hint = false} : vector<1000x128xf32>, vector<256x128xf32>, vector<1000x256xf32> -> vector<1000x256xf32>
    %get3A_56 = arith.constant 0 : index
    %get3A_57 = vector.load %arg10[%get3A_56] : memref<256xf32, #tpu.memory_space<vmem>>, vector<256xf32>
    %broadcast_in_dim3A_58 = vector.shape_cast %get3A_57 : vector<256xf32> to vector<1x256xf32>
    %add3A_59 = vector.broadcast %broadcast_in_dim3A_58 : vector<1x256xf32> to vector<1000x256xf32>
    %add3A_60 = arith.addf %dot_general3A_55, %add3A_59 : vector<1000x256xf32>
    %get3A_61 = arith.constant 0 : index
    %get3A_62 = vector.load %arg11[%get3A_61] : memref<256xf32, #tpu.memory_space<vmem>>, vector<256xf32>
    %get3A_63 = arith.constant 0 : index
    %get3A_64 = vector.load %arg12[%get3A_63] : memref<256xf32, #tpu.memory_space<vmem>>, vector<256xf32>
    %reduce_sum3A_65 = arith.constant dense<0.000000e+00> : vector<1000xf32>
    %reduce_sum3A_66 = vector.multi_reduction <add>, %add3A_60, %reduce_sum3A_65 [1] : vector<1000x256xf32> to vector<1000xf32>
    %broadcast_in_dim3A_67 = vector.shape_cast %reduce_sum3A_66 : vector<1000xf32> to vector<1000x1xf32>
    %div3A_68 = arith.constant 2.560000e+02 : f32
    %div3A_69 = vector.broadcast %div3A_68 : f32 to vector<1000x1xf32>
    %div3A_70 = arith.divf %broadcast_in_dim3A_67, %div3A_69 : vector<1000x1xf32>
    %sub3A_71 = vector.broadcast %div3A_70 : vector<1000x1xf32> to vector<1000x256xf32>
    %sub3A_72 = arith.subf %add3A_60, %sub3A_71 : vector<1000x256xf32>
    %integer_pow3A_73 = arith.mulf %sub3A_72, %sub3A_72 : vector<1000x256xf32>
    %reduce_sum3A_74 = arith.constant dense<0.000000e+00> : vector<1000xf32>
    %reduce_sum3A_75 = vector.multi_reduction <add>, %integer_pow3A_73, %reduce_sum3A_74 [1] : vector<1000x256xf32> to vector<1000xf32>
    %broadcast_in_dim3A_76 = vector.shape_cast %reduce_sum3A_75 : vector<1000xf32> to vector<1000x1xf32>
    %div3A_77 = arith.constant 2.560000e+02 : f32
    %div3A_78 = vector.broadcast %div3A_77 : f32 to vector<1000x1xf32>
    %div3A_79 = arith.divf %broadcast_in_dim3A_76, %div3A_78 : vector<1000x1xf32>
    %sub3A_80 = vector.broadcast %div3A_70 : vector<1000x1xf32> to vector<1000x256xf32>
    %sub3A_81 = arith.subf %add3A_60, %sub3A_80 : vector<1000x256xf32>
    %add3A_82 = arith.constant 9.99999974E-6 : f32
    %add3A_83 = vector.broadcast %add3A_82 : f32 to vector<1000x1xf32>
    %add3A_84 = arith.addf %div3A_79, %add3A_83 : vector<1000x1xf32>
    %rsqrt3A_85 = math.rsqrt %add3A_84 : vector<1000x1xf32>
    %mul3A_86 = vector.broadcast %rsqrt3A_85 : vector<1000x1xf32> to vector<1000x256xf32>
    %mul3A_87 = arith.mulf %sub3A_81, %mul3A_86 : vector<1000x256xf32>
    %broadcast_in_dim3A_88 = vector.shape_cast %get3A_62 : vector<256xf32> to vector<1x256xf32>
    %mul3A_89 = vector.broadcast %broadcast_in_dim3A_88 : vector<1x256xf32> to vector<1000x256xf32>
    %mul3A_90 = arith.mulf %mul3A_87, %mul3A_89 : vector<1000x256xf32>
    %broadcast_in_dim3A_91 = vector.shape_cast %get3A_64 : vector<256xf32> to vector<1x256xf32>
    %add3A_92 = vector.broadcast %broadcast_in_dim3A_91 : vector<1x256xf32> to vector<1000x256xf32>
    %add3A_93 = arith.addf %mul3A_90, %add3A_92 : vector<1000x256xf32>
    %max3A_94 = arith.constant 0.000000e+00 : f32
    %max3A_95 = vector.broadcast %max3A_94 : f32 to vector<1000x256xf32>
    %max3A_96 = arith.maximumf %add3A_93, %max3A_95 : vector<1000x256xf32>
    %get3A_97 = arith.constant 0 : index
    %get3A_98 = arith.constant 0 : index
    %get3A_99 = vector.load %arg13[%get3A_97, %get3A_98] : memref<64x256xf32, #tpu.memory_space<vmem>>, vector<64x256xf32>
    %dot_general3A_100 = arith.constant dense<0.000000e+00> : vector<1000x64xf32>
    %dot_general3A_101 = tpu.matmul %max3A_96, %get3A_99, %dot_general3A_100 {dimension_numbers = #tpu.dot_dimension_numbers<[1], [1], [0], [0], [0, 0, 1, 0], [], []>, transpose_lhs_hint = false} : vector<1000x256xf32>, vector<64x256xf32>, vector<1000x64xf32> -> vector<1000x64xf32>
    %get3A_102 = arith.constant 0 : index
    %get3A_103 = vector.load %arg14[%get3A_102] : memref<64xf32, #tpu.memory_space<vmem>>, vector<64xf32>
    %broadcast_in_dim3A_104 = vector.shape_cast %get3A_103 : vector<64xf32> to vector<1x64xf32>
    %add3A_105 = vector.broadcast %broadcast_in_dim3A_104 : vector<1x64xf32> to vector<1000x64xf32>
    %add3A_106 = arith.addf %dot_general3A_101, %add3A_105 : vector<1000x64xf32>
    %concatenate3A = tpu.concatenate %add3A_106, %add3A_47 in 1 : vector<1000x64xf32>, vector<1000x64xf32> -> vector<1000x128xf32>
    %get3A_107 = arith.constant 0 : index
    %get3A_108 = arith.constant 0 : index
    %get3A_109 = vector.load %arg15[%get3A_107, %get3A_108] : memref<64x128xf32, #tpu.memory_space<vmem>>, vector<64x128xf32>
    %dot_general3A_110 = arith.constant dense<0.000000e+00> : vector<1000x64xf32>
    %dot_general3A_111 = tpu.matmul %concatenate3A, %get3A_109, %dot_general3A_110 {dimension_numbers = #tpu.dot_dimension_numbers<[1], [1], [0], [0], [0, 0, 1, 0], [], []>, transpose_lhs_hint = false} : vector<1000x128xf32>, vector<64x128xf32>, vector<1000x64xf32> -> vector<1000x64xf32>
    %get3A_112 = arith.constant 0 : index
    %get3A_113 = vector.load %arg16[%get3A_112] : memref<64xf32, #tpu.memory_space<vmem>>, vector<64xf32>
    %broadcast_in_dim3A_114 = vector.shape_cast %get3A_113 : vector<64xf32> to vector<1x64xf32>
    %add3A_115 = vector.broadcast %broadcast_in_dim3A_114 : vector<1x64xf32> to vector<1000x64xf32>
    %add3A_116 = arith.addf %dot_general3A_111, %add3A_115 : vector<1000x64xf32>
    %swap3A = arith.constant 0 : index
    %swap3A_117 = arith.constant 0 : index
    %swap3A_118 = vector.load %arg21[%swap3A, %swap3A_117] : memref<1000x64xf32, #tpu.memory_space<vmem>>, vector<1000x64xf32>
    tpu.vector_store %arg21[%swap3A, %swap3A_117], %add3A_116 {strides = array<i32>} : memref<1000x64xf32, #tpu.memory_space<vmem>>, vector<1000x64xf32>,
    %get3A_119 = arith.constant 0 : index
    %get3A_120 = arith.constant 0 : index
    %get3A_121 = vector.load %arg17[%get3A_119, %get3A_120] : memref<64x64xf32, #tpu.memory_space<vmem>>, vector<64x64xf32>
    %dot_general3A_122 = arith.constant dense<0.000000e+00> : vector<1000x64xf32>
    %dot_general3A_123 = tpu.matmul %add3A_116, %get3A_121, %dot_general3A_122 {dimension_numbers = #tpu.dot_dimension_numbers<[1], [1], [0], [0], [0, 0, 1, 0], [], []>, transpose_lhs_hint = false} : vector<1000x64xf32>, vector<64x64xf32>, vector<1000x64xf32> -> vector<1000x64xf32>
    %get3A_124 = arith.constant 0 : index
    %get3A_125 = vector.load %arg18[%get3A_124] : memref<64xf32, #tpu.memory_space<vmem>>, vector<64xf32>
    %broadcast_in_dim3A_126 = vector.shape_cast %get3A_125 : vector<64xf32> to vector<1x64xf32>
    %add3A_127 = vector.broadcast %broadcast_in_dim3A_126 : vector<1x64xf32> to vector<1000x64xf32>
    %add3A_128 = arith.addf %dot_general3A_123, %add3A_127 : vector<1000x64xf32>
    %slice3A = vector.extract_strided_slice %add3A_128 {offsets = [0, 0], sizes = [1000, 32], strides = [1, 1]} : vector<1000x64xf32> to vector<1000x32xf32>
    %swap3A_129 = arith.constant 0 : index
    %swap3A_130 = arith.constant 0 : index
    %swap3A_131 = arith.constant 0 : index
    %swap3A_132 = vector.load %arg22[%swap3A_129, %swap3A_130, %swap3A_131] : memref<2x1000x32xf32, #tpu.memory_space<vmem>>, vector<1x1000x32xf32>
    %swap3A_133 = vector.shape_cast %swap3A_132 : vector<1x1000x32xf32> to vector<1000x32xf32>
    %swap3A_134 = vector.shape_cast %slice3A : vector<1000x32xf32> to vector<1x1000x32xf32>
    tpu.vector_store %arg22[%swap3A_129, %swap3A_130, %swap3A_131], %swap3A_134 {strides = array<i32>} : memref<2x1000x32xf32, #tpu.memory_space<vmem>>, vector<1x1000x32xf32>,
    %slice3A_135 = vector.extract_strided_slice %add3A_128 {offsets = [0, 32], sizes = [1000, 32], strides = [1, 1]} : vector<1000x64xf32> to vector<1000x32xf32>
    %swap3A_136 = arith.constant 1 : index
    %swap3A_137 = arith.constant 0 : index
    %swap3A_138 = arith.constant 0 : index
    %swap3A_139 = vector.load %arg22[%swap3A_136, %swap3A_137, %swap3A_138] : memref<2x1000x32xf32, #tpu.memory_space<vmem>>, vector<1x1000x32xf32>
    %swap3A_140 = vector.shape_cast %swap3A_139 : vector<1x1000x32xf32> to vector<1000x32xf32>
    %swap3A_141 = vector.shape_cast %slice3A_135 : vector<1000x32xf32> to vector<1x1000x32xf32>
    tpu.vector_store %arg22[%swap3A_136, %swap3A_137, %swap3A_138], %swap3A_141 {strides = array<i32>} : memref<2x1000x32xf32, #tpu.memory_space<vmem>>, vector<1x1000x32xf32>,
    %get3A_142 = arith.constant 0 : index
    %get3A_143 = arith.constant 0 : index
    %get3A_144 = vector.load %arg19[%get3A_142, %get3A_143] : memref<64x64xf32, #tpu.memory_space<vmem>>, vector<64x64xf32>
    %dot_general3A_145 = arith.constant dense<0.000000e+00> : vector<1000x64xf32>
    %dot_general3A_146 = tpu.matmul %add3A_116, %get3A_144, %dot_general3A_145 {dimension_numbers = #tpu.dot_dimension_numbers<[1], [1], [0], [0], [0, 0, 1, 0], [], []>, transpose_lhs_hint = false} : vector<1000x64xf32>, vector<64x64xf32>, vector<1000x64xf32> -> vector<1000x64xf32>
    %get3A_147 = arith.constant 0 : index
    %get3A_148 = vector.load %arg20[%get3A_147] : memref<64xf32, #tpu.memory_space<vmem>>, vector<64xf32>
    %broadcast_in_dim3A_149 = vector.shape_cast %get3A_148 : vector<64xf32> to vector<1x64xf32>
    %add3A_150 = vector.broadcast %broadcast_in_dim3A_149 : vector<1x64xf32> to vector<1000x64xf32>
    %add3A_151 = arith.addf %dot_general3A_146, %add3A_150 : vector<1000x64xf32>
    %slice3A_152 = vector.extract_strided_slice %add3A_151 {offsets = [0, 0], sizes = [1000, 32], strides = [1, 1]} : vector<1000x64xf32> to vector<1000x32xf32>
    %swap3A_153 = arith.constant 0 : index
    %swap3A_154 = arith.constant 0 : index
    %swap3A_155 = arith.constant 0 : index
    %swap3A_156 = vector.load %arg23[%swap3A_153, %swap3A_154, %swap3A_155] : memref<2x1000x32xf32, #tpu.memory_space<vmem>>, vector<1x1000x32xf32>
    %swap3A_157 = vector.shape_cast %swap3A_156 : vector<1x1000x32xf32> to vector<1000x32xf32>
    %swap3A_158 = vector.shape_cast %slice3A_152 : vector<1000x32xf32> to vector<1x1000x32xf32>
    tpu.vector_store %arg23[%swap3A_153, %swap3A_154, %swap3A_155], %swap3A_158 {strides = array<i32>} : memref<2x1000x32xf32, #tpu.memory_space<vmem>>, vector<1x1000x32xf32>,
    %slice3A_159 = vector.extract_strided_slice %add3A_151 {offsets = [0, 32], sizes = [1000, 32], strides = [1, 1]} : vector<1000x64xf32> to vector<1000x32xf32>
    %swap3A_160 = arith.constant 1 : index
    %swap3A_161 = arith.constant 0 : index
    %swap3A_162 = arith.constant 0 : index
    %swap3A_163 = vector.load %arg23[%swap3A_160, %swap3A_161, %swap3A_162] : memref<2x1000x32xf32, #tpu.memory_space<vmem>>, vector<1x1000x32xf32>
    %swap3A_164 = vector.shape_cast %swap3A_163 : vector<1x1000x32xf32> to vector<1000x32xf32>
    %swap3A_165 = vector.shape_cast %slice3A_159 : vector<1000x32xf32> to vector<1x1000x32xf32>
    tpu.vector_store %arg23[%swap3A_160, %swap3A_161, %swap3A_162], %swap3A_165 {strides = array<i32>} : memref<2x1000x32xf32, #tpu.memory_space<vmem>>, vector<1x1000x32xf32>,
    return
  }
  func.func @transform_0(%arg0: i32) -> (i32, i32) {
    %c0_i32 = arith.constant 0 : i32
    %c0_i32_0 = arith.constant 0 : i32
    return %arg0, %c0_i32 : i32, i32
  }
  func.func @transform_1(%arg0: i32) -> (i32, i32) {
    %c0_i32 = arith.constant 0 : i32
    %c0_i32_0 = arith.constant 0 : i32
    return %arg0, %c0_i32 : i32, i32
  }
  func.func @transform_2(%arg0: i32) -> (i32, i32) {
    %c0_i32 = arith.constant 0 : i32
    %c0_i32_0 = arith.constant 0 : i32
    %c0_i32_1 = arith.constant 0 : i32
    return %c0_i32, %c0_i32_0 : i32, i32
  }
  func.func @transform_3(%arg0: i32) -> i32 {
    %c0_i32 = arith.constant 0 : i32
    %c0_i32_0 = arith.constant 0 : i32
    return %c0_i32 : i32
  }
  func.func @transform_4(%arg0: i32) -> i32 {
    %c0_i32 = arith.constant 0 : i32
    %c0_i32_0 = arith.constant 0 : i32
    return %c0_i32 : i32
  }
  func.func @transform_5(%arg0: i32) -> i32 {
    %c0_i32 = arith.constant 0 : i32
    %c0_i32_0 = arith.constant 0 : i32
    return %c0_i32 : i32
  }
  func.func @transform_6(%arg0: i32) -> (i32, i32) {
    %c0_i32 = arith.constant 0 : i32
    %c0_i32_0 = arith.constant 0 : i32
    %c0_i32_1 = arith.constant 0 : i32
    return %c0_i32, %c0_i32_0 : i32, i32
  }
  func.func @transform_7(%arg0: i32) -> i32 {
    %c0_i32 = arith.constant 0 : i32
    %c0_i32_0 = arith.constant 0 : i32
    return %c0_i32 : i32
  }
  func.func @transform_8(%arg0: i32) -> (i32, i32) {
    %c0_i32 = arith.constant 0 : i32
    %c0_i32_0 = arith.constant 0 : i32
    %c0_i32_1 = arith.constant 0 : i32
    return %c0_i32, %c0_i32_0 : i32, i32
  }
  func.func @transform_9(%arg0: i32) -> i32 {
    %c0_i32 = arith.constant 0 : i32
    %c0_i32_0 = arith.constant 0 : i32
    return %c0_i32 : i32
  }
  func.func @transform_10(%arg0: i32) -> i32 {
    %c0_i32 = arith.constant 0 : i32
    %c0_i32_0 = arith.constant 0 : i32
    return %c0_i32 : i32
  }
  func.func @transform_11(%arg0: i32) -> i32 {
    %c0_i32 = arith.constant 0 : i32
    %c0_i32_0 = arith.constant 0 : i32
    return %c0_i32 : i32
  }
  func.func @transform_12(%arg0: i32) -> (i32, i32) {
    %c0_i32 = arith.constant 0 : i32
    %c0_i32_0 = arith.constant 0 : i32
    %c0_i32_1 = arith.constant 0 : i32
    return %c0_i32, %c0_i32_0 : i32, i32
  }
  func.func @transform_13(%arg0: i32) -> i32 {
    %c0_i32 = arith.constant 0 : i32
    %c0_i32_0 = arith.constant 0 : i32
    return %c0_i32 : i32
  }
  func.func @transform_14(%arg0: i32) -> (i32, i32) {
    %c0_i32 = arith.constant 0 : i32
    %c0_i32_0 = arith.constant 0 : i32
    %c0_i32_1 = arith.constant 0 : i32
    return %c0_i32, %c0_i32_0 : i32, i32
  }
  func.func @transform_15(%arg0: i32) -> i32 {
    %c0_i32 = arith.constant 0 : i32
    %c0_i32_0 = arith.constant 0 : i32
    return %c0_i32 : i32
  }
  func.func @transform_16(%arg0: i32) -> (i32, i32) {
    %c0_i32 = arith.constant 0 : i32
    %c0_i32_0 = arith.constant 0 : i32
    %c0_i32_1 = arith.constant 0 : i32
    return %c0_i32, %c0_i32_0 : i32, i32
  }
  func.func @transform_17(%arg0: i32) -> i32 {
    %c0_i32 = arith.constant 0 : i32
    %c0_i32_0 = arith.constant 0 : i32
    return %c0_i32 : i32
  }
  func.func @transform_18(%arg0: i32) -> (i32, i32) {
    %c0_i32 = arith.constant 0 : i32
    %c0_i32_0 = arith.constant 0 : i32
    %c0_i32_1 = arith.constant 0 : i32
    return %c0_i32, %c0_i32_0 : i32, i32
  }
  func.func @transform_19(%arg0: i32) -> i32 {
    %c0_i32 = arith.constant 0 : i32
    %c0_i32_0 = arith.constant 0 : i32
    return %c0_i32 : i32
  }
  func.func @transform_20(%arg0: i32) -> (i32, i32) {
    %c0_i32 = arith.constant 0 : i32
    %c0_i32_0 = arith.constant 0 : i32
    return %arg0, %c0_i32 : i32, i32
  }
  func.func @transform_21(%arg0: i32) -> (i32, i32, i32) {
    %c0_i32 = arith.constant 0 : i32
    %c0_i32_0 = arith.constant 0 : i32
    %c0_i32_1 = arith.constant 0 : i32
    return %c0_i32, %arg0, %c0_i32_0 : i32, i32, i32
  }
  func.func @transform_22(%arg0: i32) -> (i32, i32, i32) {
    %c0_i32 = arith.constant 0 : i32
    %c0_i32_0 = arith.constant 0 : i32
    %c0_i32_1 = arith.constant 0 : i32
    return %c0_i32, %arg0, %c0_i32_0 : i32, i32, i32
  }
}

module attributes {stable_mosaic.version = 14 : i64} {
  func.func @_user_body(%arg0: i32, %arg1: memref<1000x128xf32, #tpu.memory_space<vmem>>, %arg2: memref<256x128xf32, #tpu.memory_space<vmem>>, %arg3: memref<256xf32, #tpu.memory_space<vmem>>, %arg4: memref<256xf32, #tpu.memory_space<vmem>>, %arg5: memref<256xf32, #tpu.memory_space<vmem>>, %arg6: memref<64x256xf32, #tpu.memory_space<vmem>>, %arg7: memref<64xf32, #tpu.memory_space<vmem>>, %arg8: memref<64x64xf32, #tpu.memory_space<vmem>>, %arg9: memref<64xf32, #tpu.memory_space<vmem>>, %arg10: memref<64x64xf32, #tpu.memory_space<vmem>>, %arg11: memref<64xf32, #tpu.memory_space<vmem>>, %arg12: memref<64x64xf32, #tpu.memory_space<vmem>>, %arg13: memref<64xf32, #tpu.memory_space<vmem>>, %arg14: memref<64x64xf32, #tpu.memory_space<vmem>>, %arg15: memref<64xf32, #tpu.memory_space<vmem>>, %arg16: memref<2x1000x32xf32, #tpu.memory_space<vmem>>, %arg17: memref<2x1000x32xf32, #tpu.memory_space<vmem>>, %arg18: memref<2x1000x32xf32, #tpu.memory_space<vmem>>, %arg19: memref<1000x64xf32, #tpu.memory_space<vmem>>) attributes {dimension_semantics = [#tpu.dimension_semantics<arbitrary>], iteration_bounds = array<i64: 25>, scalar_prefetch = 0 : i64, scratch_operands = 0 : i64, tpu.core_type = #tpu.core_type<tc>, window_params = [{transform_indices = @transform_0, window_bounds = array<i64: 1000, 128>}, {pipeline_mode = #tpu.pipeline_mode<synchronous>, transform_indices = @transform_1, window_bounds = array<i64: 256, 128>}, {pipeline_mode = #tpu.pipeline_mode<synchronous>, transform_indices = @transform_2, window_bounds = array<i64: 256>}, {pipeline_mode = #tpu.pipeline_mode<synchronous>, transform_indices = @transform_3, window_bounds = array<i64: 256>}, {pipeline_mode = #tpu.pipeline_mode<synchronous>, transform_indices = @transform_4, window_bounds = array<i64: 256>}, {pipeline_mode = #tpu.pipeline_mode<synchronous>, transform_indices = @transform_5, window_bounds = array<i64: 64, 256>}, {pipeline_mode = #tpu.pipeline_mode<synchronous>, transform_indices = @transform_6, window_bounds = array<i64: 64>}, {pipeline_mode = #tpu.pipeline_mode<synchronous>, transform_indices = @transform_7, window_bounds = array<i64: 64, 64>}, {pipeline_mode = #tpu.pipeline_mode<synchronous>, transform_indices = @transform_8, window_bounds = array<i64: 64>}, {pipeline_mode = #tpu.pipeline_mode<synchronous>, transform_indices = @transform_9, window_bounds = array<i64: 64, 64>}, {pipeline_mode = #tpu.pipeline_mode<synchronous>, transform_indices = @transform_10, window_bounds = array<i64: 64>}, {pipeline_mode = #tpu.pipeline_mode<synchronous>, transform_indices = @transform_11, window_bounds = array<i64: 64, 64>}, {pipeline_mode = #tpu.pipeline_mode<synchronous>, transform_indices = @transform_12, window_bounds = array<i64: 64>}, {pipeline_mode = #tpu.pipeline_mode<synchronous>, transform_indices = @transform_13, window_bounds = array<i64: 64, 64>}, {pipeline_mode = #tpu.pipeline_mode<synchronous>, transform_indices = @transform_14, window_bounds = array<i64: 64>}, {transform_indices = @transform_15, window_bounds = array<i64: 2, 1000, 32>}, {transform_indices = @transform_16, window_bounds = array<i64: 2, 1000, 32>}, {transform_indices = @transform_17, window_bounds = array<i64: 2, 1000, 32>}, {transform_indices = @transform_18, window_bounds = array<i64: 1000, 64>}]} {
    %get3A = arith.constant 0 : index
    %get3A_0 = arith.constant 0 : index
    %get3A_1 = vector.load %arg1[%get3A, %get3A_0] : memref<1000x128xf32, #tpu.memory_space<vmem>>, vector<1000x128xf32>
    %get3A_2 = arith.constant 0 : index
    %get3A_3 = arith.constant 0 : index
    %get3A_4 = vector.load %arg2[%get3A_2, %get3A_3] : memref<256x128xf32, #tpu.memory_space<vmem>>, vector<256x128xf32>
    %dot_general3A = arith.constant dense<0.000000e+00> : vector<1000x256xf32>
    %dot_general3A_5 = tpu.matmul %get3A_1, %get3A_4, %dot_general3A {dimension_numbers = #tpu.dot_dimension_numbers<[1], [1], [0], [0], [0, 0, 1, 0], [], []>, transpose_lhs_hint = false} : vector<1000x128xf32>, vector<256x128xf32>, vector<1000x256xf32> -> vector<1000x256xf32>
    %get3A_6 = arith.constant 0 : index
    %get3A_7 = vector.load %arg3[%get3A_6] : memref<256xf32, #tpu.memory_space<vmem>>, vector<256xf32>
    %broadcast_in_dim3A = vector.shape_cast %get3A_7 : vector<256xf32> to vector<1x256xf32>
    %add3A = vector.broadcast %broadcast_in_dim3A : vector<1x256xf32> to vector<1000x256xf32>
    %add3A_8 = arith.addf %dot_general3A_5, %add3A : vector<1000x256xf32>
    %get3A_9 = arith.constant 0 : index
    %get3A_10 = vector.load %arg4[%get3A_9] : memref<256xf32, #tpu.memory_space<vmem>>, vector<256xf32>
    %get3A_11 = arith.constant 0 : index
    %get3A_12 = vector.load %arg5[%get3A_11] : memref<256xf32, #tpu.memory_space<vmem>>, vector<256xf32>
    %reduce_sum3A = arith.constant dense<0.000000e+00> : vector<1000xf32>
    %reduce_sum3A_13 = vector.multi_reduction <add>, %add3A_8, %reduce_sum3A [1] : vector<1000x256xf32> to vector<1000xf32>
    %broadcast_in_dim3A_14 = vector.shape_cast %reduce_sum3A_13 : vector<1000xf32> to vector<1000x1xf32>
    %div3A = arith.constant 2.560000e+02 : f32
    %div3A_15 = vector.broadcast %div3A : f32 to vector<1000x1xf32>
    %div3A_16 = arith.divf %broadcast_in_dim3A_14, %div3A_15 : vector<1000x1xf32>
    %sub3A = vector.broadcast %div3A_16 : vector<1000x1xf32> to vector<1000x256xf32>
    %sub3A_17 = arith.subf %add3A_8, %sub3A : vector<1000x256xf32>
    %integer_pow3A = arith.mulf %sub3A_17, %sub3A_17 : vector<1000x256xf32>
    %reduce_sum3A_18 = arith.constant dense<0.000000e+00> : vector<1000xf32>
    %reduce_sum3A_19 = vector.multi_reduction <add>, %integer_pow3A, %reduce_sum3A_18 [1] : vector<1000x256xf32> to vector<1000xf32>
    %broadcast_in_dim3A_20 = vector.shape_cast %reduce_sum3A_19 : vector<1000xf32> to vector<1000x1xf32>
    %div3A_21 = arith.constant 2.560000e+02 : f32
    %div3A_22 = vector.broadcast %div3A_21 : f32 to vector<1000x1xf32>
    %div3A_23 = arith.divf %broadcast_in_dim3A_20, %div3A_22 : vector<1000x1xf32>
    %sub3A_24 = vector.broadcast %div3A_16 : vector<1000x1xf32> to vector<1000x256xf32>
    %sub3A_25 = arith.subf %add3A_8, %sub3A_24 : vector<1000x256xf32>
    %add3A_26 = arith.constant 9.99999974E-6 : f32
    %add3A_27 = vector.broadcast %add3A_26 : f32 to vector<1000x1xf32>
    %add3A_28 = arith.addf %div3A_23, %add3A_27 : vector<1000x1xf32>
    %rsqrt3A = math.rsqrt %add3A_28 : vector<1000x1xf32>
    %mul3A = vector.broadcast %rsqrt3A : vector<1000x1xf32> to vector<1000x256xf32>
    %mul3A_29 = arith.mulf %sub3A_25, %mul3A : vector<1000x256xf32>
    %broadcast_in_dim3A_30 = vector.shape_cast %get3A_10 : vector<256xf32> to vector<1x256xf32>
    %mul3A_31 = vector.broadcast %broadcast_in_dim3A_30 : vector<1x256xf32> to vector<1000x256xf32>
    %mul3A_32 = arith.mulf %mul3A_29, %mul3A_31 : vector<1000x256xf32>
    %broadcast_in_dim3A_33 = vector.shape_cast %get3A_12 : vector<256xf32> to vector<1x256xf32>
    %add3A_34 = vector.broadcast %broadcast_in_dim3A_33 : vector<1x256xf32> to vector<1000x256xf32>
    %add3A_35 = arith.addf %mul3A_32, %add3A_34 : vector<1000x256xf32>
    %max3A = arith.constant 0.000000e+00 : f32
    %max3A_36 = vector.broadcast %max3A : f32 to vector<1000x256xf32>
    %max3A_37 = arith.maximumf %add3A_35, %max3A_36 : vector<1000x256xf32>
    %get3A_38 = arith.constant 0 : index
    %get3A_39 = arith.constant 0 : index
    %get3A_40 = vector.load %arg6[%get3A_38, %get3A_39] : memref<64x256xf32, #tpu.memory_space<vmem>>, vector<64x256xf32>
    %dot_general3A_41 = arith.constant dense<0.000000e+00> : vector<1000x64xf32>
    %dot_general3A_42 = tpu.matmul %max3A_37, %get3A_40, %dot_general3A_41 {dimension_numbers = #tpu.dot_dimension_numbers<[1], [1], [0], [0], [0, 0, 1, 0], [], []>, transpose_lhs_hint = false} : vector<1000x256xf32>, vector<64x256xf32>, vector<1000x64xf32> -> vector<1000x64xf32>
    %get3A_43 = arith.constant 0 : index
    %get3A_44 = vector.load %arg7[%get3A_43] : memref<64xf32, #tpu.memory_space<vmem>>, vector<64xf32>
    %broadcast_in_dim3A_45 = vector.shape_cast %get3A_44 : vector<64xf32> to vector<1x64xf32>
    %add3A_46 = vector.broadcast %broadcast_in_dim3A_45 : vector<1x64xf32> to vector<1000x64xf32>
    %add3A_47 = arith.addf %dot_general3A_42, %add3A_46 : vector<1000x64xf32>
    %get3A_48 = arith.constant 0 : index
    %get3A_49 = arith.constant 0 : index
    %get3A_50 = vector.load %arg8[%get3A_48, %get3A_49] : memref<64x64xf32, #tpu.memory_space<vmem>>, vector<64x64xf32>
    %dot_general3A_51 = arith.constant dense<0.000000e+00> : vector<1000x64xf32>
    %dot_general3A_52 = tpu.matmul %add3A_47, %get3A_50, %dot_general3A_51 {dimension_numbers = #tpu.dot_dimension_numbers<[1], [1], [0], [0], [0, 0, 1, 0], [], []>, transpose_lhs_hint = false} : vector<1000x64xf32>, vector<64x64xf32>, vector<1000x64xf32> -> vector<1000x64xf32>
    %get3A_53 = arith.constant 0 : index
    %get3A_54 = vector.load %arg9[%get3A_53] : memref<64xf32, #tpu.memory_space<vmem>>, vector<64xf32>
    %broadcast_in_dim3A_55 = vector.shape_cast %get3A_54 : vector<64xf32> to vector<1x64xf32>
    %add3A_56 = vector.broadcast %broadcast_in_dim3A_55 : vector<1x64xf32> to vector<1000x64xf32>
    %add3A_57 = arith.addf %dot_general3A_52, %add3A_56 : vector<1000x64xf32>
    %mul3A_58 = arith.constant 2.500000e-01 : f32
    %mul3A_59 = vector.broadcast %mul3A_58 : f32 to vector<1000x64xf32>
    %mul3A_60 = arith.mulf %add3A_57, %mul3A_59 : vector<1000x64xf32>
    %slice3A = vector.extract_strided_slice %mul3A_60 {offsets = [0, 0], sizes = [1000, 32], strides = [1, 1]} : vector<1000x64xf32> to vector<1000x32xf32>
    %swap3A = arith.constant 0 : index
    %swap3A_61 = arith.constant 0 : index
    %swap3A_62 = arith.constant 0 : index
    %swap3A_63 = vector.load %arg16[%swap3A, %swap3A_61, %swap3A_62] : memref<2x1000x32xf32, #tpu.memory_space<vmem>>, vector<1x1000x32xf32>
    %swap3A_64 = vector.shape_cast %swap3A_63 : vector<1x1000x32xf32> to vector<1000x32xf32>
    %swap3A_65 = vector.shape_cast %slice3A : vector<1000x32xf32> to vector<1x1000x32xf32>
    tpu.vector_store %arg16[%swap3A, %swap3A_61, %swap3A_62], %swap3A_65 {strides = array<i32>} : memref<2x1000x32xf32, #tpu.memory_space<vmem>>, vector<1x1000x32xf32>,
    %slice3A_66 = vector.extract_strided_slice %mul3A_60 {offsets = [0, 32], sizes = [1000, 32], strides = [1, 1]} : vector<1000x64xf32> to vector<1000x32xf32>
    %swap3A_67 = arith.constant 1 : index
    %swap3A_68 = arith.constant 0 : index
    %swap3A_69 = arith.constant 0 : index
    %swap3A_70 = vector.load %arg16[%swap3A_67, %swap3A_68, %swap3A_69] : memref<2x1000x32xf32, #tpu.memory_space<vmem>>, vector<1x1000x32xf32>
    %swap3A_71 = vector.shape_cast %swap3A_70 : vector<1x1000x32xf32> to vector<1000x32xf32>
    %swap3A_72 = vector.shape_cast %slice3A_66 : vector<1000x32xf32> to vector<1x1000x32xf32>
    tpu.vector_store %arg16[%swap3A_67, %swap3A_68, %swap3A_69], %swap3A_72 {strides = array<i32>} : memref<2x1000x32xf32, #tpu.memory_space<vmem>>, vector<1x1000x32xf32>,
    %get3A_73 = arith.constant 0 : index
    %get3A_74 = arith.constant 0 : index
    %get3A_75 = vector.load %arg10[%get3A_73, %get3A_74] : memref<64x64xf32, #tpu.memory_space<vmem>>, vector<64x64xf32>
    %dot_general3A_76 = arith.constant dense<0.000000e+00> : vector<1000x64xf32>
    %dot_general3A_77 = tpu.matmul %add3A_47, %get3A_75, %dot_general3A_76 {dimension_numbers = #tpu.dot_dimension_numbers<[1], [1], [0], [0], [0, 0, 1, 0], [], []>, transpose_lhs_hint = false} : vector<1000x64xf32>, vector<64x64xf32>, vector<1000x64xf32> -> vector<1000x64xf32>
    %get3A_78 = arith.constant 0 : index
    %get3A_79 = vector.load %arg11[%get3A_78] : memref<64xf32, #tpu.memory_space<vmem>>, vector<64xf32>
    %broadcast_in_dim3A_80 = vector.shape_cast %get3A_79 : vector<64xf32> to vector<1x64xf32>
    %add3A_81 = vector.broadcast %broadcast_in_dim3A_80 : vector<1x64xf32> to vector<1000x64xf32>
    %add3A_82 = arith.addf %dot_general3A_77, %add3A_81 : vector<1000x64xf32>
    %slice3A_83 = vector.extract_strided_slice %add3A_82 {offsets = [0, 0], sizes = [1000, 32], strides = [1, 1]} : vector<1000x64xf32> to vector<1000x32xf32>
    %swap3A_84 = arith.constant 0 : index
    %swap3A_85 = arith.constant 0 : index
    %swap3A_86 = arith.constant 0 : index
    %swap3A_87 = vector.load %arg17[%swap3A_84, %swap3A_85, %swap3A_86] : memref<2x1000x32xf32, #tpu.memory_space<vmem>>, vector<1x1000x32xf32>
    %swap3A_88 = vector.shape_cast %swap3A_87 : vector<1x1000x32xf32> to vector<1000x32xf32>
    %swap3A_89 = vector.shape_cast %slice3A_83 : vector<1000x32xf32> to vector<1x1000x32xf32>
    tpu.vector_store %arg17[%swap3A_84, %swap3A_85, %swap3A_86], %swap3A_89 {strides = array<i32>} : memref<2x1000x32xf32, #tpu.memory_space<vmem>>, vector<1x1000x32xf32>,
    %slice3A_90 = vector.extract_strided_slice %add3A_82 {offsets = [0, 32], sizes = [1000, 32], strides = [1, 1]} : vector<1000x64xf32> to vector<1000x32xf32>
    %swap3A_91 = arith.constant 1 : index
    %swap3A_92 = arith.constant 0 : index
    %swap3A_93 = arith.constant 0 : index
    %swap3A_94 = vector.load %arg17[%swap3A_91, %swap3A_92, %swap3A_93] : memref<2x1000x32xf32, #tpu.memory_space<vmem>>, vector<1x1000x32xf32>
    %swap3A_95 = vector.shape_cast %swap3A_94 : vector<1x1000x32xf32> to vector<1000x32xf32>
    %swap3A_96 = vector.shape_cast %slice3A_90 : vector<1000x32xf32> to vector<1x1000x32xf32>
    tpu.vector_store %arg17[%swap3A_91, %swap3A_92, %swap3A_93], %swap3A_96 {strides = array<i32>} : memref<2x1000x32xf32, #tpu.memory_space<vmem>>, vector<1x1000x32xf32>,
    %get3A_97 = arith.constant 0 : index
    %get3A_98 = arith.constant 0 : index
    %get3A_99 = vector.load %arg12[%get3A_97, %get3A_98] : memref<64x64xf32, #tpu.memory_space<vmem>>, vector<64x64xf32>
    %dot_general3A_100 = arith.constant dense<0.000000e+00> : vector<1000x64xf32>
    %dot_general3A_101 = tpu.matmul %add3A_47, %get3A_99, %dot_general3A_100 {dimension_numbers = #tpu.dot_dimension_numbers<[1], [1], [0], [0], [0, 0, 1, 0], [], []>, transpose_lhs_hint = false} : vector<1000x64xf32>, vector<64x64xf32>, vector<1000x64xf32> -> vector<1000x64xf32>
    %get3A_102 = arith.constant 0 : index
    %get3A_103 = vector.load %arg13[%get3A_102] : memref<64xf32, #tpu.memory_space<vmem>>, vector<64xf32>
    %broadcast_in_dim3A_104 = vector.shape_cast %get3A_103 : vector<64xf32> to vector<1x64xf32>
    %add3A_105 = vector.broadcast %broadcast_in_dim3A_104 : vector<1x64xf32> to vector<1000x64xf32>
    %add3A_106 = arith.addf %dot_general3A_101, %add3A_105 : vector<1000x64xf32>
    %slice3A_107 = vector.extract_strided_slice %add3A_106 {offsets = [0, 0], sizes = [1000, 32], strides = [1, 1]} : vector<1000x64xf32> to vector<1000x32xf32>
    %swap3A_108 = arith.constant 0 : index
    %swap3A_109 = arith.constant 0 : index
    %swap3A_110 = arith.constant 0 : index
    %swap3A_111 = vector.load %arg18[%swap3A_108, %swap3A_109, %swap3A_110] : memref<2x1000x32xf32, #tpu.memory_space<vmem>>, vector<1x1000x32xf32>
    %swap3A_112 = vector.shape_cast %swap3A_111 : vector<1x1000x32xf32> to vector<1000x32xf32>
    %swap3A_113 = vector.shape_cast %slice3A_107 : vector<1000x32xf32> to vector<1x1000x32xf32>
    tpu.vector_store %arg18[%swap3A_108, %swap3A_109, %swap3A_110], %swap3A_113 {strides = array<i32>} : memref<2x1000x32xf32, #tpu.memory_space<vmem>>, vector<1x1000x32xf32>,
    %slice3A_114 = vector.extract_strided_slice %add3A_106 {offsets = [0, 32], sizes = [1000, 32], strides = [1, 1]} : vector<1000x64xf32> to vector<1000x32xf32>
    %swap3A_115 = arith.constant 1 : index
    %swap3A_116 = arith.constant 0 : index
    %swap3A_117 = arith.constant 0 : index
    %swap3A_118 = vector.load %arg18[%swap3A_115, %swap3A_116, %swap3A_117] : memref<2x1000x32xf32, #tpu.memory_space<vmem>>, vector<1x1000x32xf32>
    %swap3A_119 = vector.shape_cast %swap3A_118 : vector<1x1000x32xf32> to vector<1000x32xf32>
    %swap3A_120 = vector.shape_cast %slice3A_114 : vector<1000x32xf32> to vector<1x1000x32xf32>
    tpu.vector_store %arg18[%swap3A_115, %swap3A_116, %swap3A_117], %swap3A_120 {strides = array<i32>} : memref<2x1000x32xf32, #tpu.memory_space<vmem>>, vector<1x1000x32xf32>,
    %get3A_121 = arith.constant 0 : index
    %get3A_122 = arith.constant 0 : index
    %get3A_123 = vector.load %arg14[%get3A_121, %get3A_122] : memref<64x64xf32, #tpu.memory_space<vmem>>, vector<64x64xf32>
    %dot_general3A_124 = arith.constant dense<0.000000e+00> : vector<1000x64xf32>
    %dot_general3A_125 = tpu.matmul %add3A_47, %get3A_123, %dot_general3A_124 {dimension_numbers = #tpu.dot_dimension_numbers<[1], [1], [0], [0], [0, 0, 1, 0], [], []>, transpose_lhs_hint = false} : vector<1000x64xf32>, vector<64x64xf32>, vector<1000x64xf32> -> vector<1000x64xf32>
    %get3A_126 = arith.constant 0 : index
    %get3A_127 = vector.load %arg15[%get3A_126] : memref<64xf32, #tpu.memory_space<vmem>>, vector<64xf32>
    %broadcast_in_dim3A_128 = vector.shape_cast %get3A_127 : vector<64xf32> to vector<1x64xf32>
    %add3A_129 = vector.broadcast %broadcast_in_dim3A_128 : vector<1x64xf32> to vector<1000x64xf32>
    %add3A_130 = arith.addf %dot_general3A_125, %add3A_129 : vector<1000x64xf32>
    %swap3A_131 = arith.constant 0 : index
    %swap3A_132 = arith.constant 0 : index
    %swap3A_133 = vector.load %arg19[%swap3A_131, %swap3A_132] : memref<1000x64xf32, #tpu.memory_space<vmem>>, vector<1000x64xf32>
    tpu.vector_store %arg19[%swap3A_131, %swap3A_132], %add3A_130 {strides = array<i32>} : memref<1000x64xf32, #tpu.memory_space<vmem>>, vector<1000x64xf32>,
    return
  }
  func.func @transform_0(%arg0: i32) -> (i32, i32) {
    %c0_i32 = arith.constant 0 : i32
    %c0_i32_0 = arith.constant 0 : i32
    return %arg0, %c0_i32 : i32, i32
  }
  func.func @transform_1(%arg0: i32) -> (i32, i32) {
    %c0_i32 = arith.constant 0 : i32
    %c0_i32_0 = arith.constant 0 : i32
    %c0_i32_1 = arith.constant 0 : i32
    return %c0_i32, %c0_i32_0 : i32, i32
  }
  func.func @transform_2(%arg0: i32) -> i32 {
    %c0_i32 = arith.constant 0 : i32
    %c0_i32_0 = arith.constant 0 : i32
    return %c0_i32 : i32
  }
  func.func @transform_3(%arg0: i32) -> i32 {
    %c0_i32 = arith.constant 0 : i32
    %c0_i32_0 = arith.constant 0 : i32
    return %c0_i32 : i32
  }
  func.func @transform_4(%arg0: i32) -> i32 {
    %c0_i32 = arith.constant 0 : i32
    %c0_i32_0 = arith.constant 0 : i32
    return %c0_i32 : i32
  }
  func.func @transform_5(%arg0: i32) -> (i32, i32) {
    %c0_i32 = arith.constant 0 : i32
    %c0_i32_0 = arith.constant 0 : i32
    %c0_i32_1 = arith.constant 0 : i32
    return %c0_i32, %c0_i32_0 : i32, i32
  }
  func.func @transform_6(%arg0: i32) -> i32 {
    %c0_i32 = arith.constant 0 : i32
    %c0_i32_0 = arith.constant 0 : i32
    return %c0_i32 : i32
  }
  func.func @transform_7(%arg0: i32) -> (i32, i32) {
    %c0_i32 = arith.constant 0 : i32
    %c0_i32_0 = arith.constant 0 : i32
    %c0_i32_1 = arith.constant 0 : i32
    return %c0_i32, %c0_i32_0 : i32, i32
  }
  func.func @transform_8(%arg0: i32) -> i32 {
    %c0_i32 = arith.constant 0 : i32
    %c0_i32_0 = arith.constant 0 : i32
    return %c0_i32 : i32
  }
  func.func @transform_9(%arg0: i32) -> (i32, i32) {
    %c0_i32 = arith.constant 0 : i32
    %c0_i32_0 = arith.constant 0 : i32
    %c0_i32_1 = arith.constant 0 : i32
    return %c0_i32, %c0_i32_0 : i32, i32
  }
  func.func @transform_10(%arg0: i32) -> i32 {
    %c0_i32 = arith.constant 0 : i32
    %c0_i32_0 = arith.constant 0 : i32
    return %c0_i32 : i32
  }
  func.func @transform_11(%arg0: i32) -> (i32, i32) {
    %c0_i32 = arith.constant 0 : i32
    %c0_i32_0 = arith.constant 0 : i32
    %c0_i32_1 = arith.constant 0 : i32
    return %c0_i32, %c0_i32_0 : i32, i32
  }
  func.func @transform_12(%arg0: i32) -> i32 {
    %c0_i32 = arith.constant 0 : i32
    %c0_i32_0 = arith.constant 0 : i32
    return %c0_i32 : i32
  }
  func.func @transform_13(%arg0: i32) -> (i32, i32) {
    %c0_i32 = arith.constant 0 : i32
    %c0_i32_0 = arith.constant 0 : i32
    %c0_i32_1 = arith.constant 0 : i32
    return %c0_i32, %c0_i32_0 : i32, i32
  }
  func.func @transform_14(%arg0: i32) -> i32 {
    %c0_i32 = arith.constant 0 : i32
    %c0_i32_0 = arith.constant 0 : i32
    return %c0_i32 : i32
  }
  func.func @transform_15(%arg0: i32) -> (i32, i32, i32) {
    %c0_i32 = arith.constant 0 : i32
    %c0_i32_0 = arith.constant 0 : i32
    %c0_i32_1 = arith.constant 0 : i32
    return %c0_i32, %arg0, %c0_i32_0 : i32, i32, i32
  }
  func.func @transform_16(%arg0: i32) -> (i32, i32, i32) {
    %c0_i32 = arith.constant 0 : i32
    %c0_i32_0 = arith.constant 0 : i32
    %c0_i32_1 = arith.constant 0 : i32
    return %c0_i32, %arg0, %c0_i32_0 : i32, i32, i32
  }
  func.func @transform_17(%arg0: i32) -> (i32, i32, i32) {
    %c0_i32 = arith.constant 0 : i32
    %c0_i32_0 = arith.constant 0 : i32
    %c0_i32_1 = arith.constant 0 : i32
    return %c0_i32, %arg0, %c0_i32_0 : i32, i32, i32
  }
  func.func @transform_18(%arg0: i32) -> (i32, i32) {
    %c0_i32 = arith.constant 0 : i32
    %c0_i32_0 = arith.constant 0 : i32
    return %arg0, %c0_i32 : i32, i32
  }
}

module attributes {stable_mosaic.version = 14 : i64} {
  func.func @_edge_body(%arg0: i32, %arg1: memref<8000x16xf32, #tpu.memory_space<vmem>>, %arg2: memref<1x1x8000xi32, #tpu.memory_space<vmem>>, %arg3: memref<8x128xi32, #tpu.memory_space<vmem>>, %arg4: memref<32x16xf32, #tpu.memory_space<vmem>>, %arg5: memref<32xf32, #tpu.memory_space<vmem>>, %arg6: memref<32xf32, #tpu.memory_space<vmem>>, %arg7: memref<32xf32, #tpu.memory_space<vmem>>, %arg8: memref<64x32xf32, #tpu.memory_space<vmem>>, %arg9: memref<64xf32, #tpu.memory_space<vmem>>, %arg10: memref<64x64xf32, #tpu.memory_space<vmem>>, %arg11: memref<2x2000x128xf32, #tpu.memory_space<vmem>>, %arg12: memref<1x1x8000xi32, #tpu.memory_space<vmem>>) attributes {dimension_semantics = [#tpu.dimension_semantics<arbitrary>], iteration_bounds = array<i64: 100>, scalar_prefetch = 0 : i64, scratch_operands = 0 : i64, tpu.core_type = #tpu.core_type<tc>, window_params = [{transform_indices = @transform_0, window_bounds = array<i64: 8000, 16>}, {transform_indices = @transform_1, window_bounds = array<i64: 1, 1, 8000>}, {pipeline_mode = #tpu.pipeline_mode<synchronous>, transform_indices = @transform_2, window_bounds = array<i64: 8, 128>}, {pipeline_mode = #tpu.pipeline_mode<synchronous>, transform_indices = @transform_3, window_bounds = array<i64: 32, 16>}, {pipeline_mode = #tpu.pipeline_mode<synchronous>, transform_indices = @transform_4, window_bounds = array<i64: 32>}, {pipeline_mode = #tpu.pipeline_mode<synchronous>, transform_indices = @transform_5, window_bounds = array<i64: 32>}, {pipeline_mode = #tpu.pipeline_mode<synchronous>, transform_indices = @transform_6, window_bounds = array<i64: 32>}, {pipeline_mode = #tpu.pipeline_mode<synchronous>, transform_indices = @transform_7, window_bounds = array<i64: 64, 32>}, {pipeline_mode = #tpu.pipeline_mode<synchronous>, transform_indices = @transform_8, window_bounds = array<i64: 64>}, {pipeline_mode = #tpu.pipeline_mode<synchronous>, transform_indices = @transform_9, window_bounds = array<i64: 64, 64>}, {transform_indices = @transform_10, window_bounds = array<i64: 2, 2000, 128>}, {transform_indices = @transform_11, window_bounds = array<i64: 1, 1, 8000>}]} {
    %get3A = arith.constant 0 : index
    %get3A_0 = arith.constant 0 : index
    %get3A_1 = vector.load %arg1[%get3A, %get3A_0] : memref<8000x16xf32, #tpu.memory_space<vmem>>, vector<8000x16xf32>
    %get3A_2 = arith.constant 0 : index
    %get3A_3 = arith.constant 0 : index
    %get3A_4 = vector.load %arg4[%get3A_2, %get3A_3] : memref<32x16xf32, #tpu.memory_space<vmem>>, vector<32x16xf32>
    %dot_general3A = arith.constant dense<0.000000e+00> : vector<8000x32xf32>
    %dot_general3A_5 = tpu.matmul %get3A_1, %get3A_4, %dot_general3A {dimension_numbers = #tpu.dot_dimension_numbers<[1], [1], [0], [0], [0, 0, 1, 0], [], []>, transpose_lhs_hint = false} : vector<8000x16xf32>, vector<32x16xf32>, vector<8000x32xf32> -> vector<8000x32xf32>
    %get3A_6 = arith.constant 0 : index
    %get3A_7 = vector.load %arg5[%get3A_6] : memref<32xf32, #tpu.memory_space<vmem>>, vector<32xf32>
    %broadcast_in_dim3A = vector.shape_cast %get3A_7 : vector<32xf32> to vector<1x32xf32>
    %add3A = vector.broadcast %broadcast_in_dim3A : vector<1x32xf32> to vector<8000x32xf32>
    %add3A_8 = arith.addf %dot_general3A_5, %add3A : vector<8000x32xf32>
    %get3A_9 = arith.constant 0 : index
    %get3A_10 = vector.load %arg6[%get3A_9] : memref<32xf32, #tpu.memory_space<vmem>>, vector<32xf32>
    %get3A_11 = arith.constant 0 : index
    %get3A_12 = vector.load %arg7[%get3A_11] : memref<32xf32, #tpu.memory_space<vmem>>, vector<32xf32>
    %reduce_sum3A = arith.constant dense<0.000000e+00> : vector<8000xf32>
    %reduce_sum3A_13 = vector.multi_reduction <add>, %add3A_8, %reduce_sum3A [1] : vector<8000x32xf32> to vector<8000xf32>
    %broadcast_in_dim3A_14 = vector.shape_cast %reduce_sum3A_13 : vector<8000xf32> to vector<8000x1xf32>
    %div3A = arith.constant 3.200000e+01 : f32
    %div3A_15 = vector.broadcast %div3A : f32 to vector<8000x1xf32>
    %div3A_16 = arith.divf %broadcast_in_dim3A_14, %div3A_15 : vector<8000x1xf32>
    %sub3A = vector.broadcast %div3A_16 : vector<8000x1xf32> to vector<8000x32xf32>
    %sub3A_17 = arith.subf %add3A_8, %sub3A : vector<8000x32xf32>
    %integer_pow3A = arith.mulf %sub3A_17, %sub3A_17 : vector<8000x32xf32>
    %reduce_sum3A_18 = arith.constant dense<0.000000e+00> : vector<8000xf32>
    %reduce_sum3A_19 = vector.multi_reduction <add>, %integer_pow3A, %reduce_sum3A_18 [1] : vector<8000x32xf32> to vector<8000xf32>
    %broadcast_in_dim3A_20 = vector.shape_cast %reduce_sum3A_19 : vector<8000xf32> to vector<8000x1xf32>
    %div3A_21 = arith.constant 3.200000e+01 : f32
    %div3A_22 = vector.broadcast %div3A_21 : f32 to vector<8000x1xf32>
    %div3A_23 = arith.divf %broadcast_in_dim3A_20, %div3A_22 : vector<8000x1xf32>
    %sub3A_24 = vector.broadcast %div3A_16 : vector<8000x1xf32> to vector<8000x32xf32>
    %sub3A_25 = arith.subf %add3A_8, %sub3A_24 : vector<8000x32xf32>
    %add3A_26 = arith.constant 9.99999974E-6 : f32
    %add3A_27 = vector.broadcast %add3A_26 : f32 to vector<8000x1xf32>
    %add3A_28 = arith.addf %div3A_23, %add3A_27 : vector<8000x1xf32>
    %rsqrt3A = math.rsqrt %add3A_28 : vector<8000x1xf32>
    %mul3A = vector.broadcast %rsqrt3A : vector<8000x1xf32> to vector<8000x32xf32>
    %mul3A_29 = arith.mulf %sub3A_25, %mul3A : vector<8000x32xf32>
    %broadcast_in_dim3A_30 = vector.shape_cast %get3A_10 : vector<32xf32> to vector<1x32xf32>
    %mul3A_31 = vector.broadcast %broadcast_in_dim3A_30 : vector<1x32xf32> to vector<8000x32xf32>
    %mul3A_32 = arith.mulf %mul3A_29, %mul3A_31 : vector<8000x32xf32>
    %broadcast_in_dim3A_33 = vector.shape_cast %get3A_12 : vector<32xf32> to vector<1x32xf32>
    %add3A_34 = vector.broadcast %broadcast_in_dim3A_33 : vector<1x32xf32> to vector<8000x32xf32>
    %add3A_35 = arith.addf %mul3A_32, %add3A_34 : vector<8000x32xf32>
    %max3A = arith.constant 0.000000e+00 : f32
    %max3A_36 = vector.broadcast %max3A : f32 to vector<8000x32xf32>
    %max3A_37 = arith.maximumf %add3A_35, %max3A_36 : vector<8000x32xf32>
    %get3A_38 = arith.constant 0 : index
    %get3A_39 = arith.constant 0 : index
    %get3A_40 = vector.load %arg10[%get3A_38, %get3A_39] : memref<64x64xf32, #tpu.memory_space<vmem>>, vector<64x64xf32>
    %get3A_41 = arith.constant 0 : index
    %get3A_42 = arith.constant 0 : index
    %get3A_43 = vector.load %arg8[%get3A_41, %get3A_42] : memref<64x32xf32, #tpu.memory_space<vmem>>, vector<64x32xf32>
    %dot_general3A_44 = arith.constant dense<0.000000e+00> : vector<64x32xf32>
    %dot_general3A_45 = tpu.matmul %get3A_40, %get3A_43, %dot_general3A_44 {dimension_numbers = #tpu.dot_dimension_numbers<[1], [0], [0], [1], [0, 0, 1, 1], [], []>, transpose_lhs_hint = false} : vector<64x64xf32>, vector<64x32xf32>, vector<64x32xf32> -> vector<64x32xf32>
    %get3A_46 = arith.constant 0 : index
    %get3A_47 = arith.constant 0 : index
    %get3A_48 = vector.load %arg10[%get3A_46, %get3A_47] : memref<64x64xf32, #tpu.memory_space<vmem>>, vector<64x64xf32>
    %get3A_49 = arith.constant 0 : index
    %get3A_50 = vector.load %arg9[%get3A_49] : memref<64xf32, #tpu.memory_space<vmem>>, vector<64xf32>
    %dot_general3A_51 = arith.constant dense<0.000000e+00> : vector<64xf32>
    %dot_general3A_52 = tpu.matmul %get3A_48, %get3A_50, %dot_general3A_51 {dimension_numbers = #tpu.dot_dimension_numbers<[1], [0], [0], [], [0, 0], [], []>, transpose_lhs_hint = false} : vector<64x64xf32>, vector<64xf32>, vector<64xf32> -> vector<64xf32>
    %dot_general3A_53 = arith.constant dense<0.000000e+00> : vector<8000x64xf32>
    %dot_general3A_54 = tpu.matmul %max3A_37, %dot_general3A_45, %dot_general3A_53 {dimension_numbers = #tpu.dot_dimension_numbers<[1], [1], [0], [0], [0, 0, 1, 0], [], []>, transpose_lhs_hint = false} : vector<8000x32xf32>, vector<64x32xf32>, vector<8000x64xf32> -> vector<8000x64xf32>
    %broadcast_in_dim3A_55 = vector.shape_cast %dot_general3A_52 : vector<64xf32> to vector<1x64xf32>
    %add3A_56 = vector.broadcast %broadcast_in_dim3A_55 : vector<1x64xf32> to vector<8000x64xf32>
    %add3A_57 = arith.addf %dot_general3A_54, %add3A_56 : vector<8000x64xf32>
    %slice3A = vector.extract_strided_slice %add3A_57 {offsets = [0, 0], sizes = [8000, 32], strides = [1, 1]} : vector<8000x64xf32> to vector<8000x32xf32>
    %reshape3A = vector.shape_cast %slice3A : vector<8000x32xf32> to vector<2000x4x32xf32>
    %slice3A_58 = vector.extract_strided_slice %reshape3A {offsets = [0, 0, 0], sizes = [2000, 1, 32], strides = [1, 1, 1]} : vector<2000x4x32xf32> to vector<2000x1x32xf32>
    %squeeze3A = vector.shape_cast %slice3A_58 : vector<2000x1x32xf32> to vector<2000x32xf32>
    %slice3A_59 = vector.extract_strided_slice %reshape3A {offsets = [0, 1, 0], sizes = [2000, 1, 32], strides = [1, 1, 1]} : vector<2000x4x32xf32> to vector<2000x1x32xf32>
    %squeeze3A_60 = vector.shape_cast %slice3A_59 : vector<2000x1x32xf32> to vector<2000x32xf32>
    %slice3A_61 = vector.extract_strided_slice %reshape3A {offsets = [0, 2, 0], sizes = [2000, 1, 32], strides = [1, 1, 1]} : vector<2000x4x32xf32> to vector<2000x1x32xf32>
    %squeeze3A_62 = vector.shape_cast %slice3A_61 : vector<2000x1x32xf32> to vector<2000x32xf32>
    %slice3A_63 = vector.extract_strided_slice %reshape3A {offsets = [0, 3, 0], sizes = [2000, 1, 32], strides = [1, 1, 1]} : vector<2000x4x32xf32> to vector<2000x1x32xf32>
    %squeeze3A_64 = vector.shape_cast %slice3A_63 : vector<2000x1x32xf32> to vector<2000x32xf32>
    %concatenate3A = tpu.concatenate %squeeze3A, %squeeze3A_60, %squeeze3A_62, %squeeze3A_64 in 1 : vector<2000x32xf32>, vector<2000x32xf32>, vector<2000x32xf32>, vector<2000x32xf32> -> vector<2000x128xf32>
    %swap3A = arith.constant 0 : index
    %swap3A_65 = arith.constant 0 : index
    %swap3A_66 = arith.constant 0 : index
    %swap3A_67 = vector.load %arg11[%swap3A, %swap3A_65, %swap3A_66] : memref<2x2000x128xf32, #tpu.memory_space<vmem>>, vector<1x2000x128xf32>
    %swap3A_68 = vector.shape_cast %swap3A_67 : vector<1x2000x128xf32> to vector<2000x128xf32>
    %swap3A_69 = vector.shape_cast %concatenate3A : vector<2000x128xf32> to vector<1x2000x128xf32>
    tpu.vector_store %arg11[%swap3A, %swap3A_65, %swap3A_66], %swap3A_69 {strides = array<i32>} : memref<2x2000x128xf32, #tpu.memory_space<vmem>>, vector<1x2000x128xf32>,
    %slice3A_70 = vector.extract_strided_slice %add3A_57 {offsets = [0, 32], sizes = [8000, 32], strides = [1, 1]} : vector<8000x64xf32> to vector<8000x32xf32>
    %reshape3A_71 = vector.shape_cast %slice3A_70 : vector<8000x32xf32> to vector<2000x4x32xf32>
    %slice3A_72 = vector.extract_strided_slice %reshape3A_71 {offsets = [0, 0, 0], sizes = [2000, 1, 32], strides = [1, 1, 1]} : vector<2000x4x32xf32> to vector<2000x1x32xf32>
    %squeeze3A_73 = vector.shape_cast %slice3A_72 : vector<2000x1x32xf32> to vector<2000x32xf32>
    %slice3A_74 = vector.extract_strided_slice %reshape3A_71 {offsets = [0, 1, 0], sizes = [2000, 1, 32], strides = [1, 1, 1]} : vector<2000x4x32xf32> to vector<2000x1x32xf32>
    %squeeze3A_75 = vector.shape_cast %slice3A_74 : vector<2000x1x32xf32> to vector<2000x32xf32>
    %slice3A_76 = vector.extract_strided_slice %reshape3A_71 {offsets = [0, 2, 0], sizes = [2000, 1, 32], strides = [1, 1, 1]} : vector<2000x4x32xf32> to vector<2000x1x32xf32>
    %squeeze3A_77 = vector.shape_cast %slice3A_76 : vector<2000x1x32xf32> to vector<2000x32xf32>
    %slice3A_78 = vector.extract_strided_slice %reshape3A_71 {offsets = [0, 3, 0], sizes = [2000, 1, 32], strides = [1, 1, 1]} : vector<2000x4x32xf32> to vector<2000x1x32xf32>
    %squeeze3A_79 = vector.shape_cast %slice3A_78 : vector<2000x1x32xf32> to vector<2000x32xf32>
    %concatenate3A_80 = tpu.concatenate %squeeze3A_73, %squeeze3A_75, %squeeze3A_77, %squeeze3A_79 in 1 : vector<2000x32xf32>, vector<2000x32xf32>, vector<2000x32xf32>, vector<2000x32xf32> -> vector<2000x128xf32>
    %swap3A_81 = arith.constant 1 : index
    %swap3A_82 = arith.constant 0 : index
    %swap3A_83 = arith.constant 0 : index
    %swap3A_84 = vector.load %arg11[%swap3A_81, %swap3A_82, %swap3A_83] : memref<2x2000x128xf32, #tpu.memory_space<vmem>>, vector<1x2000x128xf32>
    %swap3A_85 = vector.shape_cast %swap3A_84 : vector<1x2000x128xf32> to vector<2000x128xf32>
    %swap3A_86 = vector.shape_cast %concatenate3A_80 : vector<2000x128xf32> to vector<1x2000x128xf32>
    tpu.vector_store %arg11[%swap3A_81, %swap3A_82, %swap3A_83], %swap3A_86 {strides = array<i32>} : memref<2x2000x128xf32, #tpu.memory_space<vmem>>, vector<1x2000x128xf32>,
    %get3A_87 = arith.constant 0 : index
    %get3A_88 = arith.constant 0 : index
    %get3A_89 = arith.constant 0 : index
    %get3A_90 = vector.load %arg2[%get3A_87, %get3A_88, %get3A_89] : memref<1x1x8000xi32, #tpu.memory_space<vmem>>, vector<1x1x8000xi32>
    %get3A_91 = arith.constant 0 : index
    %get3A_92 = arith.constant 0 : index
    %get3A_93 = vector.load %arg3[%get3A_91, %get3A_92] : memref<8x128xi32, #tpu.memory_space<vmem>>, vector<1x1xi32>
    %get3A_94 = vector.extract %get3A_93[0, 0] : i32 from vector<1x1xi32>
    %add3A_95 = vector.broadcast %get3A_94 : i32 to vector<1x1x8000xi32>
    %add3A_96 = arith.addi %get3A_90, %add3A_95 : vector<1x1x8000xi32>
    %swap3A_97 = arith.constant 0 : index
    %swap3A_98 = arith.constant 0 : index
    %swap3A_99 = arith.constant 0 : index
    %swap3A_100 = vector.load %arg12[%swap3A_97, %swap3A_98, %swap3A_99] : memref<1x1x8000xi32, #tpu.memory_space<vmem>>, vector<1x1x8000xi32>
    tpu.vector_store %arg12[%swap3A_97, %swap3A_98, %swap3A_99], %add3A_96 {strides = array<i32>} : memref<1x1x8000xi32, #tpu.memory_space<vmem>>, vector<1x1x8000xi32>,
    return
  }
  func.func @transform_0(%arg0: i32) -> (i32, i32) {
    %c0_i32 = arith.constant 0 : i32
    %c0_i32_0 = arith.constant 0 : i32
    return %arg0, %c0_i32 : i32, i32
  }
  func.func @transform_1(%arg0: i32) -> (i32, i32, i32) {
    %c0_i32 = arith.constant 0 : i32
    %c0_i32_0 = arith.constant 0 : i32
    %c0_i32_1 = arith.constant 0 : i32
    return %arg0, %c0_i32, %c0_i32_0 : i32, i32, i32
  }
  func.func @transform_2(%arg0: i32) -> (i32, i32) {
    %c0_i32 = arith.constant 0 : i32
    %c0_i32_0 = arith.constant 0 : i32
    %c0_i32_1 = arith.constant 0 : i32
    return %c0_i32, %c0_i32_0 : i32, i32
  }
  func.func @transform_3(%arg0: i32) -> (i32, i32) {
    %c0_i32 = arith.constant 0 : i32
    %c0_i32_0 = arith.constant 0 : i32
    %c0_i32_1 = arith.constant 0 : i32
    return %c0_i32, %c0_i32_0 : i32, i32
  }
  func.func @transform_4(%arg0: i32) -> i32 {
    %c0_i32 = arith.constant 0 : i32
    %c0_i32_0 = arith.constant 0 : i32
    return %c0_i32 : i32
  }
  func.func @transform_5(%arg0: i32) -> i32 {
    %c0_i32 = arith.constant 0 : i32
    %c0_i32_0 = arith.constant 0 : i32
    return %c0_i32 : i32
  }
  func.func @transform_6(%arg0: i32) -> i32 {
    %c0_i32 = arith.constant 0 : i32
    %c0_i32_0 = arith.constant 0 : i32
    return %c0_i32 : i32
  }
  func.func @transform_7(%arg0: i32) -> (i32, i32) {
    %c0_i32 = arith.constant 0 : i32
    %c0_i32_0 = arith.constant 0 : i32
    %c0_i32_1 = arith.constant 0 : i32
    return %c0_i32, %c0_i32_0 : i32, i32
  }
  func.func @transform_8(%arg0: i32) -> i32 {
    %c0_i32 = arith.constant 0 : i32
    %c0_i32_0 = arith.constant 0 : i32
    return %c0_i32 : i32
  }
  func.func @transform_9(%arg0: i32) -> (i32, i32) {
    %c0_i32 = arith.constant 0 : i32
    %c0_i32_0 = arith.constant 0 : i32
    %c0_i32_1 = arith.constant 0 : i32
    return %c0_i32, %c0_i32_0 : i32, i32
  }
  func.func @transform_10(%arg0: i32) -> (i32, i32, i32) {
    %c0_i32 = arith.constant 0 : i32
    %c0_i32_0 = arith.constant 0 : i32
    %c0_i32_1 = arith.constant 0 : i32
    return %c0_i32, %arg0, %c0_i32_0 : i32, i32, i32
  }
  func.func @transform_11(%arg0: i32) -> (i32, i32, i32) {
    %c0_i32 = arith.constant 0 : i32
    %c0_i32_0 = arith.constant 0 : i32
    %c0_i32_1 = arith.constant 0 : i32
    return %arg0, %c0_i32, %c0_i32_0 : i32, i32, i32
  }
}

module attributes {stable_mosaic.version = 14 : i64} {
  func.func @_combine_body(%arg0: i32, %arg1: memref<1000x48xf32, #tpu.memory_space<vmem>>, %arg2: memref<1000x48xf32, #tpu.memory_space<vmem>>, %arg3: memref<1000x64xf32, #tpu.memory_space<vmem>>, %arg4: memref<1000x64xf32, #tpu.memory_space<vmem>>) attributes {dimension_semantics = [#tpu.dimension_semantics<arbitrary>], iteration_bounds = array<i64: 25>, scalar_prefetch = 0 : i64, scratch_operands = 0 : i64, tpu.core_type = #tpu.core_type<tc>, window_params = [{transform_indices = @transform_0, window_bounds = array<i64: 1000, 48>}, {transform_indices = @transform_1, window_bounds = array<i64: 1000, 48>}, {transform_indices = @transform_2, window_bounds = array<i64: 1000, 64>}, {transform_indices = @transform_3, window_bounds = array<i64: 1000, 64>}]} {
    %get3A = arith.constant 0 : index
    %get3A_0 = arith.constant 0 : index
    %get3A_1 = vector.load %arg1[%get3A, %get3A_0] : memref<1000x48xf32, #tpu.memory_space<vmem>>, vector<1000x48xf32>
    %slice3A = vector.extract_strided_slice %get3A_1 {offsets = [0, 32], sizes = [1000, 1], strides = [1, 1]} : vector<1000x48xf32> to vector<1000x1xf32>
    %slice3A_2 = vector.extract_strided_slice %get3A_1 {offsets = [0, 0], sizes = [1000, 16], strides = [1, 1]} : vector<1000x48xf32> to vector<1000x16xf32>
    %add3A = arith.constant 1.000000e-16 : f32
    %add3A_3 = vector.broadcast %add3A : f32 to vector<1000x1xf32>
    %add3A_4 = arith.addf %slice3A, %add3A_3 : vector<1000x1xf32>
    %div3A = vector.broadcast %add3A_4 : vector<1000x1xf32> to vector<1000x16xf32>
    %div3A_5 = arith.divf %slice3A_2, %div3A : vector<1000x16xf32>
    %slice3A_6 = vector.extract_strided_slice %get3A_1 {offsets = [0, 33], sizes = [1000, 1], strides = [1, 1]} : vector<1000x48xf32> to vector<1000x1xf32>
    %slice3A_7 = vector.extract_strided_slice %get3A_1 {offsets = [0, 16], sizes = [1000, 16], strides = [1, 1]} : vector<1000x48xf32> to vector<1000x16xf32>
    %add3A_8 = arith.constant 1.000000e-16 : f32
    %add3A_9 = vector.broadcast %add3A_8 : f32 to vector<1000x1xf32>
    %add3A_10 = arith.addf %slice3A_6, %add3A_9 : vector<1000x1xf32>
    %div3A_11 = vector.broadcast %add3A_10 : vector<1000x1xf32> to vector<1000x16xf32>
    %div3A_12 = arith.divf %slice3A_7, %div3A_11 : vector<1000x16xf32>
    %get3A_13 = arith.constant 0 : index
    %get3A_14 = arith.constant 0 : index
    %get3A_15 = vector.load %arg2[%get3A_13, %get3A_14] : memref<1000x48xf32, #tpu.memory_space<vmem>>, vector<1000x48xf32>
    %slice3A_16 = vector.extract_strided_slice %get3A_15 {offsets = [0, 32], sizes = [1000, 1], strides = [1, 1]} : vector<1000x48xf32> to vector<1000x1xf32>
    %slice3A_17 = vector.extract_strided_slice %get3A_15 {offsets = [0, 0], sizes = [1000, 16], strides = [1, 1]} : vector<1000x48xf32> to vector<1000x16xf32>
    %add3A_18 = arith.constant 1.000000e-16 : f32
    %add3A_19 = vector.broadcast %add3A_18 : f32 to vector<1000x1xf32>
    %add3A_20 = arith.addf %slice3A_16, %add3A_19 : vector<1000x1xf32>
    %div3A_21 = vector.broadcast %add3A_20 : vector<1000x1xf32> to vector<1000x16xf32>
    %div3A_22 = arith.divf %slice3A_17, %div3A_21 : vector<1000x16xf32>
    %slice3A_23 = vector.extract_strided_slice %get3A_15 {offsets = [0, 33], sizes = [1000, 1], strides = [1, 1]} : vector<1000x48xf32> to vector<1000x1xf32>
    %slice3A_24 = vector.extract_strided_slice %get3A_15 {offsets = [0, 16], sizes = [1000, 16], strides = [1, 1]} : vector<1000x48xf32> to vector<1000x16xf32>
    %add3A_25 = arith.constant 1.000000e-16 : f32
    %add3A_26 = vector.broadcast %add3A_25 : f32 to vector<1000x1xf32>
    %add3A_27 = arith.addf %slice3A_23, %add3A_26 : vector<1000x1xf32>
    %div3A_28 = vector.broadcast %add3A_27 : vector<1000x1xf32> to vector<1000x16xf32>
    %div3A_29 = arith.divf %slice3A_24, %div3A_28 : vector<1000x16xf32>
    %concatenate3A = tpu.concatenate %div3A_5, %div3A_12, %div3A_22, %div3A_29 in 1 : vector<1000x16xf32>, vector<1000x16xf32>, vector<1000x16xf32>, vector<1000x16xf32> -> vector<1000x64xf32>
    %get3A_30 = arith.constant 0 : index
    %get3A_31 = arith.constant 0 : index
    %get3A_32 = vector.load %arg3[%get3A_30, %get3A_31] : memref<1000x64xf32, #tpu.memory_space<vmem>>, vector<1000x64xf32>
    %add3A_33 = arith.addf %concatenate3A, %get3A_32 : vector<1000x64xf32>
    %swap3A = arith.constant 0 : index
    %swap3A_34 = arith.constant 0 : index
    %swap3A_35 = vector.load %arg4[%swap3A, %swap3A_34] : memref<1000x64xf32, #tpu.memory_space<vmem>>, vector<1000x64xf32>
    tpu.vector_store %arg4[%swap3A, %swap3A_34], %add3A_33 {strides = array<i32>} : memref<1000x64xf32, #tpu.memory_space<vmem>>, vector<1000x64xf32>,
    return
  }
  func.func @transform_0(%arg0: i32) -> (i32, i32) {
    %c0_i32 = arith.constant 0 : i32
    %c0_i32_0 = arith.constant 0 : i32
    return %arg0, %c0_i32 : i32, i32
  }
  func.func @transform_1(%arg0: i32) -> (i32, i32) {
    %c0_i32 = arith.constant 0 : i32
    %c0_i32_0 = arith.constant 0 : i32
    return %arg0, %c0_i32 : i32, i32
  }
  func.func @transform_2(%arg0: i32) -> (i32, i32) {
    %c0_i32 = arith.constant 0 : i32
    %c0_i32_0 = arith.constant 0 : i32
    return %arg0, %c0_i32 : i32, i32
  }
  func.func @transform_3(%arg0: i32) -> (i32, i32) {
    %c0_i32 = arith.constant 0 : i32
    %c0_i32_0 = arith.constant 0 : i32
    return %arg0, %c0_i32 : i32, i32
  }
}

</mosaic_0001>

<sc_bundles>
// kernel: kernel.8.cloned.1.call-start
scs
__scs_entry_jumppad:
0x0: {  	(pc) =	sbr.rel $0x88, $3  }
0x1: {  	(tag) =	ssettag $0x0;
	lr =	simm.s32 $0x1  }
0x2: {  	[smem:$0x3F78] =	sst lr;
	_ =	strace $0xD0000000  }
0x3: {  	_ = 	snop  }
0x4: {  	_ = 	snop  }
0x5: {  	_ = 	snop  }
0x6: {  	_ = 	snop  }
0x7: {  	_ = 	snop  }
__scs_overlays_trampoline_lowered:
0x8: {  	[smem:$0x3F87] =	sst s0  }
0x9: {  	[smem:$0x3F88] =	sst s1  }
0xa: {  	[smem:$0x3F89] =	sst s2  }
0xb: {  	[smem:$0x3F8A] =	sst s3  }
0xc: {  	[smem:$0x3F8B] =	sst s4  }
0xd: {  	[smem:$0x3F8C] =	sst s5  }
0xe: {  	[smem:$0x3F8D] =	sst s6  }
0xf: {  	[smem:$0x3F8E] =	sst s7  }
0x10: {  	[smem:$0x3F8F] =	sst s8  }
0x11: {  	[smem:$0x3F90] =	sst s9;
	s0 =	simm.s32 @!p0 $0x0  }
0x12: {  	s1 =	sld [smem:$0x3F76];
	s0 =	simm.s32 @p0 $0x1  }
0x13: {  	[smem:$0x3F91] =	sst s0;
	s0 =	simm.s32 @!p1 $0x0  }
0x14: {  	s2 =	sld [smem:$0x3F75];
	s0 =	simm.s32 @p1 $0x1  }
0x15: {  	[smem:$0x3F92] =	sst s0;
	s0 =	simm.s32 @!p2 $0x0  }
0x16: {  	s3 =	sld [smem:$0x3FDB];
	s0 =	simm.s32 @p2 $0x1  }
0x17: {  	s4 =	simm.s32 $0x1BF5;
	[smem:$0x3F94] =	sst s0  }
0x18: {  	s0 =	sld [smem:$0x3F77];
	_ =	swait.ge [sflag:s4], $0x0  }
0x19: {  	s7 =	sld [smem:$0x3F78]  }
0x1a: {  	s8 =	sadd.s32 $0xFFFFE003, lr  }
0x1b: {  	s9 =	sadd.s32 $0xFFFFFEF7, lr;
	s5 =	simm.s32 $0xFFFFFFFF;
	p2 =	slt.u32 s8, $0xFFFFF086  }
0x1c: {  	p1 =	slt.u32 s9, $0xF7A;
	s5 =	simm.s32 @!p2 $0x0  }
0x1d: {  	s5 =	simm.s32 @p1 $0x1;
	p0 =	seq.s32 s7, s2  }
0x1e: {  	s7 =	smul.u32 @!p0 $0xF7A, s2;
	p2 =	seq.s32 @!p0 s5, $0x0  }
0x1f: {  	s9 =	smul.u32 $0xF7A, s1;
	s8 =	simm.s32 @!p0 $0x1BF5;
	p2 =	por !p2, p0  }
0x20: {  	[sflag:s8] =	ssyncset.s32 @!p0 $0xFFFFF086;
	s6 =	sadd.s32 @!p0 s3, s7;
	s7 =	simm.s32 @!p0 $0x108  }
0x21: {  	s3 =	sadd.s32 s3, s9;
	s6 =	sadd.s32 @!p0 $0x88, s6;
	s7 =	simm.s32 @p2 $0x1082  }
0x22: {  	[simem:s7], [sflag:s8] =	dma.local @!p0 [hbm:s6], $0xF7A  }
0x23: {  	s9 =	sor.u32 $0xD0000000, s2;
	s6 =	simm.s32 $0x108;
	_ =	swait.ge @!p0 [sflag:s8], $0x0  }
0x24: {  	s3 =	sadd.s32 $0x88, s3;
	s6 =	simm.s32 @!p1 $0x1082;
	[sflag:s4] =	ssyncset.s32 $0xFFFFF086  }
0x25: {  	[simem:s6], [sflag:s4] =	dma.local [hbm:s3], $0xF7A  }
0x26: {  	[smem:$0x3F78] =	sst s1;
	(tag) =	ssettag s2;
	_ =	strace s9  }
0x27: {  	s1 =	sld [smem:$0x3F88]  }
0x28: {  	s2 =	sld [smem:$0x3F89]  }
0x29: {  	s4 =	sld [smem:$0x3F8B]  }
0x2a: {  	p0 =	seq.s32 s5, $0x0;
	s5 =	sld [smem:$0x3F8C]  }
0x2b: {  	s6 =	sld [smem:$0x3F8D]  }
0x2c: {  	s7 =	sld [smem:$0x3F8E]  }
0x2d: {  	s3 =	simm.s32 $0x108;
	s8 =	sld [smem:$0x3F8F]  }
0x2e: {  	s3 =	simm.s32 @!p0 $0x1082;
	s9 =	sld [smem:$0x3F90]  }
0x2f: {  	lr =	sadd.s32 s0, s3;
	s0 =	sld [smem:$0x3F87]  }
0x30: {  	s3 =	sld [smem:$0x3F8A]  }
0x31: {  	[smem:$0x3F93] =	sst s10  }
0x32: {  	s10 =	sld [smem:$0x3F91];
	_ =	sdelay $0x3  }
0x33: {  	p0 =	seq.s32 s10, $0x1;
	s10 =	sld [smem:$0x3F93];
	_ =	sdelay $0x3  }
0x34: {  	[smem:$0x3F93] =	sst s10  }
0x35: {  	s10 =	sld [smem:$0x3F92];
	_ =	sdelay $0x3  }
0x36: {  	p1 =	seq.s32 s10, $0x1;
	s10 =	sld [smem:$0x3F93];
	_ =	sdelay $0x3  }
0x37: {  	[smem:$0x3F93] =	sst s10  }
0x38: {  	s10 =	sld [smem:$0x3F94]  }
0x39: {  	_ = 	snop;
	(pc) =	sbr.ind lr, $3  }
0x3a: {  	_ = 	snop  }
0x3b: {  	_ = 	snop  }
0x3c: {  	p2 =	seq.s32 s10, $0x1;
	s10 =	sld [smem:$0x3F93]  }
0x3d: {  	_ =	shalt  }
0x3e: {  	_ =	shalt  }
0x3f: {  	_ =	shalt  }
0x40: {  	_ =	shalt  }
0x41: {  	_ =	shalt  }
0x42: {  	_ =	shalt  }
0x43: {  	_ =	shalt  }
0x44: {  	_ =	shalt  }
0x45: {  	_ =	shalt  }
0x46: {  	_ =	shalt  }
0x47: {  	_ =	shalt  }
0x48: {  	_ =	shalt  }
0x49: {  	_ =	shalt  }
0x4a: {  	_ =	shalt  }
0x4b: {  	_ =	shalt  }
0x4c: {  	_ =	shalt  }
0x4d: {  	_ =	shalt  }
0x4e: {  	_ =	shalt  }
0x4f: {  	_ =	shalt  }
0x50: {  	_ =	shalt  }
0x51: {  	_ =	shalt  }
0x52: {  	_ =	shalt  }
0x53: {  	_ =	shalt  }
0x54: {  	_ =	shalt  }
0x55: {  	_ =	shalt  }
0x56: {  	_ =	shalt  }
0x57: {  	_ =	shalt  }
0x58: {  	_ =	shalt  }
0x59: {  	_ =	shalt  }
0x5a: {  	_ =	shalt  }
0x5b: {  	_ =	shalt  }
0x5c: {  	_ =	shalt  }
0x5d: {  	_ =	shalt  }
0x5e: {  	_ =	shalt  }
0x5f: {  	_ =	shalt  }
0x60: {  	_ =	shalt  }
0x61: {  	_ =	shalt  }
0x62: {  	_ =	shalt  }
0x63: {  	_ =	shalt  }
0x64: {  	_ =	shalt  }
0x65: {  	_ =	shalt  }
0x66: {  	_ =	shalt  }
0x67: {  	_ =	shalt  }
0x68: {  	_ =	shalt  }
0x69: {  	_ =	shalt  }
0x6a: {  	_ =	shalt  }
0x6b: {  	_ =	shalt  }
0x6c: {  	_ =	shalt  }
0x6d: {  	_ =	shalt  }
0x6e: {  	_ =	shalt  }
0x6f: {  	_ =	shalt  }
0x70: {  	_ =	shalt  }
0x71: {  	_ =	shalt  }
0x72: {  	_ =	shalt  }
0x73: {  	_ =	shalt  }
0x74: {  	_ =	shalt  }
0x75: {  	_ =	shalt  }
0x76: {  	_ =	shalt  }
0x77: {  	_ =	shalt  }
0x78: {  	_ =	shalt  }
0x79: {  	_ =	shalt  }
0x7a: {  	_ =	shalt  }
0x7b: {  	_ =	shalt  }
0x7c: {  	_ =	shalt  }
0x7d: {  	_ =	shalt  }
0x7e: {  	_ =	shalt  }
0x7f: {  	_ =	shalt  }
0x80: {  	_ =	shalt  }
0x81: {  	_ =	shalt  }
0x82: {  	_ =	shalt  }
0x83: {  	_ =	shalt  }
0x84: {  	_ =	shalt  }
0x85: {  	_ =	shalt  }
0x86: {  	_ =	shalt  }
0x87: {  	_ =	shalt  }
.Lfunc_end0:
.L_simem_size_0:
called_computation_lowered:
.L_overlay_start_0:
0x88: {  	s2 =	sld [smem:$0x3FD9]  }
0x89: {  	s3 =	sld [smem:$0x3FFE];
	_ =	sdelay $0x1  }
0x8a: {  	s1 =	srdreg.scid  }
0x8b: {  	s0 =	sand.u32 $0x1, s1  }
0x8c: {  	s14 =	sshll.u32 s0, $0xA;
	s2 =	sadd.s32 s3, s2  }
0x8d: {  	s2 =	sadd.s32 s2, s14  }
0x8e: {  	[smem:$0x3F9F] =	sst s2  }
0x8f: {  	_ = 	snop  }
0x90: {  	s2 =	sld [smem:$0x3FD0];
	_ =	sdelay $0x2  }
0x91: {  	s15 =	simm.s32 $0xA;
	s4 =	simm.s32 $0x10  }
0x92: {  	[smem:s4], [sflag:s15] =	dma.local [hbm:s2], $0x1  }
0x93: {  	_ =	swait.eq [sflag:s15], $0x1  }
0x94: {  	[sflag:s15] =	ssyncset.done $0x0  }
0x95: {  	[sflag:s15] =	ssyncadd.s32 $0xFFFFFFFF  }
0x96: {  	s16 =	sld [smem:$0x10];
	(tm) =	ssettm $0x1  }
0x97: {  	s17 =	sld [smem:$0x3FFB];
	_ =	sdelay $0x3  }
0x98: {  	_ =	strace s17  }
0x99: {  	s3 =	sld [smem:$0x3FFC];
	_ =	sdelay $0x3  }
0x9a: {  	_ =	strace s3  }
0x9b: {  	s3 =	sld [smem:$0x3FFD];
	_ =	sdelay $0x3  }
0x9c: {  	_ =	strace s3  }
0x9d: {  	_ =	strace $0x8FFFFFFF  }
0x9e: {  	s18 =	sld [smem:$0x3FDB];
	_ =	sdelay $0x1  }
0x9f: {  	s19 =	simm.s32 $_scs_section_size  }
0xa0: {  	s5 =	simm.s32 $_size__tile_overlayer_lowered;
	s6 =	simm.s32 $_tile_overlayer_lowered  }
0xa1: {  	s22 =	simm.s32 $0x1BFF;
	s21 =	sshll.u32 s6, $0x1;
	s3 =	sadd.s32 s19, s18  }
0xa2: {  	s7 =	simm.s32 $0x0;
	s20 =	sshll.u32 s5, $0x1;
	s5 =	sadd.s32 s21, s3  }
0xa3: {  	[timem:s7], [sflag:s22] =	dma.local [hbm:s5], s20  }
0xa4: {  	_ =	swait.ge [sflag:s22], s20  }
0xa5: {  	s4 =	ssub.s32 $0x0, s20;
	[sflag:s22] =	ssyncset.done $0x0  }
0xa6: {  	[sflag:s22] =	ssyncadd.s32 s4;
	_ =	sdelay $0x1  }
0xa7: {  	s23 =	simm.s32 $0x1B8B  }
0xa8: {  	_ =	swait.ge [sflag:s23], $0x1  }
0xa9: {  	[sflag:s23] =	ssyncset.done $0x0  }
0xaa: {  	s25 =	simm.s32 $0x1B8E;
	s24 =	sld [smem:$0x3FFE];
	[sflag:s23] =	ssyncadd.s32 $0xFFFFFFFF  }
0xab: {  	s26 =	simm.s32 $execute0_lowered;
	[smem:$0x3FD2] =	sst s25  }
0xac: {  	s5 =	sshll.u32 s26, $0x1;
	_ =	strace $0x80000046;
	[dreg:$0x1] =	wrdreg $0xFFFFFFFF  }
0xad: {  	s28 =	simm.s32 $_size_execute0_lowered;
	s3 =	sadd.s32 s3, s5;
	[dreg:$0x0] =	wrdreg $0x0  }
0xae: {  	s5 =	sshll.u32 s28, $0x1;
	[dreg:$0x2] =	wrdreg s3  }
0xaf: {  	[dreg:$0x3] =	wrdreg s5  }
0xb0: {  	[dreg:$0x4] =	wrdreg $0xC0  }
0xb1: {  	_ =	task [dreg:s7], $0x5FFFF  }
0xb2: {  	[dreg:$0x1] =	wrdreg $0xFFFFFFFF  }
0xb3: {  	[dreg:$0x0] =	wrdreg $0x60  }
0xb4: {  	[dreg:$0x2] =	wrdreg s16  }
0xb5: {  	[dreg:$0x3] =	wrdreg s24  }
0xb6: {  	[dreg:$0x4] =	wrdreg $0xB3000  }
0xb7: {  	[dreg:$0x5] =	wrdreg $0x9  }
0xb8: {  	_ =	task.clear_ibuf [dreg:s7], $0x6FFFF;
	_ =	strace $0x90000046  }
0xb9: {  	s29 =	simm.s32 $0x9;
	_ =	strace $0x80000048  }
0xba: {  	_ =	swait.ge [sflag:s29], $0x1  }
0xbb: {  	[sflag:s29] =	ssyncadd.s32 $0xFFFFFFFF  }
0xbc: {  	_ =	strace $0x90000048  }
0xbd: {  	_ =	sfence  }
0xbe: {  	s30 =	sld [smem:$0x0];
	_ =	sdelay $0x2  }
0xbf: {  	s31 =	sshll.u32 s1, $0xD;
	s1 =	sshrl.u32 s1, $0x2  }
0xc0: {  	s3 =	sand.u32 $0x4000, s31;
	s1 =	sadd.s32 s1, s30  }
0xc1: {  	s0 =	sor.u32 s3, s0;
	s1 =	sshll.u32 s1, $0x11  }
0xc2: {  	s0 =	sor.u32 s1, s0  }
0xc3: {  	s0 =	sadd.s32 $0x8F2B, s0  }
0xc4: {  	[sflag:s0] =	ssyncadd.remote.s32 $0x1  }
0xc5: {  	_ =	sfence.sel $0xFFFF  }
0xc6: {  	[dreg:$0x0] =	wrdreg $0xFFFFFFFF;
	(pc) =	sbr.abs _section_cstart, $3  }
0xc7: {  	[dreg:$0x1] =	wrdreg $0xFFFFFFFF  }
0xc8: {  	_ =	task.clear_ibuf [dreg:s7], $0x2FFFF;
	_ =	strace $0x9FFFFFFF  }
0xc9: {  	(tm) =	ssettm $0x7FFFFFFF  }
tec
execute0_lowered:
.L_overlay_start_1:
0x0: {  	(tag) =	ssettag $0x1  }
0x1: {  	s31 =	rddreg [dreg:$0x0]  }
0x2: {  	s0 =	rddreg [dreg:$0x1]  }
0x3: {  	s14 =	rddreg [dreg:$0x2];
	s3 =	simm.s32 $0x0;
	s1 =	srdreg.scid  }
0x4: {  	s4 =	stileid.u32;
	[smem:$0x7FF] =	sst s3;
	s5 =	sadd.s32 $0x344600, s0  }
0x5: {  	s1 =	sand.u32 $0x1, s1;
	s6 =	sadd.s32 $0x21F400, s0;
	s10 =	smul.u32 $0x1800, s4  }
0x6: {  	s7 =	sadd.s32 $0xFDB200, s0;
	s8 =	sadd.s32 $0x281000, s0;
	s9 =	sadd.s32 $0x5800, s0  }
0x7: {  	s24 =	sshll.u32 s4, $0x4;
	s12 =	sshll.u32 s4, $0xC;
	s26 =	smul.u32 $0x6000, s4  }
0x8: {  	s15 =	ssub.s32 $0x186A, s4;
	s30 =	sor.u32 $0xC0, s4;
	s2 =	smul.u32 $0x126000, s1  }
0x9: {  	_ =	strace $0x80000047;
	s22 =	ssub.s32 $0x2, s1;
	s17 =	smul.u32 $0x61A8, s1  }
0xa: {  	s13 =	sadd.s32 s9, s24;
	s19 =	smul.u32 $0x6000, s30;
	p0 =	sgt.u32 s30, $0xC3  }
0xb: {  	s11 =	sshrl.u32 s22, $0x1;
	[dreg:$0x4] =	wrdreg s13;
	s13 =	sor.u32 $0x20, s4  }
0xc: {  	s29 =	sshrl.u32 s26, $0x2;
	s23 =	ssub.s32 s22, s11;
	s11 =	sadd.s32 s8, s24  }
0xd: {  	s2 =	sadd.s32 s10, s2;
	s16 =	sadd.s32 s29, s14;
	[dreg:$0x5] =	wrdreg s11  }
0xe: {  	s10 =	smul.u32 $0x186A000, s1;
	s18 =	sadd.s32 $0x18000, s16;
	[dreg:$0x8] =	wrdreg s16  }
0xf: {  	s1 =	smul.u32 $0xC350, s1;
	s20 =	sadd.s32 $0x48000, s16;
	[dreg:$0x9] =	wrdreg s18  }
0x10: {  	s28 =	smul.u32 $0x6000, s13;
	s21 =	sadd.s32 $0x60000, s16;
	[dreg:$0xb] =	wrdreg s20  }
0x11: {  	s22 =	sshrl.u32 s19, $0x2;
	s24 =	sadd.s32 $0x90000, s16;
	[dreg:$0xc] =	wrdreg s21  }
0x12: {  	s19 =	simm.s32 $0x8;
	s26 =	sadd.s32 $0xC0000, s16;
	[dreg:$0x10] =	wrdreg s24  }
0x13: {  	s2 =	sshrl.u32 s2, $0x3;
	s29 =	sadd.s32 $0xF0000, s16;
	[dreg:$0x12] =	wrdreg s26  }
0x14: {  	s30 =	sadd.s32 $0x108000, s16;
	s0 =	sadd.s32 s2, s0;
	[dreg:$0x14] =	wrdreg s29  }
0x15: {  	s25 =	sadd.s32 s10, s12;
	s2 =	smax.u32 s23, $0x1;
	[dreg:$0x15] =	wrdreg s30  }
0x16: {  	s23 =	sadd.s32 $0x78000, s16;
	s12 =	simm.s32 $0x9;
	[dreg:$0x7] =	wrdreg s2  }
0x17: {  	s11 =	sshrl.u32 s25, $0x3;
	s0 =	sadd.s32 $0x1E000, s0;
	[dreg:$0xf] =	wrdreg s23  }
0x18: {  	s25 =	sadd.s32 $0xA8000, s16;
	s23 =	simm.s32 $0x4180;
	[dreg:$0xe] =	wrdreg s0  }
0x19: {  	s11 =	sadd.s32 s7, s11;
	[dreg:$0x11] =	wrdreg s25;
	s0 =	sor.u32 $0x10, s4  }
0x1a: {  	[dreg:$0x6] =	wrdreg s11;
	s11 =	sshrl.u32 s28, $0x2;
	s28 =	sadd.s32 $0xD8000, s16  }
0x1b: {  	s25 =	simm.s32 $0xA;
	s2 =	sadd.s32 s11, s14;
	[dreg:$0x13] =	wrdreg s28  }
0x1c: {  	v2 =	vimm.f32 $0.0e+00;
	v3 =	vimm.s32 $0xF;
	vm0 =	vmmov $0x1;
	s16 =	simm.s32 $0x80;
	[dreg:$0xa] =	wrdreg s2;
	s2 =	sadd.s32 s22, s14  }
0x1d: {  	vm1 =	vcmask $0x308;
	v0 =	vmov s17;
	v1 =	vmov s1;
	s14 =	simm.s32 $0x100;
	[dreg:$0xd] =	wrdreg s2;
	s2 =	simm.s32 $0x0  }
.LBB2_1:
0x1e: {  	[dreg:$0x16] =	wrdreg s2;
	s1 =	simm.s32 $0xC0;
	s2 =	simm.s32 $0x0  }
.LBB2_2:
0x1f: {  	p1 =	sne.s32 s1, $0x5F40;
	[tilespmem:s2+$0x9B20] =	vst v2;
	s11 =	smov.u32 s1;
	s1 =	sadd.s32 $0xC0, s1  }
.Ltmp0:
0x20: {  	[tilespmem:s2+$0x9B00] =	vst v2;
	(pc) =	sbr.rel @p1 .LBB2_2-.Ltmp0, $2  }
0x21: {  	[tilespmem:s2+$0x9B10] =	vst v2;
	_ =	sdelay $0x2  }
0x22: {  	s2 =	sshra.s32 s11, $0x2  }
0x23: {  	[tilespmem:s2+$0x9B20] =	vst v2  }
0x24: {  	[tilespmem:s2+$0x9B00] =	vst v2  }
0x25: {  	[tilespmem:s2+$0x9B10] =	vst v2;
	s1 =	rddreg [dreg:$0x8];
	s2 =	simm.s32 $0x9B00  }
0x26: {  	[spmem:s1] =	stream.linear.scatter [tilespmem:s2], [sflag:$0x9], $0x1800, $0x38;
	[tilespmem:$0x1D900] =	vst v63  }
0x27: {  	_ =	swait.ge [sflag:s12], $0x1800  }
0x28: {  	[sflag:s12] =	ssyncset.done $0x0  }
0x29: {  	s21 =	rddreg [dreg:$0x9];
	[sflag:s12] =	ssyncadd.s32 $0xFFFFE800  }
0x2a: {  	[spmem:s21] =	stream.linear.scatter [tilespmem:s2], [sflag:$0x9], $0x1800, $0x38;
	[tilespmem:$0x1D900] =	vst v63  }
0x2b: {  	_ =	swait.ge [sflag:s12], $0x1800  }
0x2c: {  	[sflag:s12] =	ssyncset.done $0x0  }
0x2d: {  	s22 =	rddreg [dreg:$0xa];
	[sflag:s12] =	ssyncadd.s32 $0xFFFFE800  }
0x2e: {  	[spmem:s22] =	stream.linear.scatter [tilespmem:s2], [sflag:$0x9], $0x1800, $0x38;
	[tilespmem:$0x1D900] =	vst v63  }
0x2f: {  	_ =	swait.ge [sflag:s12], $0x1800  }
0x30: {  	[sflag:s12] =	ssyncset.done $0x0  }
0x31: {  	s24 =	rddreg [dreg:$0xb];
	[sflag:s12] =	ssyncadd.s32 $0xFFFFE800  }
0x32: {  	[spmem:s24] =	stream.linear.scatter [tilespmem:s2], [sflag:$0x9], $0x1800, $0x38;
	[tilespmem:$0x1D900] =	vst v63  }
0x33: {  	_ =	swait.ge [sflag:s12], $0x1800  }
0x34: {  	[sflag:s12] =	ssyncset.done $0x0  }
0x35: {  	s26 =	rddreg [dreg:$0xc];
	[sflag:s12] =	ssyncadd.s32 $0xFFFFE800  }
0x36: {  	[spmem:s26] =	stream.linear.scatter [tilespmem:s2], [sflag:$0x9], $0x1800, $0x38;
	[tilespmem:$0x1D900] =	vst v63  }
0x37: {  	_ =	swait.ge [sflag:s12], $0x1800  }
0x38: {  	[sflag:s12] =	ssyncset.done $0x0  }
0x39: {  	s28 =	rddreg [dreg:$0xf];
	[sflag:s12] =	ssyncadd.s32 $0xFFFFE800  }
0x3a: {  	[spmem:s28] =	stream.linear.scatter [tilespmem:s2], [sflag:$0x9], $0x1800, $0x38;
	[tilespmem:$0x1D900] =	vst v63  }
0x3b: {  	_ =	swait.ge [sflag:s12], $0x1800  }
0x3c: {  	[sflag:s12] =	ssyncset.done $0x0  }
0x3d: {  	s29 =	rddreg [dreg:$0x10];
	[sflag:s12] =	ssyncadd.s32 $0xFFFFE800  }
0x3e: {  	[spmem:s29] =	stream.linear.scatter [tilespmem:s2], [sflag:$0x9], $0x1800, $0x38;
	[tilespmem:$0x1D900] =	vst v63  }
0x3f: {  	_ =	swait.ge [sflag:s12], $0x1800  }
0x40: {  	[sflag:s12] =	ssyncset.done $0x0  }
0x41: {  	s30 =	rddreg [dreg:$0x11];
	[sflag:s12] =	ssyncadd.s32 $0xFFFFE800  }
0x42: {  	[spmem:s30] =	stream.linear.scatter [tilespmem:s2], [sflag:$0x9], $0x1800, $0x38;
	[tilespmem:$0x1D900] =	vst v63  }
0x43: {  	_ =	swait.ge [sflag:s12], $0x1800  }
0x44: {  	[sflag:s12] =	ssyncset.done $0x0  }
0x45: {  	s11 =	rddreg [dreg:$0x12];
	[sflag:s12] =	ssyncadd.s32 $0xFFFFE800  }
0x46: {  	[spmem:s11] =	stream.linear.scatter [tilespmem:s2], [sflag:$0x9], $0x1800, $0x38;
	[tilespmem:$0x1D900] =	vst v63  }
0x47: {  	_ =	swait.ge [sflag:s12], $0x1800  }
0x48: {  	[sflag:s12] =	ssyncset.done $0x0  }
0x49: {  	s17 =	rddreg [dreg:$0x13];
	[sflag:s12] =	ssyncadd.s32 $0xFFFFE800  }
0x4a: {  	[spmem:s17] =	stream.linear.scatter [tilespmem:s2], [sflag:$0x9], $0x1800, $0x38;
	[tilespmem:$0x1D900] =	vst v63  }
0x4b: {  	_ =	swait.ge [sflag:s12], $0x1800  }
0x4c: {  	[sflag:s12] =	ssyncset.done $0x0  }
0x4d: {  	s18 =	rddreg [dreg:$0x14];
	[sflag:s12] =	ssyncadd.s32 $0xFFFFE800  }
0x4e: {  	[spmem:s18] =	stream.linear.scatter [tilespmem:s2], [sflag:$0x9], $0x1800, $0x38;
	[tilespmem:$0x1D900] =	vst v63  }
0x4f: {  	_ =	swait.ge [sflag:s12], $0x1800  }
0x50: {  	[sflag:s12] =	ssyncset.done $0x0  }
0x51: {  	s20 =	rddreg [dreg:$0x15];
	[sflag:s12] =	ssyncadd.s32 $0xFFFFE800  }
0x52: {  	[spmem:s20] =	stream.linear.scatter [tilespmem:s2], [sflag:$0x9], $0x1800, $0x38;
	[tilespmem:$0x1D900] =	vst v63  }
0x53: {  	_ =	swait.ge [sflag:s12], $0x1800  }
0x54: {  	[sflag:s12] =	ssyncset.done $0x0  }
0x55: {  	s1 =	simm.s32 @!p0 $0x9B00;
	s2 =	rddreg [dreg:$0xd];
	[sflag:s12] =	ssyncadd.s32 $0xFFFFE800  }
0x56: {  	[spmem:s2] =	stream.linear.scatter @!p0 [tilespmem:s1], [sflag:$0x9], $0x1800, $0x38;
	[tilespmem:$0x1D900] =	vst v63  }
0x57: {  	s1 =	simm.s32 @!p0 $0x9  }
0x58: {  	_ =	swait.ge @!p0 [sflag:s1], $0x1800  }
0x59: {  	[sflag:s1] =	ssyncset.done @!p0 $0x0  }
0x5a: {  	[sflag:s1] =	ssyncadd.s32 @!p0 $0xFFFFE800  }
0x5b: {  	[bflag:$0x0] =	sbarrier.arrive $0xFFFF  }
0x5c: {  	s20 =	simm.s32 $0x0;
	s21 =	rddreg [dreg:$0x4]  }
0x5d: {  	[tilespmem:s20], [sflag:$0x9] =	stream.linear.gather [hbm4b:s21+s20], $0x80, $0x38;
	[tilespmem:$0x1D900] =	vst v63  }
0x5e: {  	_ =	swait.ge [sflag:s12], $0x80  }
0x5f: {  	[sflag:s12] =	ssyncset.done $0x0  }
0x60: {  	s22 =	rddreg [dreg:$0x5];
	[sflag:s12] =	ssyncadd.s32 $0xFFFFFF80  }
0x61: {  	[tilespmem:s14], [sflag:$0x9] =	stream.linear.gather [hbm4b:s22+s20], $0x80, $0x38;
	[tilespmem:$0x1D900] =	vst v63  }
0x62: {  	_ =	swait.ge [sflag:s12], $0x80  }
0x63: {  	[sflag:s12] =	ssyncset.done $0x0  }
0x64: {  	[sflag:s12] =	ssyncadd.s32 $0xFFFFFF80  }
0x65: {  	v4 =	vld [tilespmem:$0x0]  }
0x66: {  	v5 =	vld [tilespmem:$0x100]  }
0x67: {  	v6 =	vld [tilespmem:$0x10]  }
0x68: {  	v7 =	vld [tilespmem:$0x110]  }
0x69: {  	v8 =	vld [tilespmem:$0x20]  }
0x6a: {  	v9 =	vld [tilespmem:$0x120];
	v4 =	vadd.s32 v0, v4  }
0x6b: {  	[tilespmem:$0x80] =	vst v4;
	v4 =	vadd.s32 v1, v5;
	v5 =	vld [tilespmem:$0x30]  }
0x6c: {  	v56 =	vld [tilespmem:$0x130];
	[tilespmem:$0x100] =	vst v4;
	v4 =	vadd.s32 v0, v6  }
0x6d: {  	v57 =	vld [tilespmem:$0x40];
	[tilespmem:$0x90] =	vst v4;
	v4 =	vadd.s32 v1, v7  }
0x6e: {  	v58 =	vld [tilespmem:$0x140];
	[tilespmem:$0x110] =	vst v4;
	v4 =	vadd.s32 v0, v8  }
0x6f: {  	v59 =	vld [tilespmem:$0x50];
	[tilespmem:$0xA0] =	vst v4;
	v4 =	vadd.s32 v1, v9  }
0x70: {  	[tilespmem:$0x120] =	vst v4;
	v4 =	vadd.s32 v0, v5;
	v5 =	vld [tilespmem:$0x150]  }
0x71: {  	v60 =	vld [tilespmem:$0x60];
	[tilespmem:$0xB0] =	vst v4;
	v4 =	vadd.s32 v1, v56  }
0x72: {  	v61 =	vld [tilespmem:$0x160];
	[tilespmem:$0x130] =	vst v4;
	v4 =	vadd.s32 v0, v57  }
0x73: {  	v62 =	vld [tilespmem:$0x70];
	[tilespmem:$0xC0] =	vst v4;
	v4 =	vadd.s32 v1, v58  }
0x74: {  	v63 =	vld [tilespmem:$0x170];
	[tilespmem:$0x140] =	vst v4;
	v4 =	vadd.s32 v0, v59  }
0x75: {  	[tilespmem:$0xD0] =	vst v4;
	v4 =	vadd.s32 v1, v5  }
0x76: {  	[tilespmem:$0x150] =	vst v4;
	v4 =	vadd.s32 v0, v60  }
0x77: {  	[tilespmem:$0xE0] =	vst v4;
	v4 =	vadd.s32 v1, v61  }
0x78: {  	[tilespmem:$0x160] =	vst v4;
	v4 =	vadd.s32 v0, v62  }
0x79: {  	[tilespmem:$0xF0] =	vst v4;
	v4 =	vadd.s32 v1, v63  }
0x7a: {  	s24 =	simm.s32 $0x180;
	[tilespmem:$0x170] =	vst v4  }
0x7b: {  	[tilespmem:s24], [sflag:$0x1] =	stream.indirect.gather [hbm4b:s31+s16], $0x20, s16, s16, $0xb8;
	[tilespmem:$0x1D900] =	vst v63  }
0x7c: {  	s26 =	simm.s32 $0x1180  }
0x7d: {  	[tilespmem:s26], [sflag:$0x2] =	stream.indirect.gather [hbm4b:s5+s16], $0x20, s14, s16, $0xb8;
	[tilespmem:$0x1D900] =	vst v63  }
.Ltmp1:
0x7e: {  	_ = 	snop;
	(pc) =	sbr.rel .LBB2_4-.Ltmp1, $4  }
0x7f: {  	s28 =	simm.s32 $0x2180  }
0x80: {  	[tilespmem:s28], [sflag:$0x3] =	stream.indirect.gather [hbm4b:s6+s16], $0x20, s14, s16, $0xb8;
	[tilespmem:$0x1D900] =	vst v63  }
0x81: {  	s30 =	simm.s32 $0x3180;
	s29 =	rddreg [dreg:$0x6]  }
0x82: {  	[tilespmem:s30], [sflag:$0x4] =	stream.linear.gather [hbm4b:s29+s20], $0x1000, $0x38;
	[tilespmem:$0x1D900] =	vst v63  }
.LBB2_16:
0x83: {  	s20 =	sadd.s32 $0x1, s20  }
0x84: {  	p1 =	sne.s32 s20, $0xC4  }
.Ltmp2:
0x85: {  	_ = 	snop;
	(pc) =	sbr.rel @!p1 .LBB2_17-.Ltmp2, $1  }
0x86: {  	_ =	sdelay $0x3  }
.LBB2_4:
0x87: {  	s21 =	sshll.u32 s20, $0x5  }
0x88: {  	s1 =	sor.u32 s0, s21  }
0x89: {  	p1 =	sgt.u32 s1, $0x1869  }
.Ltmp3:
0x8a: {  	_ = 	snop;
	(pc) =	sbr.rel @p1 .LBB2_6-.Ltmp3, $1  }
0x8b: {  	_ =	sdelay $0x3  }
0x8c: {  	s2 =	sshll.u32 s1, $0x4  }
0x8d: {  	s11 =	sadd.s32 s9, s2  }
0x8e: {  	[tilespmem:s23], [sflag:$0xA] =	stream.linear.gather [hbm4b:s11+s3], $0x80, $0x38;
	[tilespmem:$0x1D900] =	vst v63  }
0x8f: {  	_ =	swait.ge [sflag:s25], $0x80  }
0x90: {  	[sflag:s25] =	ssyncset.done $0x0  }
0x91: {  	s22 =	simm.s32 $0x4280;
	s2 =	sadd.s32 s8, s2;
	[sflag:s25] =	ssyncadd.s32 $0xFFFFFF80  }
0x92: {  	[tilespmem:s22], [sflag:$0xA] =	stream.linear.gather [hbm4b:s2+s3], $0x80, $0x38;
	[tilespmem:$0x1D900] =	vst v63  }
0x93: {  	_ =	swait.ge [sflag:s25], $0x80  }
0x94: {  	[sflag:s25] =	ssyncset.done $0x0  }
0x95: {  	[sflag:s25] =	ssyncadd.s32 $0xFFFFFF80  }
0x96: {  	v4 =	vld [tilespmem:$0x4180]  }
0x97: {  	v5 =	vld [tilespmem:$0x4280]  }
0x98: {  	v6 =	vld [tilespmem:$0x4190]  }
0x99: {  	v7 =	vld [tilespmem:$0x4290]  }
0x9a: {  	v8 =	vld [tilespmem:$0x41A0]  }
0x9b: {  	v9 =	vld [tilespmem:$0x42A0];
	v4 =	vadd.s32 v0, v4  }
0x9c: {  	[tilespmem:$0x4200] =	vst v4;
	v4 =	vadd.s32 v1, v5;
	v5 =	vld [tilespmem:$0x41B0]  }
0x9d: {  	v56 =	vld [tilespmem:$0x42B0];
	[tilespmem:$0x4280] =	vst v4;
	v4 =	vadd.s32 v0, v6  }
0x9e: {  	v57 =	vld [tilespmem:$0x41C0];
	[tilespmem:$0x4210] =	vst v4;
	v4 =	vadd.s32 v1, v7  }
0x9f: {  	v58 =	vld [tilespmem:$0x42C0];
	[tilespmem:$0x4290] =	vst v4;
	v4 =	vadd.s32 v0, v8  }
0xa0: {  	v59 =	vld [tilespmem:$0x41D0];
	[tilespmem:$0x4220] =	vst v4;
	v4 =	vadd.s32 v1, v9  }
0xa1: {  	[tilespmem:$0x42A0] =	vst v4;
	v4 =	vadd.s32 v0, v5;
	v5 =	vld [tilespmem:$0x42D0]  }
0xa2: {  	v60 =	vld [tilespmem:$0x41E0];
	[tilespmem:$0x4230] =	vst v4;
	v4 =	vadd.s32 v1, v56  }
0xa3: {  	v61 =	vld [tilespmem:$0x42E0];
	[tilespmem:$0x42B0] =	vst v4;
	v4 =	vadd.s32 v0, v57  }
0xa4: {  	v62 =	vld [tilespmem:$0x41F0];
	[tilespmem:$0x4240] =	vst v4;
	v4 =	vadd.s32 v1, v58  }
0xa5: {  	v63 =	vld [tilespmem:$0x42F0];
	[tilespmem:$0x42C0] =	vst v4;
	v4 =	vadd.s32 v0, v59  }
0xa6: {  	[tilespmem:$0x4250] =	vst v4;
	v4 =	vadd.s32 v1, v5  }
0xa7: {  	[tilespmem:$0x42D0] =	vst v4;
	v4 =	vadd.s32 v0, v60  }
0xa8: {  	[tilespmem:$0x4260] =	vst v4;
	v4 =	vadd.s32 v1, v61  }
0xa9: {  	[tilespmem:$0x42E0] =	vst v4;
	v4 =	vadd.s32 v0, v62  }
0xaa: {  	[tilespmem:$0x4270] =	vst v4;
	v4 =	vadd.s32 v1, v63  }
0xab: {  	s24 =	simm.s32 $0x4200;
	s17 =	simm.s32 $0x4300;
	s29 =	sshll.u32 s1, $0xC;
	[tilespmem:$0x42F0] =	vst v4  }
0xac: {  	[tilespmem:s17], [sflag:$0x5] =	stream.indirect.gather [hbm4b:s31+s16], $0x20, s24, s16, $0xb8;
	[tilespmem:$0x1D900] =	vst v63  }
0xad: {  	s26 =	simm.s32 $0x5300;
	s1 =	sadd.s32 s10, s29  }
0xae: {  	[tilespmem:s26], [sflag:$0x6] =	stream.indirect.gather [hbm4b:s5+s16], $0x20, s22, s16, $0xb8;
	[tilespmem:$0x1D900] =	vst v63  }
0xaf: {  	s28 =	simm.s32 $0x6300;
	s1 =	sshrl.u32 s1, $0x3  }
0xb0: {  	[tilespmem:s28], [sflag:$0x7] =	stream.indirect.gather [hbm4b:s6+s16], $0x20, s22, s16, $0xb8;
	[tilespmem:$0x1D900] =	vst v63  }
0xb1: {  	s30 =	simm.s32 $0x7300;
	s1 =	sadd.s32 s7, s1  }
0xb2: {  	[tilespmem:s30], [sflag:$0x8] =	stream.linear.gather [hbm4b:s1+s3], $0x1000, $0x38;
	[tilespmem:$0x1D900] =	vst v63  }
.LBB2_6:
0xb3: {  	p2 =	sge.u32 s21, s15  }
.Ltmp4:
0xb4: {  	_ = 	snop;
	(pc) =	sbr.rel @p2 .LBB2_10-.Ltmp4, $1  }
0xb5: {  	_ =	sdelay $0x3  }
0xb6: {  	s1 =	simm.s32 $0x1  }
0xb7: {  	_ =	swait.ge [sflag:s1], $0x1000  }
0xb8: {  	[sflag:s1] =	ssyncset.done $0x0  }
0xb9: {  	s18 =	simm.s32 $0x2;
	[sflag:s1] =	ssyncadd.s32 $0xFFFFF000  }
0xba: {  	_ =	swait.ge [sflag:s18], $0x1000  }
0xbb: {  	[sflag:s18] =	ssyncset.done $0x0  }
0xbc: {  	s22 =	simm.s32 $0x3;
	[sflag:s18] =	ssyncadd.s32 $0xFFFFF000  }
0xbd: {  	_ =	swait.ge [sflag:s22], $0x1000  }
0xbe: {  	[sflag:s22] =	ssyncset.done $0x0  }
0xbf: {  	s24 =	simm.s32 $0x4;
	[sflag:s22] =	ssyncadd.s32 $0xFFFFF000  }
0xc0: {  	_ =	swait.ge [sflag:s24], $0x1000  }
0xc1: {  	[sflag:s24] =	ssyncset.done $0x0  }
0xc2: {  	s2 =	simm.s32 $0x31C0;
	[sflag:s24] =	ssyncadd.s32 $0xFFFFF000  }
0xc3: {  	s26 =	simm.s32 $0x11C0;
	v4 =	vld [tilespmem:s2+$0x20]  }
0xc4: {  	v5 =	vld [tilespmem:s26+$0x20]  }
0xc5: {  	s17 =	simm.s32 $0x1C0  }
0xc6: {  	v6 =	vld [tilespmem:s17+$0x20];
	_ =	sdelay $0x2  }
0xc7: {  	v5 =	vadd.f32 v5, v4;
	_ =	sdelay $0x1  }
0xc8: {  	v5 =	vmul.f32 v5, v6  }
0xc9: {  	v6 =	vld [tilespmem:s2+$0xFFFFFFC0]  }
0xca: {  	(xrf2) =	vadd.scan.msk.f32 $0xffff, v5;
	v5 =	vld [tilespmem:s26+$0xFFFFFFC0];
	_ =	sdelay $0x1  }
0xcb: {  	v7 =	vld [tilespmem:s17+$0xFFFFFFC0]  }
0xcc: {  	v8 =	vld [tilespmem:s2+$0xFFFFFFE0]  }
0xcd: {  	v9 =	vld [tilespmem:s26+$0xFFFFFFE0]  }
0xce: {  	v10 =	vld [tilespmem:s2+$0x0];
	v5 =	vadd.f32 v5, v6  }
0xcf: {  	v11 =	vld [tilespmem:s17+$0xFFFFFFE0]  }
0xd0: {  	v12 =	vld [tilespmem:s26+$0x0];
	v5 =	vmul.f32 v5, v7;
	_ =	sdelay $0x1  }
0xd1: {  	v13 =	vld [tilespmem:s17+$0x0];
	(xrf2) =	vadd.scan.msk.f32 $0xffff, v5  }
0xd2: {  	v9 =	vadd.f32 v9, v8;
	v7, _, _ =	vpop (xrf2)  }
0xd3: {  	v7 =	vperm.xlane v7, v3  }
0xd4: {  	v5 =	vmul.f32 v9, v11;
	v11 =	vadd.f32 v12, v10  }
0xd5: {  	v9 =	vmul.f32 $1.442695020e+00, v7  }
0xd6: {  	(xrf2) =	vadd.scan.msk.f32 $0xffff, v5;
	v5 =	vmul.f32 v11, v13  }
0xd7: {  	(erf) = vpow2.f32 v9  }
0xd8: {  	(xrf2) =	vadd.scan.msk.f32 $0xffff, v5  }
0xd9: {  	s28 =	simm.s32 $0x21C0  }
0xda: {  	v9 =	vld [tilespmem:s28+$0x20]  }
0xdb: {  	v11, _, _ =	vpop (xrf2)  }
0xdc: {  	s24 =	simm.s32 $0x3240;
	v11 =	vperm.xlane v11, v3  }
0xdd: {  	s11 =	simm.s32 $0x1240;
	v12 =	vld [tilespmem:s24+$0x20]  }
0xde: {  	v13 =	vld [tilespmem:s11+$0x20];
	v14 =	vmul.f32 $1.442695020e+00, v11  }
0xdf: {  	s18 =	simm.s32 $0x240;
	v4 =	vadd.f32 v9, v4  }
0xe0: {  	v16 =	vld [tilespmem:s18+$0x20];
	v15 =	vpop (erf);
	(erf) = vpow2.f32 v14  }
0xe1: {  	v5 =	vld [tilespmem:s28+$0xFFFFFFC0];
	v4 =	vmul.f32 v15, v4;
	v15, _, _ =	vpop (xrf2)  }
0xe2: {  	s22 =	simm.s32 $0x8360;
	v9 =	vld [tilespmem:s28+$0xFFFFFFE0];
	v15 =	vperm.xlane v15, v3;
	v19, _, _ =	vpop (xrf2)  }
0xe3: {  	v14 =	vld [tilespmem:s11+$0xFFFFFFC0];
	[tilespmem:s22+$0x30] =	vst v4;
	v4 =	vadd.f32 v13, v12;
	v19 =	vperm.xlane v19, v3  }
0xe4: {  	v13 =	vmul.f32 $1.442695020e+00, v15;
	v20 =	vld [tilespmem:s2+$0x30]  }
0xe5: {  	v21 =	vld [tilespmem:s26+$0x30];
	v4 =	vmul.f32 v4, v16;
	v16 =	vmul.f32 $1.442695020e+00, v19  }
0xe6: {  	v22 =	vld [tilespmem:s17+$0x30];
	(erf) = vpow2.f32 v13  }
0xe7: {  	(xrf2) =	vadd.scan.msk.f32 $0xffff, v4;
	v4 =	vadd.f32 v5, v6;
	v6 =	vld [tilespmem:s24+$0xFFFFFFC0];
	_ =	sdelay $0x1  }
0xe8: {  	v24 =	vld [tilespmem:s18+$0xFFFFFFC0];
	(erf) = vpow2.f32 v16;
	v16 =	vpop (erf)  }
0xe9: {  	v17 =	vld [tilespmem:s28+$0x0];
	v21 =	vadd.f32 v21, v20;
	v4 =	vmul.f32 v16, v4  }
0xea: {  	v18 =	vld [tilespmem:s24+$0xFFFFFFE0]  }
0xeb: {  	v23 =	vld [tilespmem:s24+$0x0];
	v8 =	vadd.f32 v9, v8;
	v9 =	vmul.f32 v21, v22;
	[tilespmem:s22+$0xFFFFFFA0] =	vst v4;
	v4 =	vadd.f32 v14, v6  }
0xec: {  	v13 =	vld [tilespmem:s11+$0xFFFFFFE0]  }
0xed: {  	v5 =	vld [tilespmem:s11+$0x0];
	(xrf2) =	vadd.scan.msk.f32 $0xffff, v9;
	v4 =	vmul.f32 v4, v24  }
0xee: {  	v16 =	vld [tilespmem:s18+$0xFFFFFFE0];
	v22 =	vpop (erf)  }
0xef: {  	v21 =	vld [tilespmem:s18+$0x0];
	v8 =	vmul.f32 v22, v8  }
0xf0: {  	v10 =	vadd.f32 v17, v10;
	v14 =	vld [tilespmem:s2+$0xFFFFFFD0];
	v17, _, _ =	vpop (xrf2)  }
0xf1: {  	v9 =	vld [tilespmem:s26+$0xFFFFFFD0];
	(xrf2) =	vadd.scan.msk.f32 $0xffff, v4;
	[tilespmem:s22+$0xFFFFFFD0] =	vst v8;
	v8 =	vadd.f32 v13, v18;
	v17 =	vperm.xlane v17, v3;
	v4 =	vpop (erf)  }
0xf2: {  	v25 =	vld [tilespmem:s2+$0xFFFFFFF0];
	v4 =	vmul.f32 v4, v10  }
0xf3: {  	v13 =	vld [tilespmem:s26+$0xFFFFFFF0];
	v8 =	vmul.f32 v8, v16;
	v10 =	vmul.f32 $1.442695020e+00, v17  }
0xf4: {  	v5 =	vadd.f32 v5, v23  }
0xf5: {  	v16 =	vld [tilespmem:s17+$0xFFFFFFF0];
	(xrf2) =	vadd.scan.msk.f32 $0xffff, v8;
	(erf) = vpow2.f32 v10  }
0xf6: {  	v22 =	vld [tilespmem:s17+$0xFFFFFFD0];
	[tilespmem:s22+$0x0] =	vst v4;
	v4 =	vmul.f32 v5, v21  }
0xf7: {  	v27 =	vld [tilespmem:s2+$0x10];
	s2 =	simm.s32 $0x2240;
	v8 =	vadd.f32 v9, v14;
	v9, _, _ =	vpop (xrf2)  }
0xf8: {  	v21 =	vld [tilespmem:s2+$0x20];
	(xrf2) =	vadd.scan.msk.f32 $0xffff, v4;
	v4 =	vadd.f32 v13, v25;
	v9 =	vperm.xlane v9, v3  }
0xf9: {  	v5 =	vld [tilespmem:s26+$0x10]  }
0xfa: {  	v4 =	vmul.f32 v4, v16;
	v16 =	vmul.f32 $1.442695020e+00, v9  }
0xfb: {  	v10 =	vld [tilespmem:s17+$0x10]  }
0xfc: {  	v7 =	vnsel vm0, $0x0, v7;
	v24 =	vld [tilespmem:s28+$0xFFFFFFD0]  }
0xfd: {  	s1 =	simm.s32 $0x32C0;
	v26 =	vld [tilespmem:s28+$0xFFFFFFF0];
	v13 =	vmul.f32 v8, v22;
	v30, _, _ =	vpop (xrf2);
	v7 =	vsel vm1, v7, v9;
	v12 =	vadd.f32 v21, v12  }
0xfe: {  	s26 =	simm.s32 $0x12C0;
	v8 =	vld [tilespmem:s1+$0x20];
	v5 =	vadd.f32 v5, v27;
	v9 =	vperm.xlane v30, v3;
	(erf) = vpow2.f32 v16;
	v16 =	vpop (erf)  }
0xff: {  	(xrf2) =	vadd.scan.msk.f32 $0xffff, v13;
	v13 =	vld [tilespmem:s26+$0x20];
	v7 =	vmul.f32 $1.442695020e+00, v7;
	v12 =	vmul.f32 v16, v12;
	v16, _, _ =	vpop (xrf2)  }
0x100: {  	s17 =	simm.s32 $0x2C0;
	v28 =	vld [tilespmem:s2+$0xFFFFFFC0];
	v10 =	vmul.f32 v5, v10;
	v16 =	vperm.xlane v16, v3  }
0x101: {  	s29 =	simm.s32 $0x8420;
	v5 =	vmul.f32 $1.442695020e+00, v9;
	(erf) = vpow2.f32 v7;
	v7 =	vld [tilespmem:s17+$0x20]  }
0x102: {  	v29 =	vld [tilespmem:s2+$0x0];
	[tilespmem:s29+$0x30] =	vst v12;
	v12 =	vmul.f32 $1.442695020e+00, v16  }
0x103: {  	v50 =	vld [tilespmem:s26+$0xFFFFFFC0];
	(xrf2) =	vadd.scan.msk.f32 $0xffff, v4;
	(erf) = vpow2.f32 v5  }
0x104: {  	v22 =	vld [tilespmem:s2+$0xFFFFFFE0];
	(xrf2) =	vadd.scan.msk.f32 $0xffff, v10;
	v10 =	vadd.f32 v13, v8;
	(erf) = vpow2.f32 v12  }
0x105: {  	v4 =	vld [tilespmem:s24+$0x30]  }
0x106: {  	v7 =	vmul.f32 v10, v7;
	v32 =	vld [tilespmem:s11+$0x30]  }
0x107: {  	v21 =	vld [tilespmem:s28+$0x30];
	v13, _, _ =	vpop (xrf2)  }
0x108: {  	v31 =	vperm.xlane v13, v3;
	v10 =	vld [tilespmem:s18+$0x30];
	(xrf2) =	vadd.scan.msk.f32 $0xffff, v7  }
0x109: {  	v33 =	vld [tilespmem:s26+$0xFFFFFFE0];
	v7 =	vnsel vm0, $0x0, v19;
	v19 =	vadd.f32 v24, v14;
	v24 =	vadd.f32 v26, v25;
	v25, _, _ =	vpop (xrf2)  }
0x10a: {  	v52 =	vld [tilespmem:s17+$0xFFFFFFE0];
	v6 =	vadd.f32 v28, v6;
	v34 =	vmul.f32 $1.442695020e+00, v31;
	v12 =	vnsel vm0, $0x0, v15;
	v15 =	vpop (erf)  }
0x10b: {  	v54 =	vld [tilespmem:s17+$0x0];
	v18 =	vadd.f32 v22, v18;
	v51 =	vpop (erf);
	v32 =	vadd.f32 v32, v4  }
0x10c: {  	v5 =	vld [tilespmem:s1+$0xFFFFFFE0];
	v20 =	vadd.f32 v21, v20;
	v21 =	vperm.xlane v25, v3;
	(erf) = vpow2.f32 v34;
	v25 =	vpop (erf)  }
0x10d: {  	v14 =	vld [tilespmem:s1+$0xFFFFFFC0];
	v10 =	vmul.f32 v32, v10;
	v55 =	vpop (erf)  }
0x10e: {  	v22 =	vld [tilespmem:s17+$0xFFFFFFC0];
	v6 =	vmul.f32 v25, v6;
	v18 =	vmul.f32 v55, v18  }
0x10f: {  	v11 =	vnsel vm0, $0x0, v11;
	v23 =	vadd.f32 v29, v23;
	v13 =	vld [tilespmem:s1+$0x0];
	v25, _, _ =	vpop (xrf2);
	(xrf2) =	vadd.scan.msk.f32 $0xffff, v10  }
0x110: {  	v15 =	vmul.f32 v15, v20;
	v20 =	vmul.f32 $1.442695020e+00, v21;
	v11 =	vsel vm1, v11, v21;
	[tilespmem:s29+$0xFFFFFFA0] =	vst v6;
	v6 =	vld [tilespmem:s28+$0x10]  }
0x111: {  	v26 =	vld [tilespmem:s26+$0x0];
	v53 =	vadd.f32 v33, v5;
	v58 =	vmul.f32 $1.442695020e+00, v11;
	v21 =	vperm.xlane v25, v3;
	v25, _, _ =	vpop (xrf2)  }
0x112: {  	(erf) = vpow2.f32 v20;
	v20 =	vadd.f32 v50, v14;
	v10 =	vperm.xlane v25, v3;
	v25 =	vld [tilespmem:s24+$0xFFFFFFD0];
	[tilespmem:s29+$0xFFFFFFD0] =	vst v18;
	v18, _, _ =	vpop (xrf2)  }
0x113: {  	v56 =	vsel vm1, v12, v21;
	v12 =	vmul.f32 $1.442695020e+00, v21;
	v21 =	vld [tilespmem:s11+$0xFFFFFFD0];
	v18 =	vperm.xlane v18, v3  }
0x114: {  	v20 =	vmul.f32 v20, v22;
	v22 =	vld [tilespmem:s18+$0xFFFFFFD0];
	v7 =	vsel vm1, v7, v10;
	v10 =	vmul.f32 $1.442695020e+00, v10  }
0x115: {  	v57 =	vld [tilespmem:s2+$0xFFFFFFD0];
	(erf) = vpow2.f32 v12;
	v11 =	vpop (erf);
	v27 =	vadd.f32 v6, v27;
	v6 =	vmul.f32 $1.442695020e+00, v18  }
0x116: {  	(xrf2) =	vadd.scan.msk.f32 $0xffff, v20;
	(erf) = vpow2.f32 v10;
	v10 =	vnsel vm0, $0x0, v9;
	v9 =	vmul.f32 v11, v23;
	v35 =	vld [tilespmem:s24+$0xFFFFFFF0]  }
0x117: {  	v26 =	vadd.f32 v26, v13;
	v20 =	vld [tilespmem:s11+$0xFFFFFFF0]  }
0x118: {  	v29 =	vmul.f32 v53, v52;
	v21 =	vadd.f32 v21, v25;
	(erf) = vpow2.f32 v58;
	v59 =	vld [tilespmem:s18+$0xFFFFFFF0];
	[tilespmem:s29+$0x0] =	vst v9  }
0x119: {  	v17 =	vnsel vm0, $0x0, v17;
	v26 =	vmul.f32 v26, v54;
	v9 =	vld [tilespmem:s24+$0x10];
	(erf) = vpow2.f32 v6;
	v6, _, _ =	vpop (xrf2)  }
0x11a: {  	v12 =	vnsel vm0, $0x0, v16;
	v16 =	vmul.f32 $1.442695020e+00, v56;
	v36 =	vld [tilespmem:s11+$0x10];
	(xrf2) =	vadd.scan.msk.f32 $0xffff, v29;
	v6 =	vperm.xlane v6, v3  }
0x11b: {  	v61 =	vmul.f32 $1.442695020e+00, v7;
	v11 =	vnsel vm0, $0x0, v31;
	v60 =	vld [tilespmem:s2+$0xFFFFFFF0];
	v62 =	vmul.f32 v21, v22;
	s24 =	simm.s32 $0x22C0  }
0x11c: {  	[tilespmem:s22+$0x40] =	vst v15;
	v23 =	vld [tilespmem:s24+$0x20];
	v21 =	vpop (erf);
	v20 =	vadd.f32 v20, v35;
	(erf) = vpow2.f32 v16;
	v17 =	vsel vm1, v17, v6  }
0x11d: {  	v15 =	vnsel vm0, $0x0, v18;
	v18 =	vld [tilespmem:s18+$0x10];
	v16 =	vmul.f32 v21, v19;
	(erf) = vpow2.f32 v61;
	(xrf2) =	vadd.scan.msk.f32 $0xffff, v26  }
0x11e: {  	[tilespmem:s22+$0x50] =	vst v51;
	v7 =	vadd.f32 v57, v25;
	v22 =	vld [tilespmem:s24+$0xFFFFFFC0];
	v19 =	vmul.f32 v20, v59;
	v21 =	vpop (erf);
	v63 =	vmul.f32 $1.442695020e+00, v6  }
0x11f: {  	s23 =	smov.u32 s31;
	s30 =	simm.s32 $0x8;
	s31 =	simm.s32 $0x3340;
	v20 =	vld [tilespmem:s24+$0xFFFFFFE0];
	[tilespmem:s22+$0xFFFFFFB0] =	vst v16;
	v16 =	vmul.f32 v21, v24;
	v24 =	vadd.f32 v36, v9;
	v25 =	vmul.f32 $1.442695020e+00, v17;
	v17 =	vpop (erf)  }
0x120: {  	s28 =	simm.s32 $0x2C0;
	s11 =	simm.s32 $0x12C0;
	s18 =	simm.s32 $0x8420;
	v21 =	vld [tilespmem:s24+$0x0];
	v26, _, _ =	vpop (xrf2);
	(xrf2) =	vadd.scan.msk.f32 $0xffff, v62;
	v6 =	vadd.f32 v60, v35;
	(erf) = vpow2.f32 v63;
	v17 =	vmul.f32 v17, v27  }
.LBB2_8:
0x121: {  	v27 =	vld [tilespmem:s31+$0x20];
	v26 =	vperm.xlane v26, v3;
	s26 =	sadd.s32 $0x80, s26;
	[tilespmem:s22+$0xFFFFFFE0] =	vst v16;
	v16 =	vmov v15  }
0x122: {  	v15 =	vld [tilespmem:s26+$0x20];
	v8 =	vadd.f32 v23, v8;
	v18 =	vmul.f32 v24, v18;
	(erf) = vpow2.f32 v25;
	[tilespmem:s22+$0x10] =	vst v17;
	v17 =	vpop (erf)  }
0x123: {  	s30 =	sadd.s32 $0x4, s30;
	s17 =	sadd.s32 $0x80, s17;
	v23 =	vnsel vm0, $0x0, v26;
	v24 =	vmul.f32 $1.442695020e+00, v26;
	v22 =	vadd.f32 v22, v14;
	v14 =	vpop (erf);
	v25 =	vld [tilespmem:s2+$0x30];
	(xrf2) =	vadd.scan.msk.f32 $0xffff, v19  }
0x124: {  	p2 =	slt.u32 s30, $0x7C;
	v19 =	vld [tilespmem:s17+$0x20];
	v20 =	vadd.f32 v20, v5;
	v26 =	vmul.f32 v14, v8;
	v5, _, _ =	vpop (xrf2);
	[tilespmem:s22+$0xFFFFFFC0] =	vst v17  }
0x125: {  	s29 =	sadd.s32 $0xC0, s29;
	v17 =	vld [tilespmem:s26+$0xFFFFFFC0];
	v14 =	vperm.xlane v5, v3;
	v21 =	vadd.f32 v21, v13;
	(erf) = vpow2.f32 v24;
	v13 =	vpop (erf)  }
0x126: {  	v5 =	vld [tilespmem:s31+$0xFFFFFFE0];
	[tilespmem:s29+$0x30] =	vst v26;
	(xrf2) =	vadd.scan.msk.f32 $0xffff, v18;
	v18 =	vpop (erf);
	v8 =	vmov v27  }
0x127: {  	v15 =	vadd.f32 v15, v8;
	v24 =	vnsel vm0, $0x0, v14;
	v28 =	vmul.f32 $1.442695020e+00, v14;
	v26 =	vld [tilespmem:s1+$0x30];
	v27, _, _ =	vpop (xrf2);
	[tilespmem:s22+$0xFFFFFFF0] =	vst v13  }
0x128: {  	v13 =	vperm.xlane v27, v3;
	v27 =	vld [tilespmem:s11+$0x30];
	v4 =	vadd.f32 v25, v4;
	[tilespmem:s22+$0x20] =	vst v18;
	s22 =	smov.u32 s18;
	s18 =	smov.u32 s29  }
0x129: {  	v18 =	vld [tilespmem:s26+$0xFFFFFFE0];
	v15 =	vmul.f32 v15, v19;
	(erf) = vpow2.f32 v28;
	v14 =	vpop (erf)  }
0x12a: {  	v19 =	vnsel vm0, $0x0, v13;
	v25 =	vmul.f32 $1.442695020e+00, v13;
	v28 =	vld [tilespmem:s28+$0x30];
	v31 =	vmul.f32 v14, v4;
	v14, _, _ =	vpop (xrf2)  }
0x12b: {  	v13 =	vld [tilespmem:s31+$0x0];
	(xrf2) =	vadd.scan.msk.f32 $0xffff, v15;
	v15 =	vperm.xlane v14, v3;
	v29 =	vpop (erf)  }
0x12c: {  	v30 =	vld [tilespmem:s26+$0x0];
	[tilespmem:s22+$0x40] =	vst v31;
	v4 =	vmov v26  }
0x12d: {  	v14 =	vld [tilespmem:s31+$0xFFFFFFC0];
	v26 =	vadd.f32 v27, v4;
	(erf) = vpow2.f32 v25;
	v25 =	vmul.f32 $1.442695020e+00, v15;
	[tilespmem:s22+$0x50] =	vst v29;
	v27, _, _ =	vpop (xrf2)  }
0x12e: {  	v15 =	vsel vm1, v10, v15;
	v29 =	vld [tilespmem:s17+$0xFFFFFFC0];
	v18 =	vadd.f32 v18, v5;
	v31 =	vpop (erf);
	v27 =	vperm.xlane v27, v3  }
0x12f: {  	v10 =	vmov v23;
	v32 =	vld [tilespmem:s17+$0xFFFFFFE0];
	v22 =	vmul.f32 v31, v22;
	v26 =	vmul.f32 v26, v28  }
0x130: {  	v23 =	vld [tilespmem:s17+$0x0];
	v28 =	vsel vm1, v12, v27;
	v27 =	vmul.f32 $1.442695020e+00, v27;
	(erf) = vpow2.f32 v25;
	v12, _, _ =	vpop (xrf2)  }
0x131: {  	v25 =	vadd.f32 v30, v13;
	[tilespmem:s29+$0xFFFFFFA0] =	vst v22;
	(xrf2) =	vadd.scan.msk.f32 $0xffff, v26;
	v22 =	vperm.xlane v12, v3;
	v26 =	vld [tilespmem:s2+$0x10];
	v12 =	vmovc v24;
	s2 =	smov.u32 s24  }
0x132: {  	v31 =	vmul.f32 $1.442695020e+00, v15;
	v28 =	vmul.f32 $1.442695020e+00, v28;
	v17 =	vadd.f32 v17, v14;
	v24 =	vld [tilespmem:s1+$0xFFFFFFD0];
	v30 =	vpop (erf)  }
0x133: {  	v33 =	vld [tilespmem:s11+$0xFFFFFFD0];
	v30 =	vmul.f32 v30, v20;
	v20 =	vsel vm1, v11, v22;
	v22 =	vmul.f32 $1.442695020e+00, v22;
	v11 =	vmovc v19  }
0x134: {  	v17 =	vmul.f32 v17, v29;
	v18 =	vmul.f32 v18, v32;
	v19 =	vld [tilespmem:s28+$0xFFFFFFD0]  }
0x135: {  	v25 =	vmul.f32 v25, v23;
	v23, _, _ =	vpop (xrf2);
	v29 =	vld [tilespmem:s24+$0xFFFFFFD0];
	[tilespmem:s29+$0xFFFFFFD0] =	vst v30;
	(erf) = vpow2.f32 v27  }
0x136: {  	v23 =	vperm.xlane v23, v3;
	(xrf2) =	vadd.scan.msk.f32 $0xffff, v17;
	v17 =	vld [tilespmem:s1+$0xFFFFFFF0];
	v15 =	vpop (erf);
	v27 =	vadd.f32 v26, v9;
	(erf) = vpow2.f32 v22  }
0x137: {  	v20 =	vmul.f32 $1.442695020e+00, v20;
	v22 =	vld [tilespmem:s11+$0xFFFFFFF0];
	v9 =	vmul.f32 v15, v21  }
0x138: {  	v15 =	vnsel vm0, $0x0, v23;
	v34 =	vmul.f32 $1.442695020e+00, v23;
	v23 =	vadd.f32 v33, v24;
	v26 =	vld [tilespmem:s28+$0xFFFFFFF0]  }
0x139: {  	v30 =	vld [tilespmem:s24+$0xFFFFFFF0];
	[tilespmem:s29+$0x0] =	vst v9;
	v32 =	vpop (erf);
	(erf) = vpow2.f32 v31  }
0x13a: {  	(xrf2) =	vadd.scan.msk.f32 $0xffff, v18;
	(erf) = vpow2.f32 v34;
	v31 =	vmul.f32 v23, v19;
	v19 =	vadd.f32 v29, v24;
	v9 =	vld [tilespmem:s1+$0x10];
	s1 =	smov.u32 s31  }
0x13b: {  	v29 =	vmul.f32 v32, v7;
	v24 =	vld [tilespmem:s11+$0x10];
	v21, _, _ =	vpop (xrf2);
	s11 =	smov.u32 s26  }
.Ltmp5:
0x13c: {  	s24 =	sadd.s32 $0x80, s24;
	v32 =	vadd.f32 v22, v17;
	v18 =	vld [tilespmem:s28+$0x10];
	v33 =	vperm.xlane v21, v3;
	(erf) = vpow2.f32 v28;
	v7 =	vmovc v19;
	s28 =	smov.u32 s17;
	(pc) =	sbr.rel @p2 .LBB2_8-.Ltmp5, $4  }
0x13d: {  	v23 =	vld [tilespmem:s24+$0x20];
	(xrf2) =	vadd.scan.msk.f32 $0xffff, v25;
	[tilespmem:s22+$0xFFFFFFB0] =	vst v29;
	(erf) = vpow2.f32 v20  }
0x13e: {  	v22 =	vld [tilespmem:s24+$0xFFFFFFC0];
	v19 =	vmul.f32 v32, v26;
	v16 =	vsel vm1, v16, v33;
	v28 =	vmul.f32 $1.442695020e+00, v33;
	v21 =	vpop (erf)  }
0x13f: {  	v20 =	vld [tilespmem:s24+$0xFFFFFFE0];
	v25 =	vmul.f32 $1.442695020e+00, v16;
	v16 =	vmul.f32 v21, v6;
	v6 =	vadd.f32 v30, v17;
	v17 =	vpop (erf)  }
0x140: {  	s31 =	sadd.s32 $0x80, s31;
	v21 =	vld [tilespmem:s24+$0x0];
	v26, _, _ =	vpop (xrf2);
	v24 =	vadd.f32 v24, v9;
	(xrf2) =	vadd.scan.msk.f32 $0xffff, v31;
	(erf) = vpow2.f32 v28;
	v17 =	vmul.f32 v17, v27  }
0x141: {  	_ = 	snop  }
0x142: {  	v26 =	vperm.xlane v26, v3;
	_ =	sdelay $0x1  }
0x143: {  	v27 =	vmul.f32 $1.442695020e+00, v26;
	v28, _, _ =	vpop (xrf2)  }
0x144: {  	(erf) = vpow2.f32 v25;
	v25 =	vperm.xlane v28, v3  }
0x145: {  	(erf) = vpow2.f32 v27  }
0x146: {  	v44, _, _ =	vpop (xrf2);
	v28 =	vmul.f32 $1.442695020e+00, v25  }
0x147: {  	v27 =	vperm.xlane v44, v3  }
0x148: {  	v29 =	vpop (erf);
	(erf) = vpow2.f32 v28  }
0x149: {  	v30 =	vpop (erf);
	v45 =	vmul.f32 $1.442695020e+00, v27  }
0x14a: {  	v8 =	vadd.f32 v23, v8;
	v46 =	vpop (erf)  }
0x14b: {  	v47 =	vpop (erf);
	(erf) = vpow2.f32 v45  }
0x14c: {  	v8 =	vmul.f32 v30, v8;
	v48 =	vpop (erf)  }
0x14d: {  	s17 =	sadd.s32 $0xC0, s29;
	v14 =	vadd.f32 v22, v14;
	v22 =	vpop (erf)  }
0x14e: {  	[tilespmem:s17+$0x30] =	vst v8;
	v49 =	vpop (erf)  }
0x14f: {  	v31 =	vld [tilespmem:s1+$0x30];
	v8 =	vmul.f32 v49, v14  }
0x150: {  	v5 =	vadd.f32 v20, v5;
	v50 =	vld [tilespmem:s11+$0x30]  }
0x151: {  	v51 =	vld [tilespmem:s28+$0x30];
	[tilespmem:s17+$0xFFFFFFA0] =	vst v8;
	v52 =	vpop (erf)  }
0x152: {  	v13 =	vadd.f32 v21, v13;
	v21 =	vld [tilespmem:s1+$0xFFFFFFD0];
	v5 =	vmul.f32 v52, v5  }
0x153: {  	v53 =	vld [tilespmem:s11+$0xFFFFFFD0]  }
0x154: {  	v32 =	vpop (erf);
	[tilespmem:s17+$0xFFFFFFD0] =	vst v5;
	v5 =	vld [tilespmem:s28+$0xFFFFFFD0]  }
0x155: {  	v18 =	vmul.f32 v24, v18;
	(xrf2) =	vadd.scan.msk.f32 $0xffff, v19;
	v13 =	vmul.f32 v32, v13;
	v19 =	vld [tilespmem:s1+$0xFFFFFFF0]  }
0x156: {  	v54 =	vld [tilespmem:s11+$0xFFFFFFF0]  }
0x157: {  	(xrf2) =	vadd.scan.msk.f32 $0xffff, v18;
	v14 =	vadd.f32 v50, v31;
	v56 =	vld [tilespmem:s28+$0xFFFFFFF0];
	[tilespmem:s17+$0x0] =	vst v13  }
0x158: {  	v13 =	vld [tilespmem:s1+$0x10]  }
0x159: {  	v14 =	vmul.f32 v14, v51;
	v55 =	vld [tilespmem:s11+$0x10]  }
0x15a: {  	v8 =	vadd.f32 v53, v21  }
0x15b: {  	(xrf2) =	vadd.scan.msk.f32 $0xffff, v14;
	v57 =	vld [tilespmem:s28+$0x10];
	v58 =	vadd.f32 v54, v19  }
0x15c: {  	v5 =	vmul.f32 v8, v5  }
0x15d: {  	v14 =	vmul.f32 v58, v56  }
0x15e: {  	v60, _, _ =	vpop (xrf2);
	(xrf2) =	vadd.scan.msk.f32 $0xffff, v5;
	v59 =	vadd.f32 v55, v13  }
0x15f: {  	v18 =	vperm.xlane v60, v3;
	v61, _, _ =	vpop (xrf2);
	(xrf2) =	vadd.scan.msk.f32 $0xffff, v14  }
0x160: {  	v62 =	vperm.xlane v61, v3;
	v5 =	vmul.f32 v59, v57  }
0x161: {  	v33, _, _ =	vpop (xrf2);
	v32 =	vmul.f32 $1.442695020e+00, v18  }
0x162: {  	v24 =	vperm.xlane v33, v3;
	(xrf2) =	vadd.scan.msk.f32 $0xffff, v5;
	v5 =	vmul.f32 $1.442695020e+00, v62  }
0x163: {  	v10 =	vsel vm1, v10, v18;
	(erf) = vpow2.f32 v32  }
0x164: {  	v8 =	vsel vm1, v12, v62;
	(erf) = vpow2.f32 v5;
	v5 =	vmul.f32 $1.442695020e+00, v24  }
0x165: {  	v10 =	vmul.f32 $1.442695020e+00, v10;
	v8 =	vmul.f32 $1.442695020e+00, v8;
	v34, _, _ =	vpop (xrf2)  }
0x166: {  	v63 =	vld [tilespmem:s2+$0x30];
	v11 =	vsel vm1, v11, v24;
	v35 =	vperm.xlane v34, v3;
	(erf) = vpow2.f32 v5  }
0x167: {  	v5 =	vmul.f32 $1.442695020e+00, v11;
	(erf) = vpow2.f32 v10  }
0x168: {  	v37, _, _ =	vpop (xrf2);
	(erf) = vpow2.f32 v8  }
0x169: {  	v36 =	vmul.f32 $1.442695020e+00, v35;
	(erf) = vpow2.f32 v5;
	v5 =	vsel vm1, v15, v35;
	v39, _, _ =	vpop (xrf2)  }
0x16a: {  	v5 =	vmul.f32 $1.442695020e+00, v5;
	v40 =	vperm.xlane v39, v3  }
0x16b: {  	v38 =	vld [tilespmem:s2+$0x10];
	v4 =	vadd.f32 v63, v4;
	v10 =	vperm.xlane v37, v3;
	(erf) = vpow2.f32 v36  }
0x16c: {  	(erf) = vpow2.f32 v5;
	v5 =	vmul.f32 $1.442695020e+00, v40  }
0x16d: {  	v4 =	vmul.f32 v48, v4;
	v42 =	vmul.f32 $1.442695020e+00, v10;
	v41, _, _ =	vpop (xrf2)  }
0x16e: {  	[tilespmem:s22+$0x20] =	vst v47;
	v47 =	vpop (erf);
	v12 =	vperm.xlane v41, v3  }
0x16f: {  	[tilespmem:s18+$0x40] =	vst v4;
	v4 =	vmul.f32 v47, v7;
	(erf) = vpow2.f32 v42  }
0x170: {  	v9 =	vadd.f32 v38, v9;
	(erf) = vpow2.f32 v5;
	v45 =	vmul.f32 $1.442695020e+00, v12;
	v5 =	vpop (erf)  }
0x171: {  	[tilespmem:s22+$0xFFFFFFE0] =	vst v16;
	v48 =	vld [tilespmem:s24+$0x30];
	v50 =	vpop (erf);
	v5 =	vmul.f32 v5, v6  }
0x172: {  	[tilespmem:s18+$0xFFFFFFB0] =	vst v4;
	(erf) = vpow2.f32 v45;
	v4 =	vmul.f32 v50, v9  }
0x173: {  	[tilespmem:s22+$0x10] =	vst v17;
	v43 =	vnsel vm0, $0x0, v26;
	v51 =	vld [tilespmem:s24+$0xFFFFFFD0]  }
0x174: {  	[tilespmem:s22+$0xFFFFFFF0] =	vst v46;
	v44 =	vnsel vm0, $0x0, v25;
	v49 =	vsel vm1, v43, v10;
	v53 =	vpop (erf)  }
0x175: {  	v46 =	vnsel vm0, $0x0, v27;
	v56 =	vld [tilespmem:s24+$0x10];
	v7 =	vmul.f32 $1.442695020e+00, v49;
	v52 =	vsel vm1, v44, v40;
	[tilespmem:s18+$0xFFFFFFE0] =	vst v5;
	v5 =	vpop (erf)  }
0x176: {  	v54 =	vld [tilespmem:s24+$0xFFFFFFF0];
	v57 =	vadd.f32 v48, v31;
	v55 =	vsel vm1, v46, v12;
	v6 =	vmul.f32 $1.442695020e+00, v52;
	[tilespmem:s18+$0x10] =	vst v4;
	v4 =	vpop (erf)  }
0x177: {  	[tilespmem:s22+$0xFFFFFFC0] =	vst v29;
	v9 =	vmul.f32 $1.442695020e+00, v55;
	(erf) = vpow2.f32 v7;
	v58 =	vpop (erf)  }
0x178: {  	v60 =	vadd.f32 v51, v21;
	(erf) = vpow2.f32 v6;
	[tilespmem:s18+$0xFFFFFFF0] =	vst v5;
	v59 =	vpop (erf);
	v5 =	vmul.f32 v58, v57  }
0x179: {  	(erf) = vpow2.f32 v9;
	[tilespmem:s18+$0x20] =	vst v4;
	v4 =	vpop (erf)  }
0x17a: {  	[tilespmem:s17+$0x40] =	vst v5;
	v5 =	vadd.f32 v56, v13;
	v4 =	vmul.f32 v4, v60;
	v62 =	vpop (erf)  }
0x17b: {  	[tilespmem:s18+$0x50] =	vst v22;
	v61 =	vadd.f32 v54, v19;
	v63 =	vpop (erf)  }
0x17c: {  	[tilespmem:s17+$0xFFFFFFB0] =	vst v4;
	v4 =	vmul.f32 v63, v5  }
0x17d: {  	[tilespmem:s18+$0xFFFFFFC0] =	vst v53;
	v6 =	vmul.f32 v62, v61  }
0x17e: {  	[tilespmem:s17+$0x50] =	vst v59  }
0x17f: {  	[tilespmem:s17+$0xFFFFFFE0] =	vst v6  }
0x180: {  	[tilespmem:s17+$0x10] =	vst v4;
	v4 =	vpop (erf)  }
0x181: {  	[tilespmem:s17+$0xFFFFFFC0] =	vst v4;
	v4 =	vpop (erf)  }
0x182: {  	v5 =	vpop (erf);
	[tilespmem:s17+$0xFFFFFFF0] =	vst v4  }
0x183: {  	s29 =	rddreg [dreg:$0x2];
	s30 =	simm.s32 $0x8300;
	[tilespmem:s17+$0x20] =	vst v5  }
0x184: {  	[spmem:s29] =	stream.indirect.scatter.add.f32 [tilespmem:s30], [sflag:$0xA], $0x30, s3, s16, $0xb8;
	[tilespmem:$0x1D900] =	vst v63  }
0x185: {  	_ =	swait.ge [sflag:s25], $0x1800  }
0x186: {  	[sflag:s25] =	ssyncset.done $0x0  }
0x187: {  	s31 =	smov.u32 s23;
	s23 =	simm.s32 $0x4180;
	[sflag:s25] =	ssyncadd.s32 $0xFFFFE800  }
.LBB2_10:
0x188: {  	s1 =	sadd.s32 s13, s21  }
0x189: {  	p2 =	sgt.u32 s1, $0x1869  }
.Ltmp6:
0x18a: {  	_ = 	snop;
	(pc) =	sbr.rel @p2 .LBB2_12-.Ltmp6, $1  }
0x18b: {  	_ =	sdelay $0x3  }
0x18c: {  	s2 =	sshll.u32 s1, $0x4  }
0x18d: {  	s11 =	sadd.s32 s9, s2  }
0x18e: {  	[tilespmem:s3], [sflag:$0xA] =	stream.linear.gather [hbm4b:s11+s3], $0x80, $0x38;
	[tilespmem:$0x1D900] =	vst v63  }
0x18f: {  	_ =	swait.ge [sflag:s25], $0x80  }
0x190: {  	[sflag:s25] =	ssyncset.done $0x0  }
0x191: {  	s2 =	sadd.s32 s8, s2;
	[sflag:s25] =	ssyncadd.s32 $0xFFFFFF80  }
0x192: {  	[tilespmem:s14], [sflag:$0xA] =	stream.linear.gather [hbm4b:s2+s3], $0x80, $0x38;
	[tilespmem:$0x1D900] =	vst v63  }
0x193: {  	_ =	swait.ge [sflag:s25], $0x80  }
0x194: {  	[sflag:s25] =	ssyncset.done $0x0  }
0x195: {  	[sflag:s25] =	ssyncadd.s32 $0xFFFFFF80  }
0x196: {  	v4 =	vld [tilespmem:$0x0]  }
0x197: {  	v5 =	vld [tilespmem:$0x100]  }
0x198: {  	v6 =	vld [tilespmem:$0x10]  }
0x199: {  	v7 =	vld [tilespmem:$0x110]  }
0x19a: {  	v8 =	vld [tilespmem:$0x20]  }
0x19b: {  	v9 =	vld [tilespmem:$0x120];
	v4 =	vadd.s32 v0, v4  }
0x19c: {  	[tilespmem:$0x80] =	vst v4;
	v4 =	vadd.s32 v1, v5;
	v5 =	vld [tilespmem:$0x30]  }
0x19d: {  	v56 =	vld [tilespmem:$0x130];
	[tilespmem:$0x100] =	vst v4;
	v4 =	vadd.s32 v0, v6  }
0x19e: {  	v57 =	vld [tilespmem:$0x40];
	[tilespmem:$0x90] =	vst v4;
	v4 =	vadd.s32 v1, v7  }
0x19f: {  	v58 =	vld [tilespmem:$0x140];
	[tilespmem:$0x110] =	vst v4;
	v4 =	vadd.s32 v0, v8  }
0x1a0: {  	v59 =	vld [tilespmem:$0x50];
	[tilespmem:$0xA0] =	vst v4;
	v4 =	vadd.s32 v1, v9  }
0x1a1: {  	[tilespmem:$0x120] =	vst v4;
	v4 =	vadd.s32 v0, v5;
	v5 =	vld [tilespmem:$0x150]  }
0x1a2: {  	v60 =	vld [tilespmem:$0x60];
	[tilespmem:$0xB0] =	vst v4;
	v4 =	vadd.s32 v1, v56  }
0x1a3: {  	v61 =	vld [tilespmem:$0x160];
	[tilespmem:$0x130] =	vst v4;
	v4 =	vadd.s32 v0, v57  }
0x1a4: {  	v62 =	vld [tilespmem:$0x70];
	[tilespmem:$0xC0] =	vst v4;
	v4 =	vadd.s32 v1, v58  }
0x1a5: {  	v63 =	vld [tilespmem:$0x170];
	[tilespmem:$0x140] =	vst v4;
	v4 =	vadd.s32 v0, v59  }
0x1a6: {  	[tilespmem:$0xD0] =	vst v4;
	v4 =	vadd.s32 v1, v5  }
0x1a7: {  	[tilespmem:$0x150] =	vst v4;
	v4 =	vadd.s32 v0, v60  }
0x1a8: {  	[tilespmem:$0xE0] =	vst v4;
	v4 =	vadd.s32 v1, v61  }
0x1a9: {  	[tilespmem:$0x160] =	vst v4;
	v4 =	vadd.s32 v0, v62  }
0x1aa: {  	[tilespmem:$0xF0] =	vst v4;
	v4 =	vadd.s32 v1, v63  }
0x1ab: {  	s24 =	simm.s32 $0x180;
	s29 =	sshll.u32 s1, $0xC;
	[tilespmem:$0x170] =	vst v4  }
0x1ac: {  	[tilespmem:s24], [sflag:$0x1] =	stream.indirect.gather [hbm4b:s31+s16], $0x20, s16, s16, $0xb8;
	[tilespmem:$0x1D900] =	vst v63  }
0x1ad: {  	s26 =	simm.s32 $0x1180;
	s1 =	sadd.s32 s10, s29  }
0x1ae: {  	[tilespmem:s26], [sflag:$0x2] =	stream.indirect.gather [hbm4b:s5+s16], $0x20, s14, s16, $0xb8;
	[tilespmem:$0x1D900] =	vst v63  }
0x1af: {  	s28 =	simm.s32 $0x2180;
	s1 =	sshrl.u32 s1, $0x3  }
0x1b0: {  	[tilespmem:s28], [sflag:$0x3] =	stream.indirect.gather [hbm4b:s6+s16], $0x20, s14, s16, $0xb8;
	[tilespmem:$0x1D900] =	vst v63  }
0x1b1: {  	s30 =	simm.s32 $0x3180;
	s1 =	sadd.s32 s7, s1  }
0x1b2: {  	[tilespmem:s30], [sflag:$0x4] =	stream.linear.gather [hbm4b:s1+s3], $0x1000, $0x38;
	[tilespmem:$0x1D900] =	vst v63  }
.LBB2_12:
.Ltmp7:
0x1b3: {  	(pc) =	sbr.rel @p1 .LBB2_16-.Ltmp7, $1  }
0x1b4: {  	_ =	sdelay $0x3  }
0x1b5: {  	s1 =	simm.s32 $0x5  }
0x1b6: {  	_ =	swait.ge [sflag:s1], $0x1000  }
0x1b7: {  	[sflag:s1] =	ssyncset.done $0x0  }
0x1b8: {  	s22 =	simm.s32 $0x6;
	[sflag:s1] =	ssyncadd.s32 $0xFFFFF000  }
0x1b9: {  	_ =	swait.ge [sflag:s22], $0x1000  }
0x1ba: {  	[sflag:s22] =	ssyncset.done $0x0  }
0x1bb: {  	s24 =	simm.s32 $0x7;
	[sflag:s22] =	ssyncadd.s32 $0xFFFFF000  }
0x1bc: {  	_ =	swait.ge [sflag:s24], $0x1000  }
0x1bd: {  	[sflag:s24] =	ssyncset.done $0x0  }
0x1be: {  	[sflag:s24] =	ssyncadd.s32 $0xFFFFF000  }
0x1bf: {  	_ =	swait.ge [sflag:s19], $0x1000  }
0x1c0: {  	[sflag:s19] =	ssyncset.done $0x0  }
0x1c1: {  	s2 =	simm.s32 $0x7340;
	[sflag:s19] =	ssyncadd.s32 $0xFFFFF000  }
0x1c2: {  	s26 =	simm.s32 $0x5340;
	v4 =	vld [tilespmem:s2+$0x20]  }
0x1c3: {  	v5 =	vld [tilespmem:s26+$0x20]  }
0x1c4: {  	s17 =	simm.s32 $0x4340  }
0x1c5: {  	v6 =	vld [tilespmem:s17+$0x20];
	_ =	sdelay $0x2  }
0x1c6: {  	v5 =	vadd.f32 v5, v4;
	_ =	sdelay $0x1  }
0x1c7: {  	v5 =	vmul.f32 v5, v6  }
0x1c8: {  	v6 =	vld [tilespmem:s2+$0xFFFFFFC0]  }
0x1c9: {  	(xrf2) =	vadd.scan.msk.f32 $0xffff, v5;
	v5 =	vld [tilespmem:s26+$0xFFFFFFC0];
	_ =	sdelay $0x1  }
0x1ca: {  	v7 =	vld [tilespmem:s17+$0xFFFFFFC0]  }
0x1cb: {  	v8 =	vld [tilespmem:s2+$0xFFFFFFE0]  }
0x1cc: {  	v9 =	vld [tilespmem:s26+$0xFFFFFFE0]  }
0x1cd: {  	v10 =	vld [tilespmem:s2+$0x0];
	v5 =	vadd.f32 v5, v6  }
0x1ce: {  	v11 =	vld [tilespmem:s17+$0xFFFFFFE0]  }
0x1cf: {  	v12 =	vld [tilespmem:s26+$0x0];
	v5 =	vmul.f32 v5, v7;
	_ =	sdelay $0x1  }
0x1d0: {  	v13 =	vld [tilespmem:s17+$0x0];
	(xrf2) =	vadd.scan.msk.f32 $0xffff, v5  }
0x1d1: {  	v9 =	vadd.f32 v9, v8;
	v7, _, _ =	vpop (xrf2)  }
0x1d2: {  	v7 =	vperm.xlane v7, v3  }
0x1d3: {  	v5 =	vmul.f32 v9, v11;
	v11 =	vadd.f32 v12, v10  }
0x1d4: {  	v9 =	vmul.f32 $1.442695020e+00, v7  }
0x1d5: {  	(xrf2) =	vadd.scan.msk.f32 $0xffff, v5;
	v5 =	vmul.f32 v11, v13  }
0x1d6: {  	(erf) = vpow2.f32 v9  }
0x1d7: {  	(xrf2) =	vadd.scan.msk.f32 $0xffff, v5  }
0x1d8: {  	s28 =	simm.s32 $0x6340  }
0x1d9: {  	v9 =	vld [tilespmem:s28+$0x20]  }
0x1da: {  	v11, _, _ =	vpop (xrf2)  }
0x1db: {  	s22 =	simm.s32 $0x73C0;
	v11 =	vperm.xlane v11, v3  }
0x1dc: {  	s11 =	simm.s32 $0x53C0;
	v12 =	vld [tilespmem:s22+$0x20]  }
0x1dd: {  	v13 =	vld [tilespmem:s11+$0x20];
	v14 =	vmul.f32 $1.442695020e+00, v11  }
0x1de: {  	s18 =	simm.s32 $0x43C0;
	v4 =	vadd.f32 v9, v4  }
0x1df: {  	v16 =	vld [tilespmem:s18+$0x20];
	v15 =	vpop (erf);
	(erf) = vpow2.f32 v14  }
0x1e0: {  	v5 =	vld [tilespmem:s28+$0xFFFFFFC0];
	v4 =	vmul.f32 v15, v4;
	v15, _, _ =	vpop (xrf2)  }
0x1e1: {  	s21 =	simm.s32 $0x8360;
	v9 =	vld [tilespmem:s28+$0xFFFFFFE0];
	v15 =	vperm.xlane v15, v3;
	v19, _, _ =	vpop (xrf2)  }
0x1e2: {  	v14 =	vld [tilespmem:s11+$0xFFFFFFC0];
	[tilespmem:s21+$0x30] =	vst v4;
	v4 =	vadd.f32 v13, v12;
	v19 =	vperm.xlane v19, v3  }
0x1e3: {  	v13 =	vmul.f32 $1.442695020e+00, v15;
	v20 =	vld [tilespmem:s2+$0x30]  }
0x1e4: {  	v21 =	vld [tilespmem:s26+$0x30];
	v4 =	vmul.f32 v4, v16;
	v16 =	vmul.f32 $1.442695020e+00, v19  }
0x1e5: {  	v22 =	vld [tilespmem:s17+$0x30];
	(erf) = vpow2.f32 v13  }
0x1e6: {  	(xrf2) =	vadd.scan.msk.f32 $0xffff, v4;
	v4 =	vadd.f32 v5, v6;
	v6 =	vld [tilespmem:s22+$0xFFFFFFC0];
	_ =	sdelay $0x1  }
0x1e7: {  	v24 =	vld [tilespmem:s18+$0xFFFFFFC0];
	(erf) = vpow2.f32 v16;
	v16 =	vpop (erf)  }
0x1e8: {  	v17 =	vld [tilespmem:s28+$0x0];
	v21 =	vadd.f32 v21, v20;
	v4 =	vmul.f32 v16, v4  }
0x1e9: {  	v18 =	vld [tilespmem:s22+$0xFFFFFFE0]  }
0x1ea: {  	v23 =	vld [tilespmem:s22+$0x0];
	v8 =	vadd.f32 v9, v8;
	v9 =	vmul.f32 v21, v22;
	[tilespmem:s21+$0xFFFFFFA0] =	vst v4;
	v4 =	vadd.f32 v14, v6  }
0x1eb: {  	v13 =	vld [tilespmem:s11+$0xFFFFFFE0]  }
0x1ec: {  	v5 =	vld [tilespmem:s11+$0x0];
	(xrf2) =	vadd.scan.msk.f32 $0xffff, v9;
	v4 =	vmul.f32 v4, v24  }
0x1ed: {  	v16 =	vld [tilespmem:s18+$0xFFFFFFE0];
	v22 =	vpop (erf)  }
0x1ee: {  	v21 =	vld [tilespmem:s18+$0x0];
	v8 =	vmul.f32 v22, v8  }
0x1ef: {  	v10 =	vadd.f32 v17, v10;
	v14 =	vld [tilespmem:s2+$0xFFFFFFD0];
	v17, _, _ =	vpop (xrf2)  }
0x1f0: {  	v9 =	vld [tilespmem:s26+$0xFFFFFFD0];
	(xrf2) =	vadd.scan.msk.f32 $0xffff, v4;
	[tilespmem:s21+$0xFFFFFFD0] =	vst v8;
	v8 =	vadd.f32 v13, v18;
	v17 =	vperm.xlane v17, v3;
	v4 =	vpop (erf)  }
0x1f1: {  	v25 =	vld [tilespmem:s2+$0xFFFFFFF0];
	v4 =	vmul.f32 v4, v10  }
0x1f2: {  	v13 =	vld [tilespmem:s26+$0xFFFFFFF0];
	v8 =	vmul.f32 v8, v16;
	v10 =	vmul.f32 $1.442695020e+00, v17  }
0x1f3: {  	v5 =	vadd.f32 v5, v23  }
0x1f4: {  	v16 =	vld [tilespmem:s17+$0xFFFFFFF0];
	(xrf2) =	vadd.scan.msk.f32 $0xffff, v8;
	(erf) = vpow2.f32 v10  }
0x1f5: {  	v22 =	vld [tilespmem:s17+$0xFFFFFFD0];
	[tilespmem:s21+$0x0] =	vst v4;
	v4 =	vmul.f32 v5, v21  }
0x1f6: {  	v27 =	vld [tilespmem:s2+$0x10];
	s2 =	simm.s32 $0x63C0;
	v8 =	vadd.f32 v9, v14;
	v9, _, _ =	vpop (xrf2)  }
0x1f7: {  	v21 =	vld [tilespmem:s2+$0x20];
	(xrf2) =	vadd.scan.msk.f32 $0xffff, v4;
	v4 =	vadd.f32 v13, v25;
	v9 =	vperm.xlane v9, v3  }
0x1f8: {  	v5 =	vld [tilespmem:s26+$0x10]  }
0x1f9: {  	v4 =	vmul.f32 v4, v16;
	v16 =	vmul.f32 $1.442695020e+00, v9  }
0x1fa: {  	v10 =	vld [tilespmem:s17+$0x10]  }
0x1fb: {  	v7 =	vnsel vm0, $0x0, v7;
	v24 =	vld [tilespmem:s28+$0xFFFFFFD0]  }
0x1fc: {  	s1 =	simm.s32 $0x7440;
	v26 =	vld [tilespmem:s28+$0xFFFFFFF0];
	v13 =	vmul.f32 v8, v22;
	v30, _, _ =	vpop (xrf2);
	v7 =	vsel vm1, v7, v9;
	v12 =	vadd.f32 v21, v12  }
0x1fd: {  	s26 =	simm.s32 $0x5440;
	v8 =	vld [tilespmem:s1+$0x20];
	v5 =	vadd.f32 v5, v27;
	v9 =	vperm.xlane v30, v3;
	(erf) = vpow2.f32 v16;
	v16 =	vpop (erf)  }
0x1fe: {  	(xrf2) =	vadd.scan.msk.f32 $0xffff, v13;
	v13 =	vld [tilespmem:s26+$0x20];
	v7 =	vmul.f32 $1.442695020e+00, v7;
	v12 =	vmul.f32 v16, v12;
	v16, _, _ =	vpop (xrf2)  }
0x1ff: {  	s17 =	simm.s32 $0x4440;
	v28 =	vld [tilespmem:s2+$0xFFFFFFC0];
	v10 =	vmul.f32 v5, v10;
	v16 =	vperm.xlane v16, v3  }
0x200: {  	s24 =	simm.s32 $0x8420;
	v5 =	vmul.f32 $1.442695020e+00, v9;
	(erf) = vpow2.f32 v7;
	v7 =	vld [tilespmem:s17+$0x20]  }
0x201: {  	v29 =	vld [tilespmem:s2+$0x0];
	[tilespmem:s24+$0x30] =	vst v12;
	v12 =	vmul.f32 $1.442695020e+00, v16  }
0x202: {  	v50 =	vld [tilespmem:s26+$0xFFFFFFC0];
	(xrf2) =	vadd.scan.msk.f32 $0xffff, v4;
	(erf) = vpow2.f32 v5  }
0x203: {  	v22 =	vld [tilespmem:s2+$0xFFFFFFE0];
	(xrf2) =	vadd.scan.msk.f32 $0xffff, v10;
	v10 =	vadd.f32 v13, v8;
	(erf) = vpow2.f32 v12  }
0x204: {  	v4 =	vld [tilespmem:s22+$0x30]  }
0x205: {  	v7 =	vmul.f32 v10, v7;
	v32 =	vld [tilespmem:s11+$0x30]  }
0x206: {  	v21 =	vld [tilespmem:s28+$0x30];
	v13, _, _ =	vpop (xrf2)  }
0x207: {  	v31 =	vperm.xlane v13, v3;
	v10 =	vld [tilespmem:s18+$0x30];
	(xrf2) =	vadd.scan.msk.f32 $0xffff, v7  }
0x208: {  	v33 =	vld [tilespmem:s26+$0xFFFFFFE0];
	v7 =	vnsel vm0, $0x0, v19;
	v19 =	vadd.f32 v24, v14;
	v24 =	vadd.f32 v26, v25;
	v25, _, _ =	vpop (xrf2)  }
0x209: {  	v52 =	vld [tilespmem:s17+$0xFFFFFFE0];
	v6 =	vadd.f32 v28, v6;
	v34 =	vmul.f32 $1.442695020e+00, v31;
	v12 =	vnsel vm0, $0x0, v15;
	v15 =	vpop (erf)  }
0x20a: {  	v54 =	vld [tilespmem:s17+$0x0];
	v18 =	vadd.f32 v22, v18;
	v51 =	vpop (erf);
	v32 =	vadd.f32 v32, v4  }
0x20b: {  	v5 =	vld [tilespmem:s1+$0xFFFFFFE0];
	v20 =	vadd.f32 v21, v20;
	v21 =	vperm.xlane v25, v3;
	(erf) = vpow2.f32 v34;
	v25 =	vpop (erf)  }
0x20c: {  	v14 =	vld [tilespmem:s1+$0xFFFFFFC0];
	v10 =	vmul.f32 v32, v10;
	v55 =	vpop (erf)  }
0x20d: {  	v22 =	vld [tilespmem:s17+$0xFFFFFFC0];
	v6 =	vmul.f32 v25, v6;
	v18 =	vmul.f32 v55, v18  }
0x20e: {  	v11 =	vnsel vm0, $0x0, v11;
	v23 =	vadd.f32 v29, v23;
	v13 =	vld [tilespmem:s1+$0x0];
	v25, _, _ =	vpop (xrf2);
	(xrf2) =	vadd.scan.msk.f32 $0xffff, v10  }
0x20f: {  	v15 =	vmul.f32 v15, v20;
	v20 =	vmul.f32 $1.442695020e+00, v21;
	v11 =	vsel vm1, v11, v21;
	[tilespmem:s24+$0xFFFFFFA0] =	vst v6;
	v6 =	vld [tilespmem:s28+$0x10]  }
0x210: {  	v26 =	vld [tilespmem:s26+$0x0];
	v53 =	vadd.f32 v33, v5;
	v58 =	vmul.f32 $1.442695020e+00, v11;
	v21 =	vperm.xlane v25, v3;
	v25, _, _ =	vpop (xrf2)  }
0x211: {  	(erf) = vpow2.f32 v20;
	v20 =	vadd.f32 v50, v14;
	v10 =	vperm.xlane v25, v3;
	v25 =	vld [tilespmem:s22+$0xFFFFFFD0];
	[tilespmem:s24+$0xFFFFFFD0] =	vst v18;
	v18, _, _ =	vpop (xrf2)  }
0x212: {  	v56 =	vsel vm1, v12, v21;
	v12 =	vmul.f32 $1.442695020e+00, v21;
	v21 =	vld [tilespmem:s11+$0xFFFFFFD0];
	v18 =	vperm.xlane v18, v3  }
0x213: {  	v20 =	vmul.f32 v20, v22;
	v22 =	vld [tilespmem:s18+$0xFFFFFFD0];
	v7 =	vsel vm1, v7, v10;
	v10 =	vmul.f32 $1.442695020e+00, v10  }
0x214: {  	v57 =	vld [tilespmem:s2+$0xFFFFFFD0];
	(erf) = vpow2.f32 v12;
	v11 =	vpop (erf);
	v27 =	vadd.f32 v6, v27;
	v6 =	vmul.f32 $1.442695020e+00, v18  }
0x215: {  	(xrf2) =	vadd.scan.msk.f32 $0xffff, v20;
	(erf) = vpow2.f32 v10;
	v10 =	vnsel vm0, $0x0, v9;
	v9 =	vmul.f32 v11, v23;
	v35 =	vld [tilespmem:s22+$0xFFFFFFF0]  }
0x216: {  	v26 =	vadd.f32 v26, v13;
	v20 =	vld [tilespmem:s11+$0xFFFFFFF0]  }
0x217: {  	v29 =	vmul.f32 v53, v52;
	v21 =	vadd.f32 v21, v25;
	(erf) = vpow2.f32 v58;
	v59 =	vld [tilespmem:s18+$0xFFFFFFF0];
	[tilespmem:s24+$0x0] =	vst v9  }
0x218: {  	v17 =	vnsel vm0, $0x0, v17;
	v26 =	vmul.f32 v26, v54;
	v9 =	vld [tilespmem:s22+$0x10];
	(erf) = vpow2.f32 v6;
	v6, _, _ =	vpop (xrf2)  }
0x219: {  	v12 =	vnsel vm0, $0x0, v16;
	v16 =	vmul.f32 $1.442695020e+00, v56;
	v36 =	vld [tilespmem:s11+$0x10];
	(xrf2) =	vadd.scan.msk.f32 $0xffff, v29;
	v6 =	vperm.xlane v6, v3  }
0x21a: {  	v61 =	vmul.f32 $1.442695020e+00, v7;
	v11 =	vnsel vm0, $0x0, v31;
	v60 =	vld [tilespmem:s2+$0xFFFFFFF0];
	v62 =	vmul.f32 v21, v22;
	s22 =	simm.s32 $0x6440  }
0x21b: {  	[tilespmem:s21+$0x40] =	vst v15;
	v23 =	vld [tilespmem:s22+$0x20];
	v21 =	vpop (erf);
	v20 =	vadd.f32 v20, v35;
	(erf) = vpow2.f32 v16;
	v17 =	vsel vm1, v17, v6  }
0x21c: {  	v15 =	vnsel vm0, $0x0, v18;
	v18 =	vld [tilespmem:s18+$0x10];
	v16 =	vmul.f32 v21, v19;
	(erf) = vpow2.f32 v61;
	(xrf2) =	vadd.scan.msk.f32 $0xffff, v26  }
0x21d: {  	[tilespmem:s21+$0x50] =	vst v51;
	v7 =	vadd.f32 v57, v25;
	v22 =	vld [tilespmem:s22+$0xFFFFFFC0];
	v19 =	vmul.f32 v20, v59;
	v21 =	vpop (erf);
	v63 =	vmul.f32 $1.442695020e+00, v6  }
0x21e: {  	s29 =	simm.s32 $0x8;
	s30 =	simm.s32 $0x74C0;
	v20 =	vld [tilespmem:s22+$0xFFFFFFE0];
	[tilespmem:s21+$0xFFFFFFB0] =	vst v16;
	v16 =	vmul.f32 v21, v24;
	v24 =	vadd.f32 v36, v9;
	v25 =	vmul.f32 $1.442695020e+00, v17;
	v17 =	vpop (erf)  }
0x21f: {  	s28 =	simm.s32 $0x4440;
	s11 =	simm.s32 $0x5440;
	s18 =	simm.s32 $0x8420;
	v21 =	vld [tilespmem:s22+$0x0];
	v26, _, _ =	vpop (xrf2);
	(xrf2) =	vadd.scan.msk.f32 $0xffff, v62;
	v6 =	vadd.f32 v60, v35;
	(erf) = vpow2.f32 v63;
	v17 =	vmul.f32 v17, v27  }
.LBB2_14:
0x220: {  	v27 =	vld [tilespmem:s30+$0x20];
	v26 =	vperm.xlane v26, v3;
	s26 =	sadd.s32 $0x80, s26;
	[tilespmem:s21+$0xFFFFFFE0] =	vst v16;
	v16 =	vmov v15  }
0x221: {  	v15 =	vld [tilespmem:s26+$0x20];
	v8 =	vadd.f32 v23, v8;
	v18 =	vmul.f32 v24, v18;
	(erf) = vpow2.f32 v25;
	[tilespmem:s21+$0x10] =	vst v17;
	v17 =	vpop (erf)  }
0x222: {  	s29 =	sadd.s32 $0x4, s29;
	s17 =	sadd.s32 $0x80, s17;
	v23 =	vnsel vm0, $0x0, v26;
	v24 =	vmul.f32 $1.442695020e+00, v26;
	v22 =	vadd.f32 v22, v14;
	v14 =	vpop (erf);
	v25 =	vld [tilespmem:s2+$0x30];
	(xrf2) =	vadd.scan.msk.f32 $0xffff, v19  }
0x223: {  	p1 =	slt.u32 s29, $0x7C;
	v19 =	vld [tilespmem:s17+$0x20];
	v20 =	vadd.f32 v20, v5;
	v26 =	vmul.f32 v14, v8;
	v5, _, _ =	vpop (xrf2);
	[tilespmem:s21+$0xFFFFFFC0] =	vst v17  }
0x224: {  	s24 =	sadd.s32 $0xC0, s24;
	v17 =	vld [tilespmem:s26+$0xFFFFFFC0];
	v14 =	vperm.xlane v5, v3;
	v21 =	vadd.f32 v21, v13;
	(erf) = vpow2.f32 v24;
	v13 =	vpop (erf)  }
0x225: {  	v5 =	vld [tilespmem:s30+$0xFFFFFFE0];
	[tilespmem:s24+$0x30] =	vst v26;
	(xrf2) =	vadd.scan.msk.f32 $0xffff, v18;
	v18 =	vpop (erf);
	v8 =	vmov v27  }
0x226: {  	v15 =	vadd.f32 v15, v8;
	v24 =	vnsel vm0, $0x0, v14;
	v28 =	vmul.f32 $1.442695020e+00, v14;
	v26 =	vld [tilespmem:s1+$0x30];
	v27, _, _ =	vpop (xrf2);
	[tilespmem:s21+$0xFFFFFFF0] =	vst v13  }
0x227: {  	v13 =	vperm.xlane v27, v3;
	v27 =	vld [tilespmem:s11+$0x30];
	v4 =	vadd.f32 v25, v4;
	[tilespmem:s21+$0x20] =	vst v18;
	s21 =	smov.u32 s18;
	s18 =	smov.u32 s24  }
0x228: {  	v18 =	vld [tilespmem:s26+$0xFFFFFFE0];
	v15 =	vmul.f32 v15, v19;
	(erf) = vpow2.f32 v28;
	v14 =	vpop (erf)  }
0x229: {  	v19 =	vnsel vm0, $0x0, v13;
	v25 =	vmul.f32 $1.442695020e+00, v13;
	v28 =	vld [tilespmem:s28+$0x30];
	v31 =	vmul.f32 v14, v4;
	v14, _, _ =	vpop (xrf2)  }
0x22a: {  	v13 =	vld [tilespmem:s30+$0x0];
	(xrf2) =	vadd.scan.msk.f32 $0xffff, v15;
	v15 =	vperm.xlane v14, v3;
	v29 =	vpop (erf)  }
0x22b: {  	v30 =	vld [tilespmem:s26+$0x0];
	[tilespmem:s21+$0x40] =	vst v31;
	v4 =	vmov v26  }
0x22c: {  	v14 =	vld [tilespmem:s30+$0xFFFFFFC0];
	v26 =	vadd.f32 v27, v4;
	(erf) = vpow2.f32 v25;
	v25 =	vmul.f32 $1.442695020e+00, v15;
	[tilespmem:s21+$0x50] =	vst v29;
	v27, _, _ =	vpop (xrf2)  }
0x22d: {  	v15 =	vsel vm1, v10, v15;
	v29 =	vld [tilespmem:s17+$0xFFFFFFC0];
	v18 =	vadd.f32 v18, v5;
	v31 =	vpop (erf);
	v27 =	vperm.xlane v27, v3  }
0x22e: {  	v10 =	vmov v23;
	v32 =	vld [tilespmem:s17+$0xFFFFFFE0];
	v22 =	vmul.f32 v31, v22;
	v26 =	vmul.f32 v26, v28  }
0x22f: {  	v23 =	vld [tilespmem:s17+$0x0];
	v28 =	vsel vm1, v12, v27;
	v27 =	vmul.f32 $1.442695020e+00, v27;
	(erf) = vpow2.f32 v25;
	v12, _, _ =	vpop (xrf2)  }
0x230: {  	v25 =	vadd.f32 v30, v13;
	[tilespmem:s24+$0xFFFFFFA0] =	vst v22;
	(xrf2) =	vadd.scan.msk.f32 $0xffff, v26;
	v22 =	vperm.xlane v12, v3;
	v26 =	vld [tilespmem:s2+$0x10];
	v12 =	vmovc v24;
	s2 =	smov.u32 s22  }
0x231: {  	v31 =	vmul.f32 $1.442695020e+00, v15;
	v28 =	vmul.f32 $1.442695020e+00, v28;
	v17 =	vadd.f32 v17, v14;
	v24 =	vld [tilespmem:s1+$0xFFFFFFD0];
	v30 =	vpop (erf)  }
0x232: {  	v33 =	vld [tilespmem:s11+$0xFFFFFFD0];
	v30 =	vmul.f32 v30, v20;
	v20 =	vsel vm1, v11, v22;
	v22 =	vmul.f32 $1.442695020e+00, v22;
	v11 =	vmovc v19  }
0x233: {  	v17 =	vmul.f32 v17, v29;
	v18 =	vmul.f32 v18, v32;
	v19 =	vld [tilespmem:s28+$0xFFFFFFD0]  }
0x234: {  	v25 =	vmul.f32 v25, v23;
	v23, _, _ =	vpop (xrf2);
	v29 =	vld [tilespmem:s22+$0xFFFFFFD0];
	[tilespmem:s24+$0xFFFFFFD0] =	vst v30;
	(erf) = vpow2.f32 v27  }
0x235: {  	v23 =	vperm.xlane v23, v3;
	(xrf2) =	vadd.scan.msk.f32 $0xffff, v17;
	v17 =	vld [tilespmem:s1+$0xFFFFFFF0];
	v15 =	vpop (erf);
	v27 =	vadd.f32 v26, v9;
	(erf) = vpow2.f32 v22  }
0x236: {  	v20 =	vmul.f32 $1.442695020e+00, v20;
	v22 =	vld [tilespmem:s11+$0xFFFFFFF0];
	v9 =	vmul.f32 v15, v21  }
0x237: {  	v15 =	vnsel vm0, $0x0, v23;
	v34 =	vmul.f32 $1.442695020e+00, v23;
	v23 =	vadd.f32 v33, v24;
	v26 =	vld [tilespmem:s28+$0xFFFFFFF0]  }
0x238: {  	v30 =	vld [tilespmem:s22+$0xFFFFFFF0];
	[tilespmem:s24+$0x0] =	vst v9;
	v32 =	vpop (erf);
	(erf) = vpow2.f32 v31  }
0x239: {  	(xrf2) =	vadd.scan.msk.f32 $0xffff, v18;
	(erf) = vpow2.f32 v34;
	v31 =	vmul.f32 v23, v19;
	v19 =	vadd.f32 v29, v24;
	v9 =	vld [tilespmem:s1+$0x10];
	s1 =	smov.u32 s30  }
0x23a: {  	v29 =	vmul.f32 v32, v7;
	v24 =	vld [tilespmem:s11+$0x10];
	v21, _, _ =	vpop (xrf2);
	s11 =	smov.u32 s26  }
.Ltmp8:
0x23b: {  	s22 =	sadd.s32 $0x80, s22;
	v32 =	vadd.f32 v22, v17;
	v18 =	vld [tilespmem:s28+$0x10];
	v33 =	vperm.xlane v21, v3;
	(erf) = vpow2.f32 v28;
	v7 =	vmovc v19;
	s28 =	smov.u32 s17;
	(pc) =	sbr.rel @p1 .LBB2_14-.Ltmp8, $4  }
0x23c: {  	v23 =	vld [tilespmem:s22+$0x20];
	(xrf2) =	vadd.scan.msk.f32 $0xffff, v25;
	[tilespmem:s21+$0xFFFFFFB0] =	vst v29;
	(erf) = vpow2.f32 v20  }
0x23d: {  	v22 =	vld [tilespmem:s22+$0xFFFFFFC0];
	v19 =	vmul.f32 v32, v26;
	v16 =	vsel vm1, v16, v33;
	v28 =	vmul.f32 $1.442695020e+00, v33;
	v21 =	vpop (erf)  }
0x23e: {  	v20 =	vld [tilespmem:s22+$0xFFFFFFE0];
	v25 =	vmul.f32 $1.442695020e+00, v16;
	v16 =	vmul.f32 v21, v6;
	v6 =	vadd.f32 v30, v17;
	v17 =	vpop (erf)  }
0x23f: {  	s30 =	sadd.s32 $0x80, s30;
	v21 =	vld [tilespmem:s22+$0x0];
	v26, _, _ =	vpop (xrf2);
	v24 =	vadd.f32 v24, v9;
	(xrf2) =	vadd.scan.msk.f32 $0xffff, v31;
	(erf) = vpow2.f32 v28;
	v17 =	vmul.f32 v17, v27  }
0x240: {  	_ = 	snop  }
0x241: {  	v26 =	vperm.xlane v26, v3;
	_ =	sdelay $0x1  }
0x242: {  	v27 =	vmul.f32 $1.442695020e+00, v26;
	v28, _, _ =	vpop (xrf2)  }
0x243: {  	(erf) = vpow2.f32 v25;
	v25 =	vperm.xlane v28, v3  }
0x244: {  	(erf) = vpow2.f32 v27  }
0x245: {  	v44, _, _ =	vpop (xrf2);
	v28 =	vmul.f32 $1.442695020e+00, v25  }
0x246: {  	v27 =	vperm.xlane v44, v3  }
0x247: {  	v29 =	vpop (erf);
	(erf) = vpow2.f32 v28  }
0x248: {  	v30 =	vpop (erf);
	v45 =	vmul.f32 $1.442695020e+00, v27  }
0x249: {  	v8 =	vadd.f32 v23, v8;
	v46 =	vpop (erf)  }
0x24a: {  	v47 =	vpop (erf);
	(erf) = vpow2.f32 v45  }
0x24b: {  	v8 =	vmul.f32 v30, v8;
	v48 =	vpop (erf)  }
0x24c: {  	s17 =	sadd.s32 $0xC0, s24;
	v14 =	vadd.f32 v22, v14;
	v22 =	vpop (erf)  }
0x24d: {  	[tilespmem:s17+$0x30] =	vst v8;
	v49 =	vpop (erf)  }
0x24e: {  	v31 =	vld [tilespmem:s1+$0x30];
	v8 =	vmul.f32 v49, v14  }
0x24f: {  	v5 =	vadd.f32 v20, v5;
	v50 =	vld [tilespmem:s11+$0x30]  }
0x250: {  	v51 =	vld [tilespmem:s28+$0x30];
	[tilespmem:s17+$0xFFFFFFA0] =	vst v8;
	v52 =	vpop (erf)  }
0x251: {  	v13 =	vadd.f32 v21, v13;
	v21 =	vld [tilespmem:s1+$0xFFFFFFD0];
	v5 =	vmul.f32 v52, v5  }
0x252: {  	v53 =	vld [tilespmem:s11+$0xFFFFFFD0]  }
0x253: {  	v32 =	vpop (erf);
	[tilespmem:s17+$0xFFFFFFD0] =	vst v5;
	v5 =	vld [tilespmem:s28+$0xFFFFFFD0]  }
0x254: {  	v18 =	vmul.f32 v24, v18;
	(xrf2) =	vadd.scan.msk.f32 $0xffff, v19;
	v13 =	vmul.f32 v32, v13;
	v19 =	vld [tilespmem:s1+$0xFFFFFFF0]  }
0x255: {  	v54 =	vld [tilespmem:s11+$0xFFFFFFF0]  }
0x256: {  	(xrf2) =	vadd.scan.msk.f32 $0xffff, v18;
	v14 =	vadd.f32 v50, v31;
	v56 =	vld [tilespmem:s28+$0xFFFFFFF0];
	[tilespmem:s17+$0x0] =	vst v13  }
0x257: {  	v13 =	vld [tilespmem:s1+$0x10]  }
0x258: {  	v14 =	vmul.f32 v14, v51;
	v55 =	vld [tilespmem:s11+$0x10]  }
0x259: {  	v8 =	vadd.f32 v53, v21  }
0x25a: {  	(xrf2) =	vadd.scan.msk.f32 $0xffff, v14;
	v57 =	vld [tilespmem:s28+$0x10];
	v58 =	vadd.f32 v54, v19  }
0x25b: {  	v5 =	vmul.f32 v8, v5  }
0x25c: {  	v14 =	vmul.f32 v58, v56  }
0x25d: {  	v60, _, _ =	vpop (xrf2);
	(xrf2) =	vadd.scan.msk.f32 $0xffff, v5;
	v59 =	vadd.f32 v55, v13  }
0x25e: {  	v18 =	vperm.xlane v60, v3;
	v61, _, _ =	vpop (xrf2);
	(xrf2) =	vadd.scan.msk.f32 $0xffff, v14  }
0x25f: {  	v62 =	vperm.xlane v61, v3;
	v5 =	vmul.f32 v59, v57  }
0x260: {  	v33, _, _ =	vpop (xrf2);
	v32 =	vmul.f32 $1.442695020e+00, v18  }
0x261: {  	v24 =	vperm.xlane v33, v3;
	(xrf2) =	vadd.scan.msk.f32 $0xffff, v5;
	v5 =	vmul.f32 $1.442695020e+00, v62  }
0x262: {  	v10 =	vsel vm1, v10, v18;
	(erf) = vpow2.f32 v32  }
0x263: {  	v8 =	vsel vm1, v12, v62;
	(erf) = vpow2.f32 v5;
	v5 =	vmul.f32 $1.442695020e+00, v24  }
0x264: {  	v10 =	vmul.f32 $1.442695020e+00, v10;
	v8 =	vmul.f32 $1.442695020e+00, v8;
	v34, _, _ =	vpop (xrf2)  }
0x265: {  	v63 =	vld [tilespmem:s2+$0x30];
	v11 =	vsel vm1, v11, v24;
	v35 =	vperm.xlane v34, v3;
	(erf) = vpow2.f32 v5  }
0x266: {  	v5 =	vmul.f32 $1.442695020e+00, v11;
	(erf) = vpow2.f32 v10  }
0x267: {  	v37, _, _ =	vpop (xrf2);
	(erf) = vpow2.f32 v8  }
0x268: {  	v36 =	vmul.f32 $1.442695020e+00, v35;
	(erf) = vpow2.f32 v5;
	v5 =	vsel vm1, v15, v35;
	v39, _, _ =	vpop (xrf2)  }
0x269: {  	v5 =	vmul.f32 $1.442695020e+00, v5;
	v40 =	vperm.xlane v39, v3  }
0x26a: {  	v38 =	vld [tilespmem:s2+$0x10];
	v4 =	vadd.f32 v63, v4;
	v10 =	vperm.xlane v37, v3;
	(erf) = vpow2.f32 v36  }
0x26b: {  	(erf) = vpow2.f32 v5;
	v5 =	vmul.f32 $1.442695020e+00, v40  }
0x26c: {  	v4 =	vmul.f32 v48, v4;
	v42 =	vmul.f32 $1.442695020e+00, v10;
	v41, _, _ =	vpop (xrf2)  }
0x26d: {  	[tilespmem:s21+$0x20] =	vst v47;
	v47 =	vpop (erf);
	v12 =	vperm.xlane v41, v3  }
0x26e: {  	[tilespmem:s18+$0x40] =	vst v4;
	v4 =	vmul.f32 v47, v7;
	(erf) = vpow2.f32 v42  }
0x26f: {  	v9 =	vadd.f32 v38, v9;
	(erf) = vpow2.f32 v5;
	v45 =	vmul.f32 $1.442695020e+00, v12;
	v5 =	vpop (erf)  }
0x270: {  	[tilespmem:s21+$0xFFFFFFE0] =	vst v16;
	v48 =	vld [tilespmem:s22+$0x30];
	v50 =	vpop (erf);
	v5 =	vmul.f32 v5, v6  }
0x271: {  	[tilespmem:s18+$0xFFFFFFB0] =	vst v4;
	(erf) = vpow2.f32 v45;
	v4 =	vmul.f32 v50, v9  }
0x272: {  	[tilespmem:s21+$0x10] =	vst v17;
	v43 =	vnsel vm0, $0x0, v26;
	v51 =	vld [tilespmem:s22+$0xFFFFFFD0]  }
0x273: {  	[tilespmem:s21+$0xFFFFFFF0] =	vst v46;
	v44 =	vnsel vm0, $0x0, v25;
	v49 =	vsel vm1, v43, v10;
	v53 =	vpop (erf)  }
0x274: {  	v46 =	vnsel vm0, $0x0, v27;
	v56 =	vld [tilespmem:s22+$0x10];
	v7 =	vmul.f32 $1.442695020e+00, v49;
	v52 =	vsel vm1, v44, v40;
	[tilespmem:s18+$0xFFFFFFE0] =	vst v5;
	v5 =	vpop (erf)  }
0x275: {  	v54 =	vld [tilespmem:s22+$0xFFFFFFF0];
	v57 =	vadd.f32 v48, v31;
	v55 =	vsel vm1, v46, v12;
	v6 =	vmul.f32 $1.442695020e+00, v52;
	[tilespmem:s18+$0x10] =	vst v4;
	v4 =	vpop (erf)  }
0x276: {  	[tilespmem:s21+$0xFFFFFFC0] =	vst v29;
	v9 =	vmul.f32 $1.442695020e+00, v55;
	(erf) = vpow2.f32 v7;
	v58 =	vpop (erf)  }
0x277: {  	v60 =	vadd.f32 v51, v21;
	(erf) = vpow2.f32 v6;
	[tilespmem:s18+$0xFFFFFFF0] =	vst v5;
	v59 =	vpop (erf);
	v5 =	vmul.f32 v58, v57  }
0x278: {  	(erf) = vpow2.f32 v9;
	[tilespmem:s18+$0x20] =	vst v4;
	v4 =	vpop (erf)  }
0x279: {  	[tilespmem:s17+$0x40] =	vst v5;
	v5 =	vadd.f32 v56, v13;
	v4 =	vmul.f32 v4, v60;
	v62 =	vpop (erf)  }
0x27a: {  	[tilespmem:s18+$0x50] =	vst v22;
	v61 =	vadd.f32 v54, v19;
	v63 =	vpop (erf)  }
0x27b: {  	[tilespmem:s17+$0xFFFFFFB0] =	vst v4;
	v4 =	vmul.f32 v63, v5  }
0x27c: {  	[tilespmem:s18+$0xFFFFFFC0] =	vst v53;
	v6 =	vmul.f32 v62, v61  }
0x27d: {  	[tilespmem:s17+$0x50] =	vst v59  }
0x27e: {  	[tilespmem:s17+$0xFFFFFFE0] =	vst v6  }
0x27f: {  	[tilespmem:s17+$0x10] =	vst v4;
	v4 =	vpop (erf)  }
0x280: {  	[tilespmem:s17+$0xFFFFFFC0] =	vst v4;
	v4 =	vpop (erf)  }
0x281: {  	v5 =	vpop (erf);
	[tilespmem:s17+$0xFFFFFFF0] =	vst v4  }
.Ltmp9:
0x282: {  	s29 =	rddreg [dreg:$0x2];
	s30 =	simm.s32 $0x8300;
	[tilespmem:s17+$0x20] =	vst v5;
	(pc) =	sbr.rel .LBB2_16-.Ltmp9, $4  }
0x283: {  	[spmem:s29] =	stream.indirect.scatter.add.f32 [tilespmem:s30], [sflag:$0x9], $0x30, s23, s16, $0xb8;
	[tilespmem:$0x1D900] =	vst v63  }
0x284: {  	_ =	swait.ge [sflag:s12], $0x1800  }
0x285: {  	[sflag:s12] =	ssyncset.done $0x0  }
0x286: {  	[sflag:s12] =	ssyncadd.s32 $0xFFFFE800  }
.LBB2_17:
0x287: {  	s1 =	sadd.s32 $0x0, s4;
	[bflag:$0x0] =	sbarrier.arrive $0xFFFF  }
0x288: {  	p1 =	sgt.u32 s1, $0xC3;
	s2 =	rddreg [dreg:$0x8]  }
0x289: {  	s11 =	rddreg [dreg:$0xe];
	s1 =	sshll.u32 @!p1 s4, $0x6  }
0x28a: {  	s2 =	sshrl.u32 @!p1 s2, $0x3;
	s17 =	simm.s32 @!p1 $0x9;
	s1 =	sor.u32 @!p1 $0x1C09, s1  }
0x28b: {  	[hbm:s11], [sflag:s1] =	dma.local @!p1 [spmem:s2], $0x300  }
0x28c: {  	s18 =	sadd.s32 $0x10, s4;
	s2 =	simm.s32 $0x20;
	_ =	swait.ge @!p1 [sflag:s17], $0x300  }
0x28d: {  	s1 =	sadd.s32 $0x3000, s11;
	[sflag:s17] =	ssyncset.done @!p1 $0x0;
	s11 =	rddreg [dreg:$0x9]  }
.LBB2_18:
0x28e: {  	[sflag:s17] =	ssyncadd.s32 @!p1 $0xFFFFFD00  }
0x28f: {  	p1 =	sgt.u32 s18, $0xC3;
	s18 =	smov.u32 s2;
	s2 =	sadd.s32 $0x10, s2  }
0x290: {  	p2 =	sne.s32 s2, $0xD0  }
.Ltmp10:
0x291: {  	s17 =	sshll.u32 @!p1 s4, $0x6;
	s20 =	sshrl.u32 @!p1 s11, $0x3;
	(pc) =	sbr.rel @p2 .LBB2_18-.Ltmp10, $4  }
0x292: {  	s21 =	sor.u32 @!p1 $0x1C09, s17;
	s17 =	simm.s32 @!p1 $0x9  }
0x293: {  	[hbm:s1], [sflag:s21] =	dma.local @!p1 [spmem:s20], $0x300  }
0x294: {  	s11 =	sadd.s32 $0x18000, s11;
	_ =	swait.ge @!p1 [sflag:s17], $0x300  }
0x295: {  	s18 =	sadd.s32 s18, s4;
	s1 =	sadd.s32 $0x3000, s1;
	[sflag:s17] =	ssyncset.done @!p1 $0x0  }
0x296: {  	p2 =	sgt.u32 s18, $0xC3  }
0x297: {  	[sflag:s17] =	ssyncadd.s32 @!p1 $0xFFFFFD00;
	s2 =	sshll.u32 @!p2 s4, $0x6  }
0x298: {  	s11 =	sshrl.u32 @!p2 s11, $0x3;
	s17 =	simm.s32 @!p2 $0x9;
	s2 =	sor.u32 @!p2 $0x1C09, s2  }
0x299: {  	[hbm:s1], [sflag:s2] =	dma.local @!p2 [spmem:s11], $0x300  }
0x29a: {  	_ =	swait.ge @!p2 [sflag:s17], $0x300  }
0x29b: {  	s29 =	rddreg [dreg:$0x16]  }
0x29c: {  	s30 =	rddreg [dreg:$0x7];
	s2 =	sadd.s32 $0x1, s29  }
0x29d: {  	p1 =	sne.s32 s2, s30  }
.Ltmp11:
0x29e: {  	_ = 	snop;
	(pc) =	sbr.rel @p1 .LBB2_1-.Ltmp11, $3  }
0x29f: {  	_ =	sdelay $0x1  }
0x2a0: {  	[sflag:s17] =	ssyncset.done @!p2 $0x0  }
0x2a1: {  	[sflag:s17] =	ssyncadd.s32 @!p2 $0xFFFFFD00  }
0x2a2: {  	_ =	sfence.sel $0x180000  }
0x2a3: {  	[bflag:$0x0] =	sbarrier.arrive $0xFFFF  }
0x2a4: {  	_ =	strace $0x90000047  }
0x2a5: {  	[bflag:$0x2] =	sbarrier.arrive $0xFFFF  }
0x2a6: {  	p0 =	sne.s32 s4, $0x0;
	s0 =	rddreg [dreg:$0x3]  }
0x2a7: {  	s0 =	sadd.s32 @!p0 $0x100000, s0  }
0x2a8: {  	[sflag:s0] =	ssyncadd.tile.s32 @!p0 $0x1;
	_ =	shalt  }
.Lfunc_end2:
_tile_overlayer_lowered:
.L_overlay_start_2:
0x2a9: {  	(tag) =	ssettag $0x2  }
0x2aa: {  	s0 =	rddreg [dreg:$0x0];
	s2 =	stileid.u32  }
0x2ab: {  	s1 =	rddreg [dreg:$0x1];
	p0 =	sne.s32 s2, $0x0  }
0x2ac: {  	s3 =	rddreg [dreg:$0x2];
	[bflag:$0x3] =	sbarrier.arrive $0xFFFF;
	s2 =	simm.s32 @!p0 $0x1C09  }
0x2ad: {  	[timem:s3], [sflag:s2] =	dma.local @!p0 [hbm:s0], s1  }
0x2ae: {  	s0 =	simm.s32 @!p0 $0x9  }
0x2af: {  	_ =	swait.ge @!p0 [sflag:s0], s1  }
0x2b0: {  	s1 =	ssub.s32 @!p0 $0x0, s1;
	[sflag:s0] =	ssyncset.done @!p0 $0x0  }
0x2b1: {  	[sflag:s0] =	ssyncadd.s32 @!p0 s1  }
0x2b2: {  	[bflag:$0x3] =	sbarrier.arrive $0xFFFF  }
0x2b3: {  	_ =	shalt  }

</sc_bundles>
